<compile_context>
chip_gen: v7x
topology: tpu7x:2x2x1
jax: 0.10.2.dev20260603
libtpu: 0.0.44.dev20260713+nightly
codegen_flags: <defaults>
</compile_context>

<pallas_src>
import functools

import jax
import jax.numpy as jnp
from jax import lax
from jax.experimental import pallas as pl
from jax.experimental.pallas import tpu as pltpu
from jax.experimental.pallas import tpu_sc as plsc

_LANES = 16
_NUM_WORKERS = 32
_ROWS = 8
_T_CHUNK = 4096


def _make_resample(b: int, c: int, t: int):
    o_chunk = _T_CHUNK // 2
    strips_total = (b * c) // _ROWS
    strips_per_w = strips_total // _NUM_WORKERS
    chunks_per_strip = t // _T_CHUNK
    chunks = strips_per_w * chunks_per_strip
    assert strips_per_w * _NUM_WORKERS == strips_total
    assert chunks_per_strip * _T_CHUNK == t and chunks % 2 == 0
    strips_per_batch = c // _ROWS

    mesh = plsc.VectorSubcoreMesh(core_axis_name="c", subcore_axis_name="s")

    @functools.partial(
        pl.kernel,
        mesh=mesh,
        compiler_params=pltpu.CompilerParams(needs_layout_passes=False),
        out_type=jax.ShapeDtypeStruct((b, c, t // 2), jnp.float32),
        scratch_types=[
            pltpu.VMEM((_ROWS, _T_CHUNK), jnp.float32),
            pltpu.VMEM((_ROWS, _T_CHUNK), jnp.float32),
            pltpu.VMEM((_ROWS, o_chunk), jnp.float32),
            pltpu.VMEM((_ROWS, o_chunk), jnp.float32),
            pltpu.SemaphoreType.DMA,
            pltpu.SemaphoreType.DMA,
            pltpu.SemaphoreType.DMA,
            pltpu.SemaphoreType.DMA,
        ],
    )
    def resample(x_hbm, out_hbm, in0, in1, out0, out1,
                 in_sem0, in_sem1, out_sem0, out_sem1):
        wid = lax.axis_index("s") * 2 + lax.axis_index("c")
        strip0 = wid * strips_per_w
        in_bufs = (in0, in1)
        out_bufs = (out0, out1)
        in_sems = (in_sem0, in_sem1)
        out_sems = (out_sem0, out_sem1)
        even = lax.iota(jnp.int32, _LANES) * 2

        def in_copy(i, bf):
            strip = strip0 + i // chunks_per_strip
            t0 = (i % chunks_per_strip) * _T_CHUNK
            src = x_hbm.at[strip // strips_per_batch,
                           pl.ds((strip % strips_per_batch) * _ROWS, _ROWS),
                           pl.ds(t0, _T_CHUNK)]
            return pltpu.make_async_copy(src, in_bufs[bf], in_sems[bf])

        def out_copy(i, bf):
            strip = strip0 + i // chunks_per_strip
            t0 = (i % chunks_per_strip) * o_chunk
            dst = out_hbm.at[strip // strips_per_batch,
                             pl.ds((strip % strips_per_batch) * _ROWS, _ROWS),
                             pl.ds(t0, o_chunk)]
            return pltpu.make_async_copy(out_bufs[bf], dst, out_sems[bf])

        in_copy(0, 0).start()
        in_copy(1, 1).start()

        def outer(g, carry):
            for bf in range(2):
                i = g + bf
                in_copy(i, bf).wait()

                @pl.when(i >= 2)
                def _():
                    out_copy(i, bf).wait()

                for r in range(_ROWS):
                    row = jnp.full((_LANES,), r, jnp.int32)

                    def inner(j, row=row, bf=bf, r=r):
                        ev = plsc.load_gather(
                            in_bufs[bf], [row, j * 32 + even])
                        out_bufs[bf][r, pl.ds(j * _LANES, _LANES)] = ev

                    plsc.parallel_loop(
                        0, o_chunk // _LANES, 1, unroll=8)(inner)

                @pl.when(i + 2 < chunks)
                def _():
                    in_copy(i + 2, bf).start()

                out_copy(i, bf).start()
            return carry

        lax.fori_loop(0, chunks // 2, lambda g2, cr: outer(g2 * 2, cr), 0)
        out_copy(chunks - 2, 0).wait()
        out_copy(chunks - 1, 1).wait()

    return resample


def kernel(x):
    b, c, t = x.shape
    fn = _make_resample(b, c, t)
    return fn(x)

# --- scband reference (transcript-rebuilt; emitter-appended) ---
"""Pipeline reference for scband-resample-nearest-rates-28398323761739 (READ-ONLY COPY).

The authoritative reference and input builder live on the scoring server;
editing this copy changes nothing except your own understanding.
"""

import jax, jax.numpy as jnp
import numpy as np

RATE = 0.5
DIM = -1

def setup_inputs(seed: int = 0) -> dict:
    key = jax.random.key(seed)
    x = jax.random.normal(key, (8, 128, 32768), dtype=jnp.float32)
    return {"x": x}

def reference(x):
    # resample_nearest_rates: step = 1/rate; indexes = round_fn(arange(0, length, step));
    # clamp to valid range; index_select along dim. round_fn = floor (default).
    dim = DIM % x.ndim
    length = x.shape[dim]
    step = 1.0 / RATE
    idx = jnp.arange(0.0, float(length), step)
    idx = jnp.floor(idx).astype(jnp.int32)
    idx = jnp.clip(idx, 0, length - 1)
    return jnp.take(x, idx, axis=dim)

if __name__ == "__main__":
    import jax
    _d = setup_inputs()
    print(jax.jit(kernel)(*tuple(_d.values())))

</pallas_src>

<mosaic_0001>
#map = affine_map<(d0, d1) -> (0, 0, 0)>
module attributes {stable_mosaic.version = 14 : i64} {
  func.func @resample(%arg0: i32, %arg1: i32, %arg2: memref<8x128x32768xf32, #tpu.memory_space<hbm>>, %arg3: memref<8x128x16384xf32, #tpu.memory_space<hbm>>, %arg4: memref<8x4096xf32, #tpu.memory_space<vmem>>, %arg5: memref<8x4096xf32, #tpu.memory_space<vmem>>, %arg6: memref<8x2048xf32, #tpu.memory_space<vmem>>, %arg7: memref<8x2048xf32, #tpu.memory_space<vmem>>, %arg8: memref<!tpu.dma_semaphore, #tpu.memory_space<semaphore_mem>>, %arg9: memref<!tpu.dma_semaphore, #tpu.memory_space<semaphore_mem>>, %arg10: memref<!tpu.dma_semaphore, #tpu.memory_space<semaphore_mem>>, %arg11: memref<!tpu.dma_semaphore, #tpu.memory_space<semaphore_mem>>) attributes {dimension_semantics = [#tpu.dimension_semantics<core_parallel>, #tpu.dimension_semantics<subcore_parallel>], iteration_bounds = array<i64: 2, 16>, scalar_prefetch = 0 : i64, scratch_operands = 8 : i64, tpu.core_type = #tpu.core_type<sc_vector_subcore>, window_params = [{transform_indices = #map}, {transform_indices = #map}]} {
    %mul3A = arith.constant 2 : i32
    %mul3A_0 = arith.muli %arg1, %mul3A : i32
    %add3A = arith.addi %mul3A_0, %arg0 : i32
    %mul3A_1 = arith.constant 4 : i32
    %mul3A_2 = arith.muli %add3A, %mul3A_1 : i32
    %iota3A = tpu.iota {dimensions = array<i32: 0>} : vector<16xi32>
    %mul3A_3 = arith.constant 2 : i32
    %mul3A_4 = vector.broadcast %mul3A_3 : i32 to vector<16xi32>
    %mul3A_5 = arith.muli %iota3A, %mul3A_4 : vector<16xi32>
    %add3A_6 = arith.constant 0 : i32
    %add3A_7 = arith.addi %mul3A_2, %add3A_6 : i32
    %jit3A = arith.constant 16 : i32
    %div3A = arith.divsi %add3A_7, %jit3A : i32
    %sign3A = arith.constant 0 : i32
    %sign3A_8 = arith.cmpi sgt, %add3A_7, %sign3A : i32
    %sign3A_9 = arith.extui %sign3A_8 : i1 to i32
    %sign3A_10 = arith.constant 0 : i32
    %sign3A_11 = arith.cmpi slt, %add3A_7, %sign3A_10 : i32
    %sign3A_12 = arith.extui %sign3A_11 : i1 to i32
    %sign3A_13 = arith.subi %sign3A_9, %sign3A_12 : i32
    %sign3A_14 = arith.constant 0 : i32
    %sign3A_15 = arith.cmpi sgt, %jit3A, %sign3A_14 : i32
    %sign3A_16 = arith.extui %sign3A_15 : i1 to i32
    %sign3A_17 = arith.constant 0 : i32
    %sign3A_18 = arith.cmpi slt, %jit3A, %sign3A_17 : i32
    %sign3A_19 = arith.extui %sign3A_18 : i1 to i32
    %sign3A_20 = arith.subi %sign3A_16, %sign3A_19 : i32
    %ne3A = arith.cmpi ne, %sign3A_13, %sign3A_20 : i32
    %rem3A = arith.remsi %add3A_7, %jit3A : i32
    %ne3A_21 = arith.constant 0 : i32
    %ne3A_22 = arith.cmpi ne, %rem3A, %ne3A_21 : i32
    %and3A = arith.andi %ne3A, %ne3A_22 : i1
    %sub3A = arith.constant 1 : i32
    %sub3A_23 = arith.subi %div3A, %sub3A : i32
    %select_n3A = arith.select %and3A, %sub3A_23, %div3A : i32
    %jit3A_24 = arith.constant 16 : i32
    %eq3A = arith.constant 0 : i32
    %eq3A_25 = arith.cmpi eq, %jit3A_24, %eq3A : i32
    %jit3A_26 = arith.constant 1 : i32
    %select_n3A_27 = arith.select %eq3A_25, %jit3A_26, %jit3A_24 : i32
    %rem3A_28 = arith.remsi %add3A_7, %select_n3A_27 : i32
    %ne3A_29 = arith.constant 0 : i32
    %ne3A_30 = arith.cmpi ne, %rem3A_28, %ne3A_29 : i32
    %lt3A = arith.constant 0 : i32
    %lt3A_31 = arith.cmpi slt, %rem3A_28, %lt3A : i32
    %lt3A_32 = arith.constant 0 : i32
    %lt3A_33 = arith.cmpi slt, %select_n3A_27, %lt3A_32 : i32
    %ne3A_34 = arith.xori %lt3A_31, %lt3A_33 : i1
    %and3A_35 = arith.andi %ne3A_34, %ne3A_30 : i1
    %add3A_36 = arith.addi %rem3A_28, %select_n3A_27 : i32
    %select_n3A_37 = arith.select %and3A_35, %add3A_36, %rem3A_28 : i32
    %mul3A_38 = arith.constant 8 : i32
    %mul3A_39 = arith.muli %select_n3A_37, %mul3A_38 : i32
    %dma_start3A = arith.constant 0 : i32
    %dma_start3A_40 = tpu.memref_slice %arg2[%select_n3A, %mul3A_39, %dma_start3A] : memref<8x128x32768xf32, #tpu.memory_space<hbm>> -> memref<1x8x4096xf32, #tpu.memory_space<hbm>>
    %dma_start3A_41 = tpu.memref_squeeze %dma_start3A_40 : memref<1x8x4096xf32, #tpu.memory_space<hbm>> -> memref<8x4096xf32, #tpu.memory_space<hbm>>
    %dma_start3A_42 = arith.constant 0 : i32
    %dma_start3A_43 = tpu.memref_slice %arg2[%select_n3A, %mul3A_39, %dma_start3A_42] : memref<8x128x32768xf32, #tpu.memory_space<hbm>> -> memref<1x8x4096xf32, #tpu.memory_space<hbm>>
    %dma_start3A_44 = tpu.memref_squeeze %dma_start3A_43 : memref<1x8x4096xf32, #tpu.memory_space<hbm>> -> memref<8x4096xf32, #tpu.memory_space<hbm>>
    tpu.enqueue_dma source(%dma_start3A_44 : memref<8x4096xf32, #tpu.memory_space<hbm>>) target(%arg4 : memref<8x4096xf32, #tpu.memory_space<vmem>>) target_semaphore(%arg8 : memref<!tpu.dma_semaphore, #tpu.memory_space<semaphore_mem>>)
    %add3A_45 = arith.constant 0 : i32
    %add3A_46 = arith.addi %mul3A_2, %add3A_45 : i32
    %jit3A_47 = arith.constant 16 : i32
    %div3A_48 = arith.divsi %add3A_46, %jit3A_47 : i32
    %sign3A_49 = arith.constant 0 : i32
    %sign3A_50 = arith.cmpi sgt, %add3A_46, %sign3A_49 : i32
    %sign3A_51 = arith.extui %sign3A_50 : i1 to i32
    %sign3A_52 = arith.constant 0 : i32
    %sign3A_53 = arith.cmpi slt, %add3A_46, %sign3A_52 : i32
    %sign3A_54 = arith.extui %sign3A_53 : i1 to i32
    %sign3A_55 = arith.subi %sign3A_51, %sign3A_54 : i32
    %sign3A_56 = arith.constant 0 : i32
    %sign3A_57 = arith.cmpi sgt, %jit3A_47, %sign3A_56 : i32
    %sign3A_58 = arith.extui %sign3A_57 : i1 to i32
    %sign3A_59 = arith.constant 0 : i32
    %sign3A_60 = arith.cmpi slt, %jit3A_47, %sign3A_59 : i32
    %sign3A_61 = arith.extui %sign3A_60 : i1 to i32
    %sign3A_62 = arith.subi %sign3A_58, %sign3A_61 : i32
    %ne3A_63 = arith.cmpi ne, %sign3A_55, %sign3A_62 : i32
    %rem3A_64 = arith.remsi %add3A_46, %jit3A_47 : i32
    %ne3A_65 = arith.constant 0 : i32
    %ne3A_66 = arith.cmpi ne, %rem3A_64, %ne3A_65 : i32
    %and3A_67 = arith.andi %ne3A_63, %ne3A_66 : i1
    %sub3A_68 = arith.constant 1 : i32
    %sub3A_69 = arith.subi %div3A_48, %sub3A_68 : i32
    %select_n3A_70 = arith.select %and3A_67, %sub3A_69, %div3A_48 : i32
    %jit3A_71 = arith.constant 16 : i32
    %eq3A_72 = arith.constant 0 : i32
    %eq3A_73 = arith.cmpi eq, %jit3A_71, %eq3A_72 : i32
    %jit3A_74 = arith.constant 1 : i32
    %select_n3A_75 = arith.select %eq3A_73, %jit3A_74, %jit3A_71 : i32
    %rem3A_76 = arith.remsi %add3A_46, %select_n3A_75 : i32
    %ne3A_77 = arith.constant 0 : i32
    %ne3A_78 = arith.cmpi ne, %rem3A_76, %ne3A_77 : i32
    %lt3A_79 = arith.constant 0 : i32
    %lt3A_80 = arith.cmpi slt, %rem3A_76, %lt3A_79 : i32
    %lt3A_81 = arith.constant 0 : i32
    %lt3A_82 = arith.cmpi slt, %select_n3A_75, %lt3A_81 : i32
    %ne3A_83 = arith.xori %lt3A_80, %lt3A_82 : i1
    %and3A_84 = arith.andi %ne3A_83, %ne3A_78 : i1
    %add3A_85 = arith.addi %rem3A_76, %select_n3A_75 : i32
    %select_n3A_86 = arith.select %and3A_84, %add3A_85, %rem3A_76 : i32
    %mul3A_87 = arith.constant 8 : i32
    %mul3A_88 = arith.muli %select_n3A_86, %mul3A_87 : i32
    %dma_start3A_89 = arith.constant 4096 : i32
    %dma_start3A_90 = tpu.memref_slice %arg2[%select_n3A_70, %mul3A_88, %dma_start3A_89] : memref<8x128x32768xf32, #tpu.memory_space<hbm>> -> memref<1x8x4096xf32, #tpu.memory_space<hbm>>
    %dma_start3A_91 = tpu.memref_squeeze %dma_start3A_90 : memref<1x8x4096xf32, #tpu.memory_space<hbm>> -> memref<8x4096xf32, #tpu.memory_space<hbm>>
    %dma_start3A_92 = arith.constant 4096 : i32
    %dma_start3A_93 = tpu.memref_slice %arg2[%select_n3A_70, %mul3A_88, %dma_start3A_92] : memref<8x128x32768xf32, #tpu.memory_space<hbm>> -> memref<1x8x4096xf32, #tpu.memory_space<hbm>>
    %dma_start3A_94 = tpu.memref_squeeze %dma_start3A_93 : memref<1x8x4096xf32, #tpu.memory_space<hbm>> -> memref<8x4096xf32, #tpu.memory_space<hbm>>
    tpu.enqueue_dma source(%dma_start3A_94 : memref<8x4096xf32, #tpu.memory_space<hbm>>) target(%arg5 : memref<8x4096xf32, #tpu.memory_space<vmem>>) target_semaphore(%arg9 : memref<!tpu.dma_semaphore, #tpu.memory_space<semaphore_mem>>)
    %scan3A = arith.constant 0 : i32
    %scan3A_95 = arith.constant 0 : i32
    %scan3A_96 = arith.constant 16 : i32
    %scan3A_97 = arith.addi %scan3A_95, %scan3A_96 : i32
    %scan3A_98 = arith.constant 1 : i32
    scf.for %scan3A_199 = %scan3A_95 to %scan3A_97 step %scan3A_98  : i32 {
      %mul3A_200 = arith.constant 2 : i32
      %mul3A_201 = arith.muli %scan3A_199, %mul3A_200 : i32
      %add3A_202 = arith.constant 0 : i32
      %add3A_203 = arith.addi %mul3A_201, %add3A_202 : i32
      %jit3A_204 = arith.constant 8 : i32
      %div3A_205 = arith.divsi %add3A_203, %jit3A_204 : i32
      %sign3A_206 = arith.constant 0 : i32
      %sign3A_207 = arith.cmpi sgt, %add3A_203, %sign3A_206 : i32
      %sign3A_208 = arith.extui %sign3A_207 : i1 to i32
      %sign3A_209 = arith.constant 0 : i32
      %sign3A_210 = arith.cmpi slt, %add3A_203, %sign3A_209 : i32
      %sign3A_211 = arith.extui %sign3A_210 : i1 to i32
      %sign3A_212 = arith.subi %sign3A_208, %sign3A_211 : i32
      %sign3A_213 = arith.constant 0 : i32
      %sign3A_214 = arith.cmpi sgt, %jit3A_204, %sign3A_213 : i32
      %sign3A_215 = arith.extui %sign3A_214 : i1 to i32
      %sign3A_216 = arith.constant 0 : i32
      %sign3A_217 = arith.cmpi slt, %jit3A_204, %sign3A_216 : i32
      %sign3A_218 = arith.extui %sign3A_217 : i1 to i32
      %sign3A_219 = arith.subi %sign3A_215, %sign3A_218 : i32
      %ne3A_220 = arith.cmpi ne, %sign3A_212, %sign3A_219 : i32
      %rem3A_221 = arith.remsi %add3A_203, %jit3A_204 : i32
      %ne3A_222 = arith.constant 0 : i32
      %ne3A_223 = arith.cmpi ne, %rem3A_221, %ne3A_222 : i32
      %and3A_224 = arith.andi %ne3A_220, %ne3A_223 : i1
      %sub3A_225 = arith.constant 1 : i32
      %sub3A_226 = arith.subi %div3A_205, %sub3A_225 : i32
      %select_n3A_227 = arith.select %and3A_224, %sub3A_226, %div3A_205 : i32
      %add3A_228 = arith.addi %mul3A_2, %select_n3A_227 : i32
      %jit3A_229 = arith.constant 8 : i32
      %eq3A_230 = arith.constant 0 : i32
      %eq3A_231 = arith.cmpi eq, %jit3A_229, %eq3A_230 : i32
      %jit3A_232 = arith.constant 1 : i32
      %select_n3A_233 = arith.select %eq3A_231, %jit3A_232, %jit3A_229 : i32
      %rem3A_234 = arith.remsi %add3A_203, %select_n3A_233 : i32
      %ne3A_235 = arith.constant 0 : i32
      %ne3A_236 = arith.cmpi ne, %rem3A_234, %ne3A_235 : i32
      %lt3A_237 = arith.constant 0 : i32
      %lt3A_238 = arith.cmpi slt, %rem3A_234, %lt3A_237 : i32
      %lt3A_239 = arith.constant 0 : i32
      %lt3A_240 = arith.cmpi slt, %select_n3A_233, %lt3A_239 : i32
      %ne3A_241 = arith.xori %lt3A_238, %lt3A_240 : i1
      %and3A_242 = arith.andi %ne3A_241, %ne3A_236 : i1
      %add3A_243 = arith.addi %rem3A_234, %select_n3A_233 : i32
      %select_n3A_244 = arith.select %and3A_242, %add3A_243, %rem3A_234 : i32
      %mul3A_245 = arith.constant 4096 : i32
      %mul3A_246 = arith.muli %select_n3A_244, %mul3A_245 : i32
      %jit3A_247 = arith.constant 16 : i32
      %div3A_248 = arith.divsi %add3A_228, %jit3A_247 : i32
      %sign3A_249 = arith.constant 0 : i32
      %sign3A_250 = arith.cmpi sgt, %add3A_228, %sign3A_249 : i32
      %sign3A_251 = arith.extui %sign3A_250 : i1 to i32
      %sign3A_252 = arith.constant 0 : i32
      %sign3A_253 = arith.cmpi slt, %add3A_228, %sign3A_252 : i32
      %sign3A_254 = arith.extui %sign3A_253 : i1 to i32
      %sign3A_255 = arith.subi %sign3A_251, %sign3A_254 : i32
      %sign3A_256 = arith.constant 0 : i32
      %sign3A_257 = arith.cmpi sgt, %jit3A_247, %sign3A_256 : i32
      %sign3A_258 = arith.extui %sign3A_257 : i1 to i32
      %sign3A_259 = arith.constant 0 : i32
      %sign3A_260 = arith.cmpi slt, %jit3A_247, %sign3A_259 : i32
      %sign3A_261 = arith.extui %sign3A_260 : i1 to i32
      %sign3A_262 = arith.subi %sign3A_258, %sign3A_261 : i32
      %ne3A_263 = arith.cmpi ne, %sign3A_255, %sign3A_262 : i32
      %rem3A_264 = arith.remsi %add3A_228, %jit3A_247 : i32
      %ne3A_265 = arith.constant 0 : i32
      %ne3A_266 = arith.cmpi ne, %rem3A_264, %ne3A_265 : i32
      %and3A_267 = arith.andi %ne3A_263, %ne3A_266 : i1
      %sub3A_268 = arith.constant 1 : i32
      %sub3A_269 = arith.subi %div3A_248, %sub3A_268 : i32
      %select_n3A_270 = arith.select %and3A_267, %sub3A_269, %div3A_248 : i32
      %jit3A_271 = arith.constant 16 : i32
      %eq3A_272 = arith.constant 0 : i32
      %eq3A_273 = arith.cmpi eq, %jit3A_271, %eq3A_272 : i32
      %jit3A_274 = arith.constant 1 : i32
      %select_n3A_275 = arith.select %eq3A_273, %jit3A_274, %jit3A_271 : i32
      %rem3A_276 = arith.remsi %add3A_228, %select_n3A_275 : i32
      %ne3A_277 = arith.constant 0 : i32
      %ne3A_278 = arith.cmpi ne, %rem3A_276, %ne3A_277 : i32
      %lt3A_279 = arith.constant 0 : i32
      %lt3A_280 = arith.cmpi slt, %rem3A_276, %lt3A_279 : i32
      %lt3A_281 = arith.constant 0 : i32
      %lt3A_282 = arith.cmpi slt, %select_n3A_275, %lt3A_281 : i32
      %ne3A_283 = arith.xori %lt3A_280, %lt3A_282 : i1
      %and3A_284 = arith.andi %ne3A_283, %ne3A_278 : i1
      %add3A_285 = arith.addi %rem3A_276, %select_n3A_275 : i32
      %select_n3A_286 = arith.select %and3A_284, %add3A_285, %rem3A_276 : i32
      %mul3A_287 = arith.constant 8 : i32
      %mul3A_288 = arith.muli %select_n3A_286, %mul3A_287 : i32
      %dma_wait3A_289 = tpu.memref_slice %arg2[%select_n3A_270, %mul3A_288, %mul3A_246] : memref<8x128x32768xf32, #tpu.memory_space<hbm>> -> memref<1x8x4096xf32, #tpu.memory_space<hbm>>
      %dma_wait3A_290 = tpu.memref_squeeze %dma_wait3A_289 : memref<1x8x4096xf32, #tpu.memory_space<hbm>> -> memref<8x4096xf32, #tpu.memory_space<hbm>>
      %dma_wait3A_291 = tpu.memref_slice %arg2[%select_n3A_270, %mul3A_288, %mul3A_246] : memref<8x128x32768xf32, #tpu.memory_space<hbm>> -> memref<1x8x4096xf32, #tpu.memory_space<hbm>>
      %dma_wait3A_292 = tpu.memref_squeeze %dma_wait3A_291 : memref<1x8x4096xf32, #tpu.memory_space<hbm>> -> memref<8x4096xf32, #tpu.memory_space<hbm>>
      tpu.wait_dma2 semaphore(%arg8 : memref<!tpu.dma_semaphore, #tpu.memory_space<semaphore_mem>>) src(%dma_wait3A_292 : memref<8x4096xf32, #tpu.memory_space<hbm>>) dst(%arg4 : memref<8x4096xf32, #tpu.memory_space<vmem>>)
      %ge3A = arith.constant 2 : i32
      %ge3A_293 = arith.cmpi sge, %add3A_203, %ge3A : i32
      %convert_element_type3A = arith.extui %ge3A_293 : i1 to i32
      %cond3A = arith.constant 0 : i32
      %cond3A_294 = arith.cmpi ne, %convert_element_type3A, %cond3A : i32
      scf.if %cond3A_294 {
        %jit3A_661 = arith.constant 8 : i32
        %div3A_662 = arith.divsi %add3A_203, %jit3A_661 : i32
        %sign3A_663 = arith.constant 0 : i32
        %sign3A_664 = arith.cmpi sgt, %add3A_203, %sign3A_663 : i32
        %sign3A_665 = arith.extui %sign3A_664 : i1 to i32
        %sign3A_666 = arith.constant 0 : i32
        %sign3A_667 = arith.cmpi slt, %add3A_203, %sign3A_666 : i32
        %sign3A_668 = arith.extui %sign3A_667 : i1 to i32
        %sign3A_669 = arith.subi %sign3A_665, %sign3A_668 : i32
        %sign3A_670 = arith.constant 0 : i32
        %sign3A_671 = arith.cmpi sgt, %jit3A_661, %sign3A_670 : i32
        %sign3A_672 = arith.extui %sign3A_671 : i1 to i32
        %sign3A_673 = arith.constant 0 : i32
        %sign3A_674 = arith.cmpi slt, %jit3A_661, %sign3A_673 : i32
        %sign3A_675 = arith.extui %sign3A_674 : i1 to i32
        %sign3A_676 = arith.subi %sign3A_672, %sign3A_675 : i32
        %ne3A_677 = arith.cmpi ne, %sign3A_669, %sign3A_676 : i32
        %rem3A_678 = arith.remsi %add3A_203, %jit3A_661 : i32
        %ne3A_679 = arith.constant 0 : i32
        %ne3A_680 = arith.cmpi ne, %rem3A_678, %ne3A_679 : i32
        %and3A_681 = arith.andi %ne3A_677, %ne3A_680 : i1
        %sub3A_682 = arith.constant 1 : i32
        %sub3A_683 = arith.subi %div3A_662, %sub3A_682 : i32
        %select_n3A_684 = arith.select %and3A_681, %sub3A_683, %div3A_662 : i32
        %add3A_685 = arith.addi %mul3A_2, %select_n3A_684 : i32
        %jit3A_686 = arith.constant 8 : i32
        %eq3A_687 = arith.constant 0 : i32
        %eq3A_688 = arith.cmpi eq, %jit3A_686, %eq3A_687 : i32
        %jit3A_689 = arith.constant 1 : i32
        %select_n3A_690 = arith.select %eq3A_688, %jit3A_689, %jit3A_686 : i32
        %rem3A_691 = arith.remsi %add3A_203, %select_n3A_690 : i32
        %ne3A_692 = arith.constant 0 : i32
        %ne3A_693 = arith.cmpi ne, %rem3A_691, %ne3A_692 : i32
        %lt3A_694 = arith.constant 0 : i32
        %lt3A_695 = arith.cmpi slt, %rem3A_691, %lt3A_694 : i32
        %lt3A_696 = arith.constant 0 : i32
        %lt3A_697 = arith.cmpi slt, %select_n3A_690, %lt3A_696 : i32
        %ne3A_698 = arith.xori %lt3A_695, %lt3A_697 : i1
        %and3A_699 = arith.andi %ne3A_698, %ne3A_693 : i1
        %add3A_700 = arith.addi %rem3A_691, %select_n3A_690 : i32
        %select_n3A_701 = arith.select %and3A_699, %add3A_700, %rem3A_691 : i32
        %mul3A_702 = arith.constant 2048 : i32
        %mul3A_703 = arith.muli %select_n3A_701, %mul3A_702 : i32
        %jit3A_704 = arith.constant 16 : i32
        %div3A_705 = arith.divsi %add3A_685, %jit3A_704 : i32
        %sign3A_706 = arith.constant 0 : i32
        %sign3A_707 = arith.cmpi sgt, %add3A_685, %sign3A_706 : i32
        %sign3A_708 = arith.extui %sign3A_707 : i1 to i32
        %sign3A_709 = arith.constant 0 : i32
        %sign3A_710 = arith.cmpi slt, %add3A_685, %sign3A_709 : i32
        %sign3A_711 = arith.extui %sign3A_710 : i1 to i32
        %sign3A_712 = arith.subi %sign3A_708, %sign3A_711 : i32
        %sign3A_713 = arith.constant 0 : i32
        %sign3A_714 = arith.cmpi sgt, %jit3A_704, %sign3A_713 : i32
        %sign3A_715 = arith.extui %sign3A_714 : i1 to i32
        %sign3A_716 = arith.constant 0 : i32
        %sign3A_717 = arith.cmpi slt, %jit3A_704, %sign3A_716 : i32
        %sign3A_718 = arith.extui %sign3A_717 : i1 to i32
        %sign3A_719 = arith.subi %sign3A_715, %sign3A_718 : i32
        %ne3A_720 = arith.cmpi ne, %sign3A_712, %sign3A_719 : i32
        %rem3A_721 = arith.remsi %add3A_685, %jit3A_704 : i32
        %ne3A_722 = arith.constant 0 : i32
        %ne3A_723 = arith.cmpi ne, %rem3A_721, %ne3A_722 : i32
        %and3A_724 = arith.andi %ne3A_720, %ne3A_723 : i1
        %sub3A_725 = arith.constant 1 : i32
        %sub3A_726 = arith.subi %div3A_705, %sub3A_725 : i32
        %select_n3A_727 = arith.select %and3A_724, %sub3A_726, %div3A_705 : i32
        %jit3A_728 = arith.constant 16 : i32
        %eq3A_729 = arith.constant 0 : i32
        %eq3A_730 = arith.cmpi eq, %jit3A_728, %eq3A_729 : i32
        %jit3A_731 = arith.constant 1 : i32
        %select_n3A_732 = arith.select %eq3A_730, %jit3A_731, %jit3A_728 : i32
        %rem3A_733 = arith.remsi %add3A_685, %select_n3A_732 : i32
        %ne3A_734 = arith.constant 0 : i32
        %ne3A_735 = arith.cmpi ne, %rem3A_733, %ne3A_734 : i32
        %lt3A_736 = arith.constant 0 : i32
        %lt3A_737 = arith.cmpi slt, %rem3A_733, %lt3A_736 : i32
        %lt3A_738 = arith.constant 0 : i32
        %lt3A_739 = arith.cmpi slt, %select_n3A_732, %lt3A_738 : i32
        %ne3A_740 = arith.xori %lt3A_737, %lt3A_739 : i1
        %and3A_741 = arith.andi %ne3A_740, %ne3A_735 : i1
        %add3A_742 = arith.addi %rem3A_733, %select_n3A_732 : i32
        %select_n3A_743 = arith.select %and3A_741, %add3A_742, %rem3A_733 : i32
        %mul3A_744 = arith.constant 8 : i32
        %mul3A_745 = arith.muli %select_n3A_743, %mul3A_744 : i32
        %dma_wait3A_746 = tpu.memref_slice %arg3[%select_n3A_727, %mul3A_745, %mul3A_703] : memref<8x128x16384xf32, #tpu.memory_space<hbm>> -> memref<1x8x2048xf32, #tpu.memory_space<hbm>>
        %dma_wait3A_747 = tpu.memref_squeeze %dma_wait3A_746 : memref<1x8x2048xf32, #tpu.memory_space<hbm>> -> memref<8x2048xf32, #tpu.memory_space<hbm>>
        %dma_wait3A_748 = tpu.memref_slice %arg3[%select_n3A_727, %mul3A_745, %mul3A_703] : memref<8x128x16384xf32, #tpu.memory_space<hbm>> -> memref<1x8x2048xf32, #tpu.memory_space<hbm>>
        %dma_wait3A_749 = tpu.memref_squeeze %dma_wait3A_748 : memref<1x8x2048xf32, #tpu.memory_space<hbm>> -> memref<8x2048xf32, #tpu.memory_space<hbm>>
        tpu.wait_dma2 semaphore(%arg10 : memref<!tpu.dma_semaphore, #tpu.memory_space<semaphore_mem>>) src(%arg6 : memref<8x2048xf32, #tpu.memory_space<vmem>>) dst(%dma_wait3A_749 : memref<8x2048xf32, #tpu.memory_space<hbm>>)
      } else {
      }
      %broadcast_in_dim3A = arith.constant 0 : i32
      %broadcast_in_dim3A_295 = vector.broadcast %broadcast_in_dim3A : i32 to vector<16xi32>
      %parallel_loop3A = arith.constant 0 : i32
      %parallel_loop3A_296 = arith.constant 128 : i32
      %parallel_loop3A_297 = arith.constant 1 : i32
      scf.for %parallel_loop3A_661 = %parallel_loop3A to %parallel_loop3A_296 step %parallel_loop3A_297  : i32 {
        %parallel_loop3A_662 = arith.constant 32 : i32
        %parallel_loop3A_663 = arith.muli %parallel_loop3A_661, %parallel_loop3A_662 : i32
        %parallel_loop3A_664 = vector.broadcast %parallel_loop3A_663 : i32 to vector<16xi32>
        %parallel_loop3A_665 = arith.addi %parallel_loop3A_664, %mul3A_5 : vector<16xi32>
        %parallel_loop3A_666 = tpu.vector_load_idx %arg4[%broadcast_in_dim3A_295, %parallel_loop3A_665] : memref<8x4096xf32, #tpu.memory_space<vmem>>[vector<16xi32>, vector<16xi32>], vector<16xf32>,
        %parallel_loop3A_667 = arith.constant 16 : i32
        %parallel_loop3A_668 = arith.muli %parallel_loop3A_661, %parallel_loop3A_667 : i32
        %parallel_loop3A_669 = arith.constant 0 : i32
        %parallel_loop3A_670 = arith.index_cast %parallel_loop3A_669 : i32 to index
        %parallel_loop3A_671 = arith.index_cast %parallel_loop3A_668 : i32 to index
        %parallel_loop3A_672 = tpu.vector_load %arg6[%parallel_loop3A_670, %parallel_loop3A_671] {strides = array<i32>} : memref<8x2048xf32, #tpu.memory_space<vmem>>, vector<16xf32>,
        tpu.vector_store %arg6[%parallel_loop3A_670, %parallel_loop3A_671], %parallel_loop3A_666 {strides = array<i32>} : memref<8x2048xf32, #tpu.memory_space<vmem>>, vector<16xf32>,
      } {sc.loop_unroll_factor = 8 : i64, sc.parallel_access}
      %broadcast_in_dim3A_298 = arith.constant 1 : i32
      %broadcast_in_dim3A_299 = vector.broadcast %broadcast_in_dim3A_298 : i32 to vector<16xi32>
      %parallel_loop3A_300 = arith.constant 0 : i32
      %parallel_loop3A_301 = arith.constant 128 : i32
      %parallel_loop3A_302 = arith.constant 1 : i32
      scf.for %parallel_loop3A_661 = %parallel_loop3A_300 to %parallel_loop3A_301 step %parallel_loop3A_302  : i32 {
        %parallel_loop3A_662 = arith.constant 32 : i32
        %parallel_loop3A_663 = arith.muli %parallel_loop3A_661, %parallel_loop3A_662 : i32
        %parallel_loop3A_664 = vector.broadcast %parallel_loop3A_663 : i32 to vector<16xi32>
        %parallel_loop3A_665 = arith.addi %parallel_loop3A_664, %mul3A_5 : vector<16xi32>
        %parallel_loop3A_666 = tpu.vector_load_idx %arg4[%broadcast_in_dim3A_299, %parallel_loop3A_665] : memref<8x4096xf32, #tpu.memory_space<vmem>>[vector<16xi32>, vector<16xi32>], vector<16xf32>,
        %parallel_loop3A_667 = arith.constant 16 : i32
        %parallel_loop3A_668 = arith.muli %parallel_loop3A_661, %parallel_loop3A_667 : i32
        %parallel_loop3A_669 = arith.constant 1 : i32
        %parallel_loop3A_670 = arith.index_cast %parallel_loop3A_669 : i32 to index
        %parallel_loop3A_671 = arith.index_cast %parallel_loop3A_668 : i32 to index
        %parallel_loop3A_672 = tpu.vector_load %arg6[%parallel_loop3A_670, %parallel_loop3A_671] {strides = array<i32>} : memref<8x2048xf32, #tpu.memory_space<vmem>>, vector<16xf32>,
        tpu.vector_store %arg6[%parallel_loop3A_670, %parallel_loop3A_671], %parallel_loop3A_666 {strides = array<i32>} : memref<8x2048xf32, #tpu.memory_space<vmem>>, vector<16xf32>,
      } {sc.loop_unroll_factor = 8 : i64, sc.parallel_access}
      %broadcast_in_dim3A_303 = arith.constant 2 : i32
      %broadcast_in_dim3A_304 = vector.broadcast %broadcast_in_dim3A_303 : i32 to vector<16xi32>
      %parallel_loop3A_305 = arith.constant 0 : i32
      %parallel_loop3A_306 = arith.constant 128 : i32
      %parallel_loop3A_307 = arith.constant 1 : i32
      scf.for %parallel_loop3A_661 = %parallel_loop3A_305 to %parallel_loop3A_306 step %parallel_loop3A_307  : i32 {
        %parallel_loop3A_662 = arith.constant 32 : i32
        %parallel_loop3A_663 = arith.muli %parallel_loop3A_661, %parallel_loop3A_662 : i32
        %parallel_loop3A_664 = vector.broadcast %parallel_loop3A_663 : i32 to vector<16xi32>
        %parallel_loop3A_665 = arith.addi %parallel_loop3A_664, %mul3A_5 : vector<16xi32>
        %parallel_loop3A_666 = tpu.vector_load_idx %arg4[%broadcast_in_dim3A_304, %parallel_loop3A_665] : memref<8x4096xf32, #tpu.memory_space<vmem>>[vector<16xi32>, vector<16xi32>], vector<16xf32>,
        %parallel_loop3A_667 = arith.constant 16 : i32
        %parallel_loop3A_668 = arith.muli %parallel_loop3A_661, %parallel_loop3A_667 : i32
        %parallel_loop3A_669 = arith.constant 2 : i32
        %parallel_loop3A_670 = arith.index_cast %parallel_loop3A_669 : i32 to index
        %parallel_loop3A_671 = arith.index_cast %parallel_loop3A_668 : i32 to index
        %parallel_loop3A_672 = tpu.vector_load %arg6[%parallel_loop3A_670, %parallel_loop3A_671] {strides = array<i32>} : memref<8x2048xf32, #tpu.memory_space<vmem>>, vector<16xf32>,
        tpu.vector_store %arg6[%parallel_loop3A_670, %parallel_loop3A_671], %parallel_loop3A_666 {strides = array<i32>} : memref<8x2048xf32, #tpu.memory_space<vmem>>, vector<16xf32>,
      } {sc.loop_unroll_factor = 8 : i64, sc.parallel_access}
      %broadcast_in_dim3A_308 = arith.constant 3 : i32
      %broadcast_in_dim3A_309 = vector.broadcast %broadcast_in_dim3A_308 : i32 to vector<16xi32>
      %parallel_loop3A_310 = arith.constant 0 : i32
      %parallel_loop3A_311 = arith.constant 128 : i32
      %parallel_loop3A_312 = arith.constant 1 : i32
      scf.for %parallel_loop3A_661 = %parallel_loop3A_310 to %parallel_loop3A_311 step %parallel_loop3A_312  : i32 {
        %parallel_loop3A_662 = arith.constant 32 : i32
        %parallel_loop3A_663 = arith.muli %parallel_loop3A_661, %parallel_loop3A_662 : i32
        %parallel_loop3A_664 = vector.broadcast %parallel_loop3A_663 : i32 to vector<16xi32>
        %parallel_loop3A_665 = arith.addi %parallel_loop3A_664, %mul3A_5 : vector<16xi32>
        %parallel_loop3A_666 = tpu.vector_load_idx %arg4[%broadcast_in_dim3A_309, %parallel_loop3A_665] : memref<8x4096xf32, #tpu.memory_space<vmem>>[vector<16xi32>, vector<16xi32>], vector<16xf32>,
        %parallel_loop3A_667 = arith.constant 16 : i32
        %parallel_loop3A_668 = arith.muli %parallel_loop3A_661, %parallel_loop3A_667 : i32
        %parallel_loop3A_669 = arith.constant 3 : i32
        %parallel_loop3A_670 = arith.index_cast %parallel_loop3A_669 : i32 to index
        %parallel_loop3A_671 = arith.index_cast %parallel_loop3A_668 : i32 to index
        %parallel_loop3A_672 = tpu.vector_load %arg6[%parallel_loop3A_670, %parallel_loop3A_671] {strides = array<i32>} : memref<8x2048xf32, #tpu.memory_space<vmem>>, vector<16xf32>,
        tpu.vector_store %arg6[%parallel_loop3A_670, %parallel_loop3A_671], %parallel_loop3A_666 {strides = array<i32>} : memref<8x2048xf32, #tpu.memory_space<vmem>>, vector<16xf32>,
      } {sc.loop_unroll_factor = 8 : i64, sc.parallel_access}
      %broadcast_in_dim3A_313 = arith.constant 4 : i32
      %broadcast_in_dim3A_314 = vector.broadcast %broadcast_in_dim3A_313 : i32 to vector<16xi32>
      %parallel_loop3A_315 = arith.constant 0 : i32
      %parallel_loop3A_316 = arith.constant 128 : i32
      %parallel_loop3A_317 = arith.constant 1 : i32
      scf.for %parallel_loop3A_661 = %parallel_loop3A_315 to %parallel_loop3A_316 step %parallel_loop3A_317  : i32 {
        %parallel_loop3A_662 = arith.constant 32 : i32
        %parallel_loop3A_663 = arith.muli %parallel_loop3A_661, %parallel_loop3A_662 : i32
        %parallel_loop3A_664 = vector.broadcast %parallel_loop3A_663 : i32 to vector<16xi32>
        %parallel_loop3A_665 = arith.addi %parallel_loop3A_664, %mul3A_5 : vector<16xi32>
        %parallel_loop3A_666 = tpu.vector_load_idx %arg4[%broadcast_in_dim3A_314, %parallel_loop3A_665] : memref<8x4096xf32, #tpu.memory_space<vmem>>[vector<16xi32>, vector<16xi32>], vector<16xf32>,
        %parallel_loop3A_667 = arith.constant 16 : i32
        %parallel_loop3A_668 = arith.muli %parallel_loop3A_661, %parallel_loop3A_667 : i32
        %parallel_loop3A_669 = arith.constant 4 : i32
        %parallel_loop3A_670 = arith.index_cast %parallel_loop3A_669 : i32 to index
        %parallel_loop3A_671 = arith.index_cast %parallel_loop3A_668 : i32 to index
        %parallel_loop3A_672 = tpu.vector_load %arg6[%parallel_loop3A_670, %parallel_loop3A_671] {strides = array<i32>} : memref<8x2048xf32, #tpu.memory_space<vmem>>, vector<16xf32>,
        tpu.vector_store %arg6[%parallel_loop3A_670, %parallel_loop3A_671], %parallel_loop3A_666 {strides = array<i32>} : memref<8x2048xf32, #tpu.memory_space<vmem>>, vector<16xf32>,
      } {sc.loop_unroll_factor = 8 : i64, sc.parallel_access}
      %broadcast_in_dim3A_318 = arith.constant 5 : i32
      %broadcast_in_dim3A_319 = vector.broadcast %broadcast_in_dim3A_318 : i32 to vector<16xi32>
      %parallel_loop3A_320 = arith.constant 0 : i32
      %parallel_loop3A_321 = arith.constant 128 : i32
      %parallel_loop3A_322 = arith.constant 1 : i32
      scf.for %parallel_loop3A_661 = %parallel_loop3A_320 to %parallel_loop3A_321 step %parallel_loop3A_322  : i32 {
        %parallel_loop3A_662 = arith.constant 32 : i32
        %parallel_loop3A_663 = arith.muli %parallel_loop3A_661, %parallel_loop3A_662 : i32
        %parallel_loop3A_664 = vector.broadcast %parallel_loop3A_663 : i32 to vector<16xi32>
        %parallel_loop3A_665 = arith.addi %parallel_loop3A_664, %mul3A_5 : vector<16xi32>
        %parallel_loop3A_666 = tpu.vector_load_idx %arg4[%broadcast_in_dim3A_319, %parallel_loop3A_665] : memref<8x4096xf32, #tpu.memory_space<vmem>>[vector<16xi32>, vector<16xi32>], vector<16xf32>,
        %parallel_loop3A_667 = arith.constant 16 : i32
        %parallel_loop3A_668 = arith.muli %parallel_loop3A_661, %parallel_loop3A_667 : i32
        %parallel_loop3A_669 = arith.constant 5 : i32
        %parallel_loop3A_670 = arith.index_cast %parallel_loop3A_669 : i32 to index
        %parallel_loop3A_671 = arith.index_cast %parallel_loop3A_668 : i32 to index
        %parallel_loop3A_672 = tpu.vector_load %arg6[%parallel_loop3A_670, %parallel_loop3A_671] {strides = array<i32>} : memref<8x2048xf32, #tpu.memory_space<vmem>>, vector<16xf32>,
        tpu.vector_store %arg6[%parallel_loop3A_670, %parallel_loop3A_671], %parallel_loop3A_666 {strides = array<i32>} : memref<8x2048xf32, #tpu.memory_space<vmem>>, vector<16xf32>,
      } {sc.loop_unroll_factor = 8 : i64, sc.parallel_access}
      %broadcast_in_dim3A_323 = arith.constant 6 : i32
      %broadcast_in_dim3A_324 = vector.broadcast %broadcast_in_dim3A_323 : i32 to vector<16xi32>
      %parallel_loop3A_325 = arith.constant 0 : i32
      %parallel_loop3A_326 = arith.constant 128 : i32
      %parallel_loop3A_327 = arith.constant 1 : i32
      scf.for %parallel_loop3A_661 = %parallel_loop3A_325 to %parallel_loop3A_326 step %parallel_loop3A_327  : i32 {
        %parallel_loop3A_662 = arith.constant 32 : i32
        %parallel_loop3A_663 = arith.muli %parallel_loop3A_661, %parallel_loop3A_662 : i32
        %parallel_loop3A_664 = vector.broadcast %parallel_loop3A_663 : i32 to vector<16xi32>
        %parallel_loop3A_665 = arith.addi %parallel_loop3A_664, %mul3A_5 : vector<16xi32>
        %parallel_loop3A_666 = tpu.vector_load_idx %arg4[%broadcast_in_dim3A_324, %parallel_loop3A_665] : memref<8x4096xf32, #tpu.memory_space<vmem>>[vector<16xi32>, vector<16xi32>], vector<16xf32>,
        %parallel_loop3A_667 = arith.constant 16 : i32
        %parallel_loop3A_668 = arith.muli %parallel_loop3A_661, %parallel_loop3A_667 : i32
        %parallel_loop3A_669 = arith.constant 6 : i32
        %parallel_loop3A_670 = arith.index_cast %parallel_loop3A_669 : i32 to index
        %parallel_loop3A_671 = arith.index_cast %parallel_loop3A_668 : i32 to index
        %parallel_loop3A_672 = tpu.vector_load %arg6[%parallel_loop3A_670, %parallel_loop3A_671] {strides = array<i32>} : memref<8x2048xf32, #tpu.memory_space<vmem>>, vector<16xf32>,
        tpu.vector_store %arg6[%parallel_loop3A_670, %parallel_loop3A_671], %parallel_loop3A_666 {strides = array<i32>} : memref<8x2048xf32, #tpu.memory_space<vmem>>, vector<16xf32>,
      } {sc.loop_unroll_factor = 8 : i64, sc.parallel_access}
      %broadcast_in_dim3A_328 = arith.constant 7 : i32
      %broadcast_in_dim3A_329 = vector.broadcast %broadcast_in_dim3A_328 : i32 to vector<16xi32>
      %parallel_loop3A_330 = arith.constant 0 : i32
      %parallel_loop3A_331 = arith.constant 128 : i32
      %parallel_loop3A_332 = arith.constant 1 : i32
      scf.for %parallel_loop3A_661 = %parallel_loop3A_330 to %parallel_loop3A_331 step %parallel_loop3A_332  : i32 {
        %parallel_loop3A_662 = arith.constant 32 : i32
        %parallel_loop3A_663 = arith.muli %parallel_loop3A_661, %parallel_loop3A_662 : i32
        %parallel_loop3A_664 = vector.broadcast %parallel_loop3A_663 : i32 to vector<16xi32>
        %parallel_loop3A_665 = arith.addi %parallel_loop3A_664, %mul3A_5 : vector<16xi32>
        %parallel_loop3A_666 = tpu.vector_load_idx %arg4[%broadcast_in_dim3A_329, %parallel_loop3A_665] : memref<8x4096xf32, #tpu.memory_space<vmem>>[vector<16xi32>, vector<16xi32>], vector<16xf32>,
        %parallel_loop3A_667 = arith.constant 16 : i32
        %parallel_loop3A_668 = arith.muli %parallel_loop3A_661, %parallel_loop3A_667 : i32
        %parallel_loop3A_669 = arith.constant 7 : i32
        %parallel_loop3A_670 = arith.index_cast %parallel_loop3A_669 : i32 to index
        %parallel_loop3A_671 = arith.index_cast %parallel_loop3A_668 : i32 to index
        %parallel_loop3A_672 = tpu.vector_load %arg6[%parallel_loop3A_670, %parallel_loop3A_671] {strides = array<i32>} : memref<8x2048xf32, #tpu.memory_space<vmem>>, vector<16xf32>,
        tpu.vector_store %arg6[%parallel_loop3A_670, %parallel_loop3A_671], %parallel_loop3A_666 {strides = array<i32>} : memref<8x2048xf32, #tpu.memory_space<vmem>>, vector<16xf32>,
      } {sc.loop_unroll_factor = 8 : i64, sc.parallel_access}
      %add3A_333 = arith.constant 2 : i32
      %add3A_334 = arith.addi %add3A_203, %add3A_333 : i32
      %lt3A_335 = arith.constant 32 : i32
      %lt3A_336 = arith.cmpi slt, %add3A_334, %lt3A_335 : i32
      %convert_element_type3A_337 = arith.extui %lt3A_336 : i1 to i32
      %cond3A_338 = arith.constant 0 : i32
      %cond3A_339 = arith.cmpi ne, %convert_element_type3A_337, %cond3A_338 : i32
      scf.if %cond3A_339 {
        %add3A_661 = arith.constant 2 : i32
        %add3A_662 = arith.addi %add3A_203, %add3A_661 : i32
        %jit3A_663 = arith.constant 8 : i32
        %div3A_664 = arith.divsi %add3A_662, %jit3A_663 : i32
        %sign3A_665 = arith.constant 0 : i32
        %sign3A_666 = arith.cmpi sgt, %add3A_662, %sign3A_665 : i32
        %sign3A_667 = arith.extui %sign3A_666 : i1 to i32
        %sign3A_668 = arith.constant 0 : i32
        %sign3A_669 = arith.cmpi slt, %add3A_662, %sign3A_668 : i32
        %sign3A_670 = arith.extui %sign3A_669 : i1 to i32
        %sign3A_671 = arith.subi %sign3A_667, %sign3A_670 : i32
        %sign3A_672 = arith.constant 0 : i32
        %sign3A_673 = arith.cmpi sgt, %jit3A_663, %sign3A_672 : i32
        %sign3A_674 = arith.extui %sign3A_673 : i1 to i32
        %sign3A_675 = arith.constant 0 : i32
        %sign3A_676 = arith.cmpi slt, %jit3A_663, %sign3A_675 : i32
        %sign3A_677 = arith.extui %sign3A_676 : i1 to i32
        %sign3A_678 = arith.subi %sign3A_674, %sign3A_677 : i32
        %ne3A_679 = arith.cmpi ne, %sign3A_671, %sign3A_678 : i32
        %rem3A_680 = arith.remsi %add3A_662, %jit3A_663 : i32
        %ne3A_681 = arith.constant 0 : i32
        %ne3A_682 = arith.cmpi ne, %rem3A_680, %ne3A_681 : i32
        %and3A_683 = arith.andi %ne3A_679, %ne3A_682 : i1
        %sub3A_684 = arith.constant 1 : i32
        %sub3A_685 = arith.subi %div3A_664, %sub3A_684 : i32
        %select_n3A_686 = arith.select %and3A_683, %sub3A_685, %div3A_664 : i32
        %add3A_687 = arith.addi %mul3A_2, %select_n3A_686 : i32
        %jit3A_688 = arith.constant 8 : i32
        %eq3A_689 = arith.constant 0 : i32
        %eq3A_690 = arith.cmpi eq, %jit3A_688, %eq3A_689 : i32
        %jit3A_691 = arith.constant 1 : i32
        %select_n3A_692 = arith.select %eq3A_690, %jit3A_691, %jit3A_688 : i32
        %rem3A_693 = arith.remsi %add3A_662, %select_n3A_692 : i32
        %ne3A_694 = arith.constant 0 : i32
        %ne3A_695 = arith.cmpi ne, %rem3A_693, %ne3A_694 : i32
        %lt3A_696 = arith.constant 0 : i32
        %lt3A_697 = arith.cmpi slt, %rem3A_693, %lt3A_696 : i32
        %lt3A_698 = arith.constant 0 : i32
        %lt3A_699 = arith.cmpi slt, %select_n3A_692, %lt3A_698 : i32
        %ne3A_700 = arith.xori %lt3A_697, %lt3A_699 : i1
        %and3A_701 = arith.andi %ne3A_700, %ne3A_695 : i1
        %add3A_702 = arith.addi %rem3A_693, %select_n3A_692 : i32
        %select_n3A_703 = arith.select %and3A_701, %add3A_702, %rem3A_693 : i32
        %mul3A_704 = arith.constant 4096 : i32
        %mul3A_705 = arith.muli %select_n3A_703, %mul3A_704 : i32
        %jit3A_706 = arith.constant 16 : i32
        %div3A_707 = arith.divsi %add3A_687, %jit3A_706 : i32
        %sign3A_708 = arith.constant 0 : i32
        %sign3A_709 = arith.cmpi sgt, %add3A_687, %sign3A_708 : i32
        %sign3A_710 = arith.extui %sign3A_709 : i1 to i32
        %sign3A_711 = arith.constant 0 : i32
        %sign3A_712 = arith.cmpi slt, %add3A_687, %sign3A_711 : i32
        %sign3A_713 = arith.extui %sign3A_712 : i1 to i32
        %sign3A_714 = arith.subi %sign3A_710, %sign3A_713 : i32
        %sign3A_715 = arith.constant 0 : i32
        %sign3A_716 = arith.cmpi sgt, %jit3A_706, %sign3A_715 : i32
        %sign3A_717 = arith.extui %sign3A_716 : i1 to i32
        %sign3A_718 = arith.constant 0 : i32
        %sign3A_719 = arith.cmpi slt, %jit3A_706, %sign3A_718 : i32
        %sign3A_720 = arith.extui %sign3A_719 : i1 to i32
        %sign3A_721 = arith.subi %sign3A_717, %sign3A_720 : i32
        %ne3A_722 = arith.cmpi ne, %sign3A_714, %sign3A_721 : i32
        %rem3A_723 = arith.remsi %add3A_687, %jit3A_706 : i32
        %ne3A_724 = arith.constant 0 : i32
        %ne3A_725 = arith.cmpi ne, %rem3A_723, %ne3A_724 : i32
        %and3A_726 = arith.andi %ne3A_722, %ne3A_725 : i1
        %sub3A_727 = arith.constant 1 : i32
        %sub3A_728 = arith.subi %div3A_707, %sub3A_727 : i32
        %select_n3A_729 = arith.select %and3A_726, %sub3A_728, %div3A_707 : i32
        %jit3A_730 = arith.constant 16 : i32
        %eq3A_731 = arith.constant 0 : i32
        %eq3A_732 = arith.cmpi eq, %jit3A_730, %eq3A_731 : i32
        %jit3A_733 = arith.constant 1 : i32
        %select_n3A_734 = arith.select %eq3A_732, %jit3A_733, %jit3A_730 : i32
        %rem3A_735 = arith.remsi %add3A_687, %select_n3A_734 : i32
        %ne3A_736 = arith.constant 0 : i32
        %ne3A_737 = arith.cmpi ne, %rem3A_735, %ne3A_736 : i32
        %lt3A_738 = arith.constant 0 : i32
        %lt3A_739 = arith.cmpi slt, %rem3A_735, %lt3A_738 : i32
        %lt3A_740 = arith.constant 0 : i32
        %lt3A_741 = arith.cmpi slt, %select_n3A_734, %lt3A_740 : i32
        %ne3A_742 = arith.xori %lt3A_739, %lt3A_741 : i1
        %and3A_743 = arith.andi %ne3A_742, %ne3A_737 : i1
        %add3A_744 = arith.addi %rem3A_735, %select_n3A_734 : i32
        %select_n3A_745 = arith.select %and3A_743, %add3A_744, %rem3A_735 : i32
        %mul3A_746 = arith.constant 8 : i32
        %mul3A_747 = arith.muli %select_n3A_745, %mul3A_746 : i32
        %dma_start3A_748 = tpu.memref_slice %arg2[%select_n3A_729, %mul3A_747, %mul3A_705] : memref<8x128x32768xf32, #tpu.memory_space<hbm>> -> memref<1x8x4096xf32, #tpu.memory_space<hbm>>
        %dma_start3A_749 = tpu.memref_squeeze %dma_start3A_748 : memref<1x8x4096xf32, #tpu.memory_space<hbm>> -> memref<8x4096xf32, #tpu.memory_space<hbm>>
        %dma_start3A_750 = tpu.memref_slice %arg2[%select_n3A_729, %mul3A_747, %mul3A_705] : memref<8x128x32768xf32, #tpu.memory_space<hbm>> -> memref<1x8x4096xf32, #tpu.memory_space<hbm>>
        %dma_start3A_751 = tpu.memref_squeeze %dma_start3A_750 : memref<1x8x4096xf32, #tpu.memory_space<hbm>> -> memref<8x4096xf32, #tpu.memory_space<hbm>>
        tpu.enqueue_dma source(%dma_start3A_751 : memref<8x4096xf32, #tpu.memory_space<hbm>>) target(%arg4 : memref<8x4096xf32, #tpu.memory_space<vmem>>) target_semaphore(%arg8 : memref<!tpu.dma_semaphore, #tpu.memory_space<semaphore_mem>>)
      } else {
      }
      %jit3A_340 = arith.constant 8 : i32
      %div3A_341 = arith.divsi %add3A_203, %jit3A_340 : i32
      %sign3A_342 = arith.constant 0 : i32
      %sign3A_343 = arith.cmpi sgt, %add3A_203, %sign3A_342 : i32
      %sign3A_344 = arith.extui %sign3A_343 : i1 to i32
      %sign3A_345 = arith.constant 0 : i32
      %sign3A_346 = arith.cmpi slt, %add3A_203, %sign3A_345 : i32
      %sign3A_347 = arith.extui %sign3A_346 : i1 to i32
      %sign3A_348 = arith.subi %sign3A_344, %sign3A_347 : i32
      %sign3A_349 = arith.constant 0 : i32
      %sign3A_350 = arith.cmpi sgt, %jit3A_340, %sign3A_349 : i32
      %sign3A_351 = arith.extui %sign3A_350 : i1 to i32
      %sign3A_352 = arith.constant 0 : i32
      %sign3A_353 = arith.cmpi slt, %jit3A_340, %sign3A_352 : i32
      %sign3A_354 = arith.extui %sign3A_353 : i1 to i32
      %sign3A_355 = arith.subi %sign3A_351, %sign3A_354 : i32
      %ne3A_356 = arith.cmpi ne, %sign3A_348, %sign3A_355 : i32
      %rem3A_357 = arith.remsi %add3A_203, %jit3A_340 : i32
      %ne3A_358 = arith.constant 0 : i32
      %ne3A_359 = arith.cmpi ne, %rem3A_357, %ne3A_358 : i32
      %and3A_360 = arith.andi %ne3A_356, %ne3A_359 : i1
      %sub3A_361 = arith.constant 1 : i32
      %sub3A_362 = arith.subi %div3A_341, %sub3A_361 : i32
      %select_n3A_363 = arith.select %and3A_360, %sub3A_362, %div3A_341 : i32
      %add3A_364 = arith.addi %mul3A_2, %select_n3A_363 : i32
      %jit3A_365 = arith.constant 8 : i32
      %eq3A_366 = arith.constant 0 : i32
      %eq3A_367 = arith.cmpi eq, %jit3A_365, %eq3A_366 : i32
      %jit3A_368 = arith.constant 1 : i32
      %select_n3A_369 = arith.select %eq3A_367, %jit3A_368, %jit3A_365 : i32
      %rem3A_370 = arith.remsi %add3A_203, %select_n3A_369 : i32
      %ne3A_371 = arith.constant 0 : i32
      %ne3A_372 = arith.cmpi ne, %rem3A_370, %ne3A_371 : i32
      %lt3A_373 = arith.constant 0 : i32
      %lt3A_374 = arith.cmpi slt, %rem3A_370, %lt3A_373 : i32
      %lt3A_375 = arith.constant 0 : i32
      %lt3A_376 = arith.cmpi slt, %select_n3A_369, %lt3A_375 : i32
      %ne3A_377 = arith.xori %lt3A_374, %lt3A_376 : i1
      %and3A_378 = arith.andi %ne3A_377, %ne3A_372 : i1
      %add3A_379 = arith.addi %rem3A_370, %select_n3A_369 : i32
      %select_n3A_380 = arith.select %and3A_378, %add3A_379, %rem3A_370 : i32
      %mul3A_381 = arith.constant 2048 : i32
      %mul3A_382 = arith.muli %select_n3A_380, %mul3A_381 : i32
      %jit3A_383 = arith.constant 16 : i32
      %div3A_384 = arith.divsi %add3A_364, %jit3A_383 : i32
      %sign3A_385 = arith.constant 0 : i32
      %sign3A_386 = arith.cmpi sgt, %add3A_364, %sign3A_385 : i32
      %sign3A_387 = arith.extui %sign3A_386 : i1 to i32
      %sign3A_388 = arith.constant 0 : i32
      %sign3A_389 = arith.cmpi slt, %add3A_364, %sign3A_388 : i32
      %sign3A_390 = arith.extui %sign3A_389 : i1 to i32
      %sign3A_391 = arith.subi %sign3A_387, %sign3A_390 : i32
      %sign3A_392 = arith.constant 0 : i32
      %sign3A_393 = arith.cmpi sgt, %jit3A_383, %sign3A_392 : i32
      %sign3A_394 = arith.extui %sign3A_393 : i1 to i32
      %sign3A_395 = arith.constant 0 : i32
      %sign3A_396 = arith.cmpi slt, %jit3A_383, %sign3A_395 : i32
      %sign3A_397 = arith.extui %sign3A_396 : i1 to i32
      %sign3A_398 = arith.subi %sign3A_394, %sign3A_397 : i32
      %ne3A_399 = arith.cmpi ne, %sign3A_391, %sign3A_398 : i32
      %rem3A_400 = arith.remsi %add3A_364, %jit3A_383 : i32
      %ne3A_401 = arith.constant 0 : i32
      %ne3A_402 = arith.cmpi ne, %rem3A_400, %ne3A_401 : i32
      %and3A_403 = arith.andi %ne3A_399, %ne3A_402 : i1
      %sub3A_404 = arith.constant 1 : i32
      %sub3A_405 = arith.subi %div3A_384, %sub3A_404 : i32
      %select_n3A_406 = arith.select %and3A_403, %sub3A_405, %div3A_384 : i32
      %jit3A_407 = arith.constant 16 : i32
      %eq3A_408 = arith.constant 0 : i32
      %eq3A_409 = arith.cmpi eq, %jit3A_407, %eq3A_408 : i32
      %jit3A_410 = arith.constant 1 : i32
      %select_n3A_411 = arith.select %eq3A_409, %jit3A_410, %jit3A_407 : i32
      %rem3A_412 = arith.remsi %add3A_364, %select_n3A_411 : i32
      %ne3A_413 = arith.constant 0 : i32
      %ne3A_414 = arith.cmpi ne, %rem3A_412, %ne3A_413 : i32
      %lt3A_415 = arith.constant 0 : i32
      %lt3A_416 = arith.cmpi slt, %rem3A_412, %lt3A_415 : i32
      %lt3A_417 = arith.constant 0 : i32
      %lt3A_418 = arith.cmpi slt, %select_n3A_411, %lt3A_417 : i32
      %ne3A_419 = arith.xori %lt3A_416, %lt3A_418 : i1
      %and3A_420 = arith.andi %ne3A_419, %ne3A_414 : i1
      %add3A_421 = arith.addi %rem3A_412, %select_n3A_411 : i32
      %select_n3A_422 = arith.select %and3A_420, %add3A_421, %rem3A_412 : i32
      %mul3A_423 = arith.constant 8 : i32
      %mul3A_424 = arith.muli %select_n3A_422, %mul3A_423 : i32
      %dma_start3A_425 = tpu.memref_slice %arg3[%select_n3A_406, %mul3A_424, %mul3A_382] : memref<8x128x16384xf32, #tpu.memory_space<hbm>> -> memref<1x8x2048xf32, #tpu.memory_space<hbm>>
      %dma_start3A_426 = tpu.memref_squeeze %dma_start3A_425 : memref<1x8x2048xf32, #tpu.memory_space<hbm>> -> memref<8x2048xf32, #tpu.memory_space<hbm>>
      %dma_start3A_427 = tpu.memref_slice %arg3[%select_n3A_406, %mul3A_424, %mul3A_382] : memref<8x128x16384xf32, #tpu.memory_space<hbm>> -> memref<1x8x2048xf32, #tpu.memory_space<hbm>>
      %dma_start3A_428 = tpu.memref_squeeze %dma_start3A_427 : memref<1x8x2048xf32, #tpu.memory_space<hbm>> -> memref<8x2048xf32, #tpu.memory_space<hbm>>
      tpu.enqueue_dma source(%arg6 : memref<8x2048xf32, #tpu.memory_space<vmem>>) target(%dma_start3A_428 : memref<8x2048xf32, #tpu.memory_space<hbm>>) target_semaphore(%arg10 : memref<!tpu.dma_semaphore, #tpu.memory_space<semaphore_mem>>)
      %add3A_429 = arith.constant 1 : i32
      %add3A_430 = arith.addi %mul3A_201, %add3A_429 : i32
      %jit3A_431 = arith.constant 8 : i32
      %div3A_432 = arith.divsi %add3A_430, %jit3A_431 : i32
      %sign3A_433 = arith.constant 0 : i32
      %sign3A_434 = arith.cmpi sgt, %add3A_430, %sign3A_433 : i32
      %sign3A_435 = arith.extui %sign3A_434 : i1 to i32
      %sign3A_436 = arith.constant 0 : i32
      %sign3A_437 = arith.cmpi slt, %add3A_430, %sign3A_436 : i32
      %sign3A_438 = arith.extui %sign3A_437 : i1 to i32
      %sign3A_439 = arith.subi %sign3A_435, %sign3A_438 : i32
      %sign3A_440 = arith.constant 0 : i32
      %sign3A_441 = arith.cmpi sgt, %jit3A_431, %sign3A_440 : i32
      %sign3A_442 = arith.extui %sign3A_441 : i1 to i32
      %sign3A_443 = arith.constant 0 : i32
      %sign3A_444 = arith.cmpi slt, %jit3A_431, %sign3A_443 : i32
      %sign3A_445 = arith.extui %sign3A_444 : i1 to i32
      %sign3A_446 = arith.subi %sign3A_442, %sign3A_445 : i32
      %ne3A_447 = arith.cmpi ne, %sign3A_439, %sign3A_446 : i32
      %rem3A_448 = arith.remsi %add3A_430, %jit3A_431 : i32
      %ne3A_449 = arith.constant 0 : i32
      %ne3A_450 = arith.cmpi ne, %rem3A_448, %ne3A_449 : i32
      %and3A_451 = arith.andi %ne3A_447, %ne3A_450 : i1
      %sub3A_452 = arith.constant 1 : i32
      %sub3A_453 = arith.subi %div3A_432, %sub3A_452 : i32
      %select_n3A_454 = arith.select %and3A_451, %sub3A_453, %div3A_432 : i32
      %add3A_455 = arith.addi %mul3A_2, %select_n3A_454 : i32
      %jit3A_456 = arith.constant 8 : i32
      %eq3A_457 = arith.constant 0 : i32
      %eq3A_458 = arith.cmpi eq, %jit3A_456, %eq3A_457 : i32
      %jit3A_459 = arith.constant 1 : i32
      %select_n3A_460 = arith.select %eq3A_458, %jit3A_459, %jit3A_456 : i32
      %rem3A_461 = arith.remsi %add3A_430, %select_n3A_460 : i32
      %ne3A_462 = arith.constant 0 : i32
      %ne3A_463 = arith.cmpi ne, %rem3A_461, %ne3A_462 : i32
      %lt3A_464 = arith.constant 0 : i32
      %lt3A_465 = arith.cmpi slt, %rem3A_461, %lt3A_464 : i32
      %lt3A_466 = arith.constant 0 : i32
      %lt3A_467 = arith.cmpi slt, %select_n3A_460, %lt3A_466 : i32
      %ne3A_468 = arith.xori %lt3A_465, %lt3A_467 : i1
      %and3A_469 = arith.andi %ne3A_468, %ne3A_463 : i1
      %add3A_470 = arith.addi %rem3A_461, %select_n3A_460 : i32
      %select_n3A_471 = arith.select %and3A_469, %add3A_470, %rem3A_461 : i32
      %mul3A_472 = arith.constant 4096 : i32
      %mul3A_473 = arith.muli %select_n3A_471, %mul3A_472 : i32
      %jit3A_474 = arith.constant 16 : i32
      %div3A_475 = arith.divsi %add3A_455, %jit3A_474 : i32
      %sign3A_476 = arith.constant 0 : i32
      %sign3A_477 = arith.cmpi sgt, %add3A_455, %sign3A_476 : i32
      %sign3A_478 = arith.extui %sign3A_477 : i1 to i32
      %sign3A_479 = arith.constant 0 : i32
      %sign3A_480 = arith.cmpi slt, %add3A_455, %sign3A_479 : i32
      %sign3A_481 = arith.extui %sign3A_480 : i1 to i32
      %sign3A_482 = arith.subi %sign3A_478, %sign3A_481 : i32
      %sign3A_483 = arith.constant 0 : i32
      %sign3A_484 = arith.cmpi sgt, %jit3A_474, %sign3A_483 : i32
      %sign3A_485 = arith.extui %sign3A_484 : i1 to i32
      %sign3A_486 = arith.constant 0 : i32
      %sign3A_487 = arith.cmpi slt, %jit3A_474, %sign3A_486 : i32
      %sign3A_488 = arith.extui %sign3A_487 : i1 to i32
      %sign3A_489 = arith.subi %sign3A_485, %sign3A_488 : i32
      %ne3A_490 = arith.cmpi ne, %sign3A_482, %sign3A_489 : i32
      %rem3A_491 = arith.remsi %add3A_455, %jit3A_474 : i32
      %ne3A_492 = arith.constant 0 : i32
      %ne3A_493 = arith.cmpi ne, %rem3A_491, %ne3A_492 : i32
      %and3A_494 = arith.andi %ne3A_490, %ne3A_493 : i1
      %sub3A_495 = arith.constant 1 : i32
      %sub3A_496 = arith.subi %div3A_475, %sub3A_495 : i32
      %select_n3A_497 = arith.select %and3A_494, %sub3A_496, %div3A_475 : i32
      %jit3A_498 = arith.constant 16 : i32
      %eq3A_499 = arith.constant 0 : i32
      %eq3A_500 = arith.cmpi eq, %jit3A_498, %eq3A_499 : i32
      %jit3A_501 = arith.constant 1 : i32
      %select_n3A_502 = arith.select %eq3A_500, %jit3A_501, %jit3A_498 : i32
      %rem3A_503 = arith.remsi %add3A_455, %select_n3A_502 : i32
      %ne3A_504 = arith.constant 0 : i32
      %ne3A_505 = arith.cmpi ne, %rem3A_503, %ne3A_504 : i32
      %lt3A_506 = arith.constant 0 : i32
      %lt3A_507 = arith.cmpi slt, %rem3A_503, %lt3A_506 : i32
      %lt3A_508 = arith.constant 0 : i32
      %lt3A_509 = arith.cmpi slt, %select_n3A_502, %lt3A_508 : i32
      %ne3A_510 = arith.xori %lt3A_507, %lt3A_509 : i1
      %and3A_511 = arith.andi %ne3A_510, %ne3A_505 : i1
      %add3A_512 = arith.addi %rem3A_503, %select_n3A_502 : i32
      %select_n3A_513 = arith.select %and3A_511, %add3A_512, %rem3A_503 : i32
      %mul3A_514 = arith.constant 8 : i32
      %mul3A_515 = arith.muli %select_n3A_513, %mul3A_514 : i32
      %dma_wait3A_516 = tpu.memref_slice %arg2[%select_n3A_497, %mul3A_515, %mul3A_473] : memref<8x128x32768xf32, #tpu.memory_space<hbm>> -> memref<1x8x4096xf32, #tpu.memory_space<hbm>>
      %dma_wait3A_517 = tpu.memref_squeeze %dma_wait3A_516 : memref<1x8x4096xf32, #tpu.memory_space<hbm>> -> memref<8x4096xf32, #tpu.memory_space<hbm>>
      %dma_wait3A_518 = tpu.memref_slice %arg2[%select_n3A_497, %mul3A_515, %mul3A_473] : memref<8x128x32768xf32, #tpu.memory_space<hbm>> -> memref<1x8x4096xf32, #tpu.memory_space<hbm>>
      %dma_wait3A_519 = tpu.memref_squeeze %dma_wait3A_518 : memref<1x8x4096xf32, #tpu.memory_space<hbm>> -> memref<8x4096xf32, #tpu.memory_space<hbm>>
      tpu.wait_dma2 semaphore(%arg9 : memref<!tpu.dma_semaphore, #tpu.memory_space<semaphore_mem>>) src(%dma_wait3A_519 : memref<8x4096xf32, #tpu.memory_space<hbm>>) dst(%arg5 : memref<8x4096xf32, #tpu.memory_space<vmem>>)
      %ge3A_520 = arith.constant 2 : i32
      %ge3A_521 = arith.cmpi sge, %add3A_430, %ge3A_520 : i32
      %convert_element_type3A_522 = arith.extui %ge3A_521 : i1 to i32
      %cond3A_523 = arith.constant 0 : i32
      %cond3A_524 = arith.cmpi ne, %convert_element_type3A_522, %cond3A_523 : i32
      scf.if %cond3A_524 {
        %jit3A_661 = arith.constant 8 : i32
        %div3A_662 = arith.divsi %add3A_430, %jit3A_661 : i32
        %sign3A_663 = arith.constant 0 : i32
        %sign3A_664 = arith.cmpi sgt, %add3A_430, %sign3A_663 : i32
        %sign3A_665 = arith.extui %sign3A_664 : i1 to i32
        %sign3A_666 = arith.constant 0 : i32
        %sign3A_667 = arith.cmpi slt, %add3A_430, %sign3A_666 : i32
        %sign3A_668 = arith.extui %sign3A_667 : i1 to i32
        %sign3A_669 = arith.subi %sign3A_665, %sign3A_668 : i32
        %sign3A_670 = arith.constant 0 : i32
        %sign3A_671 = arith.cmpi sgt, %jit3A_661, %sign3A_670 : i32
        %sign3A_672 = arith.extui %sign3A_671 : i1 to i32
        %sign3A_673 = arith.constant 0 : i32
        %sign3A_674 = arith.cmpi slt, %jit3A_661, %sign3A_673 : i32
        %sign3A_675 = arith.extui %sign3A_674 : i1 to i32
        %sign3A_676 = arith.subi %sign3A_672, %sign3A_675 : i32
        %ne3A_677 = arith.cmpi ne, %sign3A_669, %sign3A_676 : i32
        %rem3A_678 = arith.remsi %add3A_430, %jit3A_661 : i32
        %ne3A_679 = arith.constant 0 : i32
        %ne3A_680 = arith.cmpi ne, %rem3A_678, %ne3A_679 : i32
        %and3A_681 = arith.andi %ne3A_677, %ne3A_680 : i1
        %sub3A_682 = arith.constant 1 : i32
        %sub3A_683 = arith.subi %div3A_662, %sub3A_682 : i32
        %select_n3A_684 = arith.select %and3A_681, %sub3A_683, %div3A_662 : i32
        %add3A_685 = arith.addi %mul3A_2, %select_n3A_684 : i32
        %jit3A_686 = arith.constant 8 : i32
        %eq3A_687 = arith.constant 0 : i32
        %eq3A_688 = arith.cmpi eq, %jit3A_686, %eq3A_687 : i32
        %jit3A_689 = arith.constant 1 : i32
        %select_n3A_690 = arith.select %eq3A_688, %jit3A_689, %jit3A_686 : i32
        %rem3A_691 = arith.remsi %add3A_430, %select_n3A_690 : i32
        %ne3A_692 = arith.constant 0 : i32
        %ne3A_693 = arith.cmpi ne, %rem3A_691, %ne3A_692 : i32
        %lt3A_694 = arith.constant 0 : i32
        %lt3A_695 = arith.cmpi slt, %rem3A_691, %lt3A_694 : i32
        %lt3A_696 = arith.constant 0 : i32
        %lt3A_697 = arith.cmpi slt, %select_n3A_690, %lt3A_696 : i32
        %ne3A_698 = arith.xori %lt3A_695, %lt3A_697 : i1
        %and3A_699 = arith.andi %ne3A_698, %ne3A_693 : i1
        %add3A_700 = arith.addi %rem3A_691, %select_n3A_690 : i32
        %select_n3A_701 = arith.select %and3A_699, %add3A_700, %rem3A_691 : i32
        %mul3A_702 = arith.constant 2048 : i32
        %mul3A_703 = arith.muli %select_n3A_701, %mul3A_702 : i32
        %jit3A_704 = arith.constant 16 : i32
        %div3A_705 = arith.divsi %add3A_685, %jit3A_704 : i32
        %sign3A_706 = arith.constant 0 : i32
        %sign3A_707 = arith.cmpi sgt, %add3A_685, %sign3A_706 : i32
        %sign3A_708 = arith.extui %sign3A_707 : i1 to i32
        %sign3A_709 = arith.constant 0 : i32
        %sign3A_710 = arith.cmpi slt, %add3A_685, %sign3A_709 : i32
        %sign3A_711 = arith.extui %sign3A_710 : i1 to i32
        %sign3A_712 = arith.subi %sign3A_708, %sign3A_711 : i32
        %sign3A_713 = arith.constant 0 : i32
        %sign3A_714 = arith.cmpi sgt, %jit3A_704, %sign3A_713 : i32
        %sign3A_715 = arith.extui %sign3A_714 : i1 to i32
        %sign3A_716 = arith.constant 0 : i32
        %sign3A_717 = arith.cmpi slt, %jit3A_704, %sign3A_716 : i32
        %sign3A_718 = arith.extui %sign3A_717 : i1 to i32
        %sign3A_719 = arith.subi %sign3A_715, %sign3A_718 : i32
        %ne3A_720 = arith.cmpi ne, %sign3A_712, %sign3A_719 : i32
        %rem3A_721 = arith.remsi %add3A_685, %jit3A_704 : i32
        %ne3A_722 = arith.constant 0 : i32
        %ne3A_723 = arith.cmpi ne, %rem3A_721, %ne3A_722 : i32
        %and3A_724 = arith.andi %ne3A_720, %ne3A_723 : i1
        %sub3A_725 = arith.constant 1 : i32
        %sub3A_726 = arith.subi %div3A_705, %sub3A_725 : i32
        %select_n3A_727 = arith.select %and3A_724, %sub3A_726, %div3A_705 : i32
        %jit3A_728 = arith.constant 16 : i32
        %eq3A_729 = arith.constant 0 : i32
        %eq3A_730 = arith.cmpi eq, %jit3A_728, %eq3A_729 : i32
        %jit3A_731 = arith.constant 1 : i32
        %select_n3A_732 = arith.select %eq3A_730, %jit3A_731, %jit3A_728 : i32
        %rem3A_733 = arith.remsi %add3A_685, %select_n3A_732 : i32
        %ne3A_734 = arith.constant 0 : i32
        %ne3A_735 = arith.cmpi ne, %rem3A_733, %ne3A_734 : i32
        %lt3A_736 = arith.constant 0 : i32
        %lt3A_737 = arith.cmpi slt, %rem3A_733, %lt3A_736 : i32
        %lt3A_738 = arith.constant 0 : i32
        %lt3A_739 = arith.cmpi slt, %select_n3A_732, %lt3A_738 : i32
        %ne3A_740 = arith.xori %lt3A_737, %lt3A_739 : i1
        %and3A_741 = arith.andi %ne3A_740, %ne3A_735 : i1
        %add3A_742 = arith.addi %rem3A_733, %select_n3A_732 : i32
        %select_n3A_743 = arith.select %and3A_741, %add3A_742, %rem3A_733 : i32
        %mul3A_744 = arith.constant 8 : i32
        %mul3A_745 = arith.muli %select_n3A_743, %mul3A_744 : i32
        %dma_wait3A_746 = tpu.memref_slice %arg3[%select_n3A_727, %mul3A_745, %mul3A_703] : memref<8x128x16384xf32, #tpu.memory_space<hbm>> -> memref<1x8x2048xf32, #tpu.memory_space<hbm>>
        %dma_wait3A_747 = tpu.memref_squeeze %dma_wait3A_746 : memref<1x8x2048xf32, #tpu.memory_space<hbm>> -> memref<8x2048xf32, #tpu.memory_space<hbm>>
        %dma_wait3A_748 = tpu.memref_slice %arg3[%select_n3A_727, %mul3A_745, %mul3A_703] : memref<8x128x16384xf32, #tpu.memory_space<hbm>> -> memref<1x8x2048xf32, #tpu.memory_space<hbm>>
        %dma_wait3A_749 = tpu.memref_squeeze %dma_wait3A_748 : memref<1x8x2048xf32, #tpu.memory_space<hbm>> -> memref<8x2048xf32, #tpu.memory_space<hbm>>
        tpu.wait_dma2 semaphore(%arg11 : memref<!tpu.dma_semaphore, #tpu.memory_space<semaphore_mem>>) src(%arg7 : memref<8x2048xf32, #tpu.memory_space<vmem>>) dst(%dma_wait3A_749 : memref<8x2048xf32, #tpu.memory_space<hbm>>)
      } else {
      }
      %broadcast_in_dim3A_525 = arith.constant 0 : i32
      %broadcast_in_dim3A_526 = vector.broadcast %broadcast_in_dim3A_525 : i32 to vector<16xi32>
      %parallel_loop3A_527 = arith.constant 0 : i32
      %parallel_loop3A_528 = arith.constant 128 : i32
      %parallel_loop3A_529 = arith.constant 1 : i32
      scf.for %parallel_loop3A_661 = %parallel_loop3A_527 to %parallel_loop3A_528 step %parallel_loop3A_529  : i32 {
        %parallel_loop3A_662 = arith.constant 32 : i32
        %parallel_loop3A_663 = arith.muli %parallel_loop3A_661, %parallel_loop3A_662 : i32
        %parallel_loop3A_664 = vector.broadcast %parallel_loop3A_663 : i32 to vector<16xi32>
        %parallel_loop3A_665 = arith.addi %parallel_loop3A_664, %mul3A_5 : vector<16xi32>
        %parallel_loop3A_666 = tpu.vector_load_idx %arg5[%broadcast_in_dim3A_526, %parallel_loop3A_665] : memref<8x4096xf32, #tpu.memory_space<vmem>>[vector<16xi32>, vector<16xi32>], vector<16xf32>,
        %parallel_loop3A_667 = arith.constant 16 : i32
        %parallel_loop3A_668 = arith.muli %parallel_loop3A_661, %parallel_loop3A_667 : i32
        %parallel_loop3A_669 = arith.constant 0 : i32
        %parallel_loop3A_670 = arith.index_cast %parallel_loop3A_669 : i32 to index
        %parallel_loop3A_671 = arith.index_cast %parallel_loop3A_668 : i32 to index
        %parallel_loop3A_672 = tpu.vector_load %arg7[%parallel_loop3A_670, %parallel_loop3A_671] {strides = array<i32>} : memref<8x2048xf32, #tpu.memory_space<vmem>>, vector<16xf32>,
        tpu.vector_store %arg7[%parallel_loop3A_670, %parallel_loop3A_671], %parallel_loop3A_666 {strides = array<i32>} : memref<8x2048xf32, #tpu.memory_space<vmem>>, vector<16xf32>,
      } {sc.loop_unroll_factor = 8 : i64, sc.parallel_access}
      %broadcast_in_dim3A_530 = arith.constant 1 : i32
      %broadcast_in_dim3A_531 = vector.broadcast %broadcast_in_dim3A_530 : i32 to vector<16xi32>
      %parallel_loop3A_532 = arith.constant 0 : i32
      %parallel_loop3A_533 = arith.constant 128 : i32
      %parallel_loop3A_534 = arith.constant 1 : i32
      scf.for %parallel_loop3A_661 = %parallel_loop3A_532 to %parallel_loop3A_533 step %parallel_loop3A_534  : i32 {
        %parallel_loop3A_662 = arith.constant 32 : i32
        %parallel_loop3A_663 = arith.muli %parallel_loop3A_661, %parallel_loop3A_662 : i32
        %parallel_loop3A_664 = vector.broadcast %parallel_loop3A_663 : i32 to vector<16xi32>
        %parallel_loop3A_665 = arith.addi %parallel_loop3A_664, %mul3A_5 : vector<16xi32>
        %parallel_loop3A_666 = tpu.vector_load_idx %arg5[%broadcast_in_dim3A_531, %parallel_loop3A_665] : memref<8x4096xf32, #tpu.memory_space<vmem>>[vector<16xi32>, vector<16xi32>], vector<16xf32>,
        %parallel_loop3A_667 = arith.constant 16 : i32
        %parallel_loop3A_668 = arith.muli %parallel_loop3A_661, %parallel_loop3A_667 : i32
        %parallel_loop3A_669 = arith.constant 1 : i32
        %parallel_loop3A_670 = arith.index_cast %parallel_loop3A_669 : i32 to index
        %parallel_loop3A_671 = arith.index_cast %parallel_loop3A_668 : i32 to index
        %parallel_loop3A_672 = tpu.vector_load %arg7[%parallel_loop3A_670, %parallel_loop3A_671] {strides = array<i32>} : memref<8x2048xf32, #tpu.memory_space<vmem>>, vector<16xf32>,
        tpu.vector_store %arg7[%parallel_loop3A_670, %parallel_loop3A_671], %parallel_loop3A_666 {strides = array<i32>} : memref<8x2048xf32, #tpu.memory_space<vmem>>, vector<16xf32>,
      } {sc.loop_unroll_factor = 8 : i64, sc.parallel_access}
      %broadcast_in_dim3A_535 = arith.constant 2 : i32
      %broadcast_in_dim3A_536 = vector.broadcast %broadcast_in_dim3A_535 : i32 to vector<16xi32>
      %parallel_loop3A_537 = arith.constant 0 : i32
      %parallel_loop3A_538 = arith.constant 128 : i32
      %parallel_loop3A_539 = arith.constant 1 : i32
      scf.for %parallel_loop3A_661 = %parallel_loop3A_537 to %parallel_loop3A_538 step %parallel_loop3A_539  : i32 {
        %parallel_loop3A_662 = arith.constant 32 : i32
        %parallel_loop3A_663 = arith.muli %parallel_loop3A_661, %parallel_loop3A_662 : i32
        %parallel_loop3A_664 = vector.broadcast %parallel_loop3A_663 : i32 to vector<16xi32>
        %parallel_loop3A_665 = arith.addi %parallel_loop3A_664, %mul3A_5 : vector<16xi32>
        %parallel_loop3A_666 = tpu.vector_load_idx %arg5[%broadcast_in_dim3A_536, %parallel_loop3A_665] : memref<8x4096xf32, #tpu.memory_space<vmem>>[vector<16xi32>, vector<16xi32>], vector<16xf32>,
        %parallel_loop3A_667 = arith.constant 16 : i32
        %parallel_loop3A_668 = arith.muli %parallel_loop3A_661, %parallel_loop3A_667 : i32
        %parallel_loop3A_669 = arith.constant 2 : i32
        %parallel_loop3A_670 = arith.index_cast %parallel_loop3A_669 : i32 to index
        %parallel_loop3A_671 = arith.index_cast %parallel_loop3A_668 : i32 to index
        %parallel_loop3A_672 = tpu.vector_load %arg7[%parallel_loop3A_670, %parallel_loop3A_671] {strides = array<i32>} : memref<8x2048xf32, #tpu.memory_space<vmem>>, vector<16xf32>,
        tpu.vector_store %arg7[%parallel_loop3A_670, %parallel_loop3A_671], %parallel_loop3A_666 {strides = array<i32>} : memref<8x2048xf32, #tpu.memory_space<vmem>>, vector<16xf32>,
      } {sc.loop_unroll_factor = 8 : i64, sc.parallel_access}
      %broadcast_in_dim3A_540 = arith.constant 3 : i32
      %broadcast_in_dim3A_541 = vector.broadcast %broadcast_in_dim3A_540 : i32 to vector<16xi32>
      %parallel_loop3A_542 = arith.constant 0 : i32
      %parallel_loop3A_543 = arith.constant 128 : i32
      %parallel_loop3A_544 = arith.constant 1 : i32
      scf.for %parallel_loop3A_661 = %parallel_loop3A_542 to %parallel_loop3A_543 step %parallel_loop3A_544  : i32 {
        %parallel_loop3A_662 = arith.constant 32 : i32
        %parallel_loop3A_663 = arith.muli %parallel_loop3A_661, %parallel_loop3A_662 : i32
        %parallel_loop3A_664 = vector.broadcast %parallel_loop3A_663 : i32 to vector<16xi32>
        %parallel_loop3A_665 = arith.addi %parallel_loop3A_664, %mul3A_5 : vector<16xi32>
        %parallel_loop3A_666 = tpu.vector_load_idx %arg5[%broadcast_in_dim3A_541, %parallel_loop3A_665] : memref<8x4096xf32, #tpu.memory_space<vmem>>[vector<16xi32>, vector<16xi32>], vector<16xf32>,
        %parallel_loop3A_667 = arith.constant 16 : i32
        %parallel_loop3A_668 = arith.muli %parallel_loop3A_661, %parallel_loop3A_667 : i32
        %parallel_loop3A_669 = arith.constant 3 : i32
        %parallel_loop3A_670 = arith.index_cast %parallel_loop3A_669 : i32 to index
        %parallel_loop3A_671 = arith.index_cast %parallel_loop3A_668 : i32 to index
        %parallel_loop3A_672 = tpu.vector_load %arg7[%parallel_loop3A_670, %parallel_loop3A_671] {strides = array<i32>} : memref<8x2048xf32, #tpu.memory_space<vmem>>, vector<16xf32>,
        tpu.vector_store %arg7[%parallel_loop3A_670, %parallel_loop3A_671], %parallel_loop3A_666 {strides = array<i32>} : memref<8x2048xf32, #tpu.memory_space<vmem>>, vector<16xf32>,
      } {sc.loop_unroll_factor = 8 : i64, sc.parallel_access}
      %broadcast_in_dim3A_545 = arith.constant 4 : i32
      %broadcast_in_dim3A_546 = vector.broadcast %broadcast_in_dim3A_545 : i32 to vector<16xi32>
      %parallel_loop3A_547 = arith.constant 0 : i32
      %parallel_loop3A_548 = arith.constant 128 : i32
      %parallel_loop3A_549 = arith.constant 1 : i32
      scf.for %parallel_loop3A_661 = %parallel_loop3A_547 to %parallel_loop3A_548 step %parallel_loop3A_549  : i32 {
        %parallel_loop3A_662 = arith.constant 32 : i32
        %parallel_loop3A_663 = arith.muli %parallel_loop3A_661, %parallel_loop3A_662 : i32
        %parallel_loop3A_664 = vector.broadcast %parallel_loop3A_663 : i32 to vector<16xi32>
        %parallel_loop3A_665 = arith.addi %parallel_loop3A_664, %mul3A_5 : vector<16xi32>
        %parallel_loop3A_666 = tpu.vector_load_idx %arg5[%broadcast_in_dim3A_546, %parallel_loop3A_665] : memref<8x4096xf32, #tpu.memory_space<vmem>>[vector<16xi32>, vector<16xi32>], vector<16xf32>,
        %parallel_loop3A_667 = arith.constant 16 : i32
        %parallel_loop3A_668 = arith.muli %parallel_loop3A_661, %parallel_loop3A_667 : i32
        %parallel_loop3A_669 = arith.constant 4 : i32
        %parallel_loop3A_670 = arith.index_cast %parallel_loop3A_669 : i32 to index
        %parallel_loop3A_671 = arith.index_cast %parallel_loop3A_668 : i32 to index
        %parallel_loop3A_672 = tpu.vector_load %arg7[%parallel_loop3A_670, %parallel_loop3A_671] {strides = array<i32>} : memref<8x2048xf32, #tpu.memory_space<vmem>>, vector<16xf32>,
        tpu.vector_store %arg7[%parallel_loop3A_670, %parallel_loop3A_671], %parallel_loop3A_666 {strides = array<i32>} : memref<8x2048xf32, #tpu.memory_space<vmem>>, vector<16xf32>,
      } {sc.loop_unroll_factor = 8 : i64, sc.parallel_access}
      %broadcast_in_dim3A_550 = arith.constant 5 : i32
      %broadcast_in_dim3A_551 = vector.broadcast %broadcast_in_dim3A_550 : i32 to vector<16xi32>
      %parallel_loop3A_552 = arith.constant 0 : i32
      %parallel_loop3A_553 = arith.constant 128 : i32
      %parallel_loop3A_554 = arith.constant 1 : i32
      scf.for %parallel_loop3A_661 = %parallel_loop3A_552 to %parallel_loop3A_553 step %parallel_loop3A_554  : i32 {
        %parallel_loop3A_662 = arith.constant 32 : i32
        %parallel_loop3A_663 = arith.muli %parallel_loop3A_661, %parallel_loop3A_662 : i32
        %parallel_loop3A_664 = vector.broadcast %parallel_loop3A_663 : i32 to vector<16xi32>
        %parallel_loop3A_665 = arith.addi %parallel_loop3A_664, %mul3A_5 : vector<16xi32>
        %parallel_loop3A_666 = tpu.vector_load_idx %arg5[%broadcast_in_dim3A_551, %parallel_loop3A_665] : memref<8x4096xf32, #tpu.memory_space<vmem>>[vector<16xi32>, vector<16xi32>], vector<16xf32>,
        %parallel_loop3A_667 = arith.constant 16 : i32
        %parallel_loop3A_668 = arith.muli %parallel_loop3A_661, %parallel_loop3A_667 : i32
        %parallel_loop3A_669 = arith.constant 5 : i32
        %parallel_loop3A_670 = arith.index_cast %parallel_loop3A_669 : i32 to index
        %parallel_loop3A_671 = arith.index_cast %parallel_loop3A_668 : i32 to index
        %parallel_loop3A_672 = tpu.vector_load %arg7[%parallel_loop3A_670, %parallel_loop3A_671] {strides = array<i32>} : memref<8x2048xf32, #tpu.memory_space<vmem>>, vector<16xf32>,
        tpu.vector_store %arg7[%parallel_loop3A_670, %parallel_loop3A_671], %parallel_loop3A_666 {strides = array<i32>} : memref<8x2048xf32, #tpu.memory_space<vmem>>, vector<16xf32>,
      } {sc.loop_unroll_factor = 8 : i64, sc.parallel_access}
      %broadcast_in_dim3A_555 = arith.constant 6 : i32
      %broadcast_in_dim3A_556 = vector.broadcast %broadcast_in_dim3A_555 : i32 to vector<16xi32>
      %parallel_loop3A_557 = arith.constant 0 : i32
      %parallel_loop3A_558 = arith.constant 128 : i32
      %parallel_loop3A_559 = arith.constant 1 : i32
      scf.for %parallel_loop3A_661 = %parallel_loop3A_557 to %parallel_loop3A_558 step %parallel_loop3A_559  : i32 {
        %parallel_loop3A_662 = arith.constant 32 : i32
        %parallel_loop3A_663 = arith.muli %parallel_loop3A_661, %parallel_loop3A_662 : i32
        %parallel_loop3A_664 = vector.broadcast %parallel_loop3A_663 : i32 to vector<16xi32>
        %parallel_loop3A_665 = arith.addi %parallel_loop3A_664, %mul3A_5 : vector<16xi32>
        %parallel_loop3A_666 = tpu.vector_load_idx %arg5[%broadcast_in_dim3A_556, %parallel_loop3A_665] : memref<8x4096xf32, #tpu.memory_space<vmem>>[vector<16xi32>, vector<16xi32>], vector<16xf32>,
        %parallel_loop3A_667 = arith.constant 16 : i32
        %parallel_loop3A_668 = arith.muli %parallel_loop3A_661, %parallel_loop3A_667 : i32
        %parallel_loop3A_669 = arith.constant 6 : i32
        %parallel_loop3A_670 = arith.index_cast %parallel_loop3A_669 : i32 to index
        %parallel_loop3A_671 = arith.index_cast %parallel_loop3A_668 : i32 to index
        %parallel_loop3A_672 = tpu.vector_load %arg7[%parallel_loop3A_670, %parallel_loop3A_671] {strides = array<i32>} : memref<8x2048xf32, #tpu.memory_space<vmem>>, vector<16xf32>,
        tpu.vector_store %arg7[%parallel_loop3A_670, %parallel_loop3A_671], %parallel_loop3A_666 {strides = array<i32>} : memref<8x2048xf32, #tpu.memory_space<vmem>>, vector<16xf32>,
      } {sc.loop_unroll_factor = 8 : i64, sc.parallel_access}
      %broadcast_in_dim3A_560 = arith.constant 7 : i32
      %broadcast_in_dim3A_561 = vector.broadcast %broadcast_in_dim3A_560 : i32 to vector<16xi32>
      %parallel_loop3A_562 = arith.constant 0 : i32
      %parallel_loop3A_563 = arith.constant 128 : i32
      %parallel_loop3A_564 = arith.constant 1 : i32
      scf.for %parallel_loop3A_661 = %parallel_loop3A_562 to %parallel_loop3A_563 step %parallel_loop3A_564  : i32 {
        %parallel_loop3A_662 = arith.constant 32 : i32
        %parallel_loop3A_663 = arith.muli %parallel_loop3A_661, %parallel_loop3A_662 : i32
        %parallel_loop3A_664 = vector.broadcast %parallel_loop3A_663 : i32 to vector<16xi32>
        %parallel_loop3A_665 = arith.addi %parallel_loop3A_664, %mul3A_5 : vector<16xi32>
        %parallel_loop3A_666 = tpu.vector_load_idx %arg5[%broadcast_in_dim3A_561, %parallel_loop3A_665] : memref<8x4096xf32, #tpu.memory_space<vmem>>[vector<16xi32>, vector<16xi32>], vector<16xf32>,
        %parallel_loop3A_667 = arith.constant 16 : i32
        %parallel_loop3A_668 = arith.muli %parallel_loop3A_661, %parallel_loop3A_667 : i32
        %parallel_loop3A_669 = arith.constant 7 : i32
        %parallel_loop3A_670 = arith.index_cast %parallel_loop3A_669 : i32 to index
        %parallel_loop3A_671 = arith.index_cast %parallel_loop3A_668 : i32 to index
        %parallel_loop3A_672 = tpu.vector_load %arg7[%parallel_loop3A_670, %parallel_loop3A_671] {strides = array<i32>} : memref<8x2048xf32, #tpu.memory_space<vmem>>, vector<16xf32>,
        tpu.vector_store %arg7[%parallel_loop3A_670, %parallel_loop3A_671], %parallel_loop3A_666 {strides = array<i32>} : memref<8x2048xf32, #tpu.memory_space<vmem>>, vector<16xf32>,
      } {sc.loop_unroll_factor = 8 : i64, sc.parallel_access}
      %add3A_565 = arith.constant 2 : i32
      %add3A_566 = arith.addi %add3A_430, %add3A_565 : i32
      %lt3A_567 = arith.constant 32 : i32
      %lt3A_568 = arith.cmpi slt, %add3A_566, %lt3A_567 : i32
      %convert_element_type3A_569 = arith.extui %lt3A_568 : i1 to i32
      %cond3A_570 = arith.constant 0 : i32
      %cond3A_571 = arith.cmpi ne, %convert_element_type3A_569, %cond3A_570 : i32
      scf.if %cond3A_571 {
        %add3A_661 = arith.constant 2 : i32
        %add3A_662 = arith.addi %add3A_430, %add3A_661 : i32
        %jit3A_663 = arith.constant 8 : i32
        %div3A_664 = arith.divsi %add3A_662, %jit3A_663 : i32
        %sign3A_665 = arith.constant 0 : i32
        %sign3A_666 = arith.cmpi sgt, %add3A_662, %sign3A_665 : i32
        %sign3A_667 = arith.extui %sign3A_666 : i1 to i32
        %sign3A_668 = arith.constant 0 : i32
        %sign3A_669 = arith.cmpi slt, %add3A_662, %sign3A_668 : i32
        %sign3A_670 = arith.extui %sign3A_669 : i1 to i32
        %sign3A_671 = arith.subi %sign3A_667, %sign3A_670 : i32
        %sign3A_672 = arith.constant 0 : i32
        %sign3A_673 = arith.cmpi sgt, %jit3A_663, %sign3A_672 : i32
        %sign3A_674 = arith.extui %sign3A_673 : i1 to i32
        %sign3A_675 = arith.constant 0 : i32
        %sign3A_676 = arith.cmpi slt, %jit3A_663, %sign3A_675 : i32
        %sign3A_677 = arith.extui %sign3A_676 : i1 to i32
        %sign3A_678 = arith.subi %sign3A_674, %sign3A_677 : i32
        %ne3A_679 = arith.cmpi ne, %sign3A_671, %sign3A_678 : i32
        %rem3A_680 = arith.remsi %add3A_662, %jit3A_663 : i32
        %ne3A_681 = arith.constant 0 : i32
        %ne3A_682 = arith.cmpi ne, %rem3A_680, %ne3A_681 : i32
        %and3A_683 = arith.andi %ne3A_679, %ne3A_682 : i1
        %sub3A_684 = arith.constant 1 : i32
        %sub3A_685 = arith.subi %div3A_664, %sub3A_684 : i32
        %select_n3A_686 = arith.select %and3A_683, %sub3A_685, %div3A_664 : i32
        %add3A_687 = arith.addi %mul3A_2, %select_n3A_686 : i32
        %jit3A_688 = arith.constant 8 : i32
        %eq3A_689 = arith.constant 0 : i32
        %eq3A_690 = arith.cmpi eq, %jit3A_688, %eq3A_689 : i32
        %jit3A_691 = arith.constant 1 : i32
        %select_n3A_692 = arith.select %eq3A_690, %jit3A_691, %jit3A_688 : i32
        %rem3A_693 = arith.remsi %add3A_662, %select_n3A_692 : i32
        %ne3A_694 = arith.constant 0 : i32
        %ne3A_695 = arith.cmpi ne, %rem3A_693, %ne3A_694 : i32
        %lt3A_696 = arith.constant 0 : i32
        %lt3A_697 = arith.cmpi slt, %rem3A_693, %lt3A_696 : i32
        %lt3A_698 = arith.constant 0 : i32
        %lt3A_699 = arith.cmpi slt, %select_n3A_692, %lt3A_698 : i32
        %ne3A_700 = arith.xori %lt3A_697, %lt3A_699 : i1
        %and3A_701 = arith.andi %ne3A_700, %ne3A_695 : i1
        %add3A_702 = arith.addi %rem3A_693, %select_n3A_692 : i32
        %select_n3A_703 = arith.select %and3A_701, %add3A_702, %rem3A_693 : i32
        %mul3A_704 = arith.constant 4096 : i32
        %mul3A_705 = arith.muli %select_n3A_703, %mul3A_704 : i32
        %jit3A_706 = arith.constant 16 : i32
        %div3A_707 = arith.divsi %add3A_687, %jit3A_706 : i32
        %sign3A_708 = arith.constant 0 : i32
        %sign3A_709 = arith.cmpi sgt, %add3A_687, %sign3A_708 : i32
        %sign3A_710 = arith.extui %sign3A_709 : i1 to i32
        %sign3A_711 = arith.constant 0 : i32
        %sign3A_712 = arith.cmpi slt, %add3A_687, %sign3A_711 : i32
        %sign3A_713 = arith.extui %sign3A_712 : i1 to i32
        %sign3A_714 = arith.subi %sign3A_710, %sign3A_713 : i32
        %sign3A_715 = arith.constant 0 : i32
        %sign3A_716 = arith.cmpi sgt, %jit3A_706, %sign3A_715 : i32
        %sign3A_717 = arith.extui %sign3A_716 : i1 to i32
        %sign3A_718 = arith.constant 0 : i32
        %sign3A_719 = arith.cmpi slt, %jit3A_706, %sign3A_718 : i32
        %sign3A_720 = arith.extui %sign3A_719 : i1 to i32
        %sign3A_721 = arith.subi %sign3A_717, %sign3A_720 : i32
        %ne3A_722 = arith.cmpi ne, %sign3A_714, %sign3A_721 : i32
        %rem3A_723 = arith.remsi %add3A_687, %jit3A_706 : i32
        %ne3A_724 = arith.constant 0 : i32
        %ne3A_725 = arith.cmpi ne, %rem3A_723, %ne3A_724 : i32
        %and3A_726 = arith.andi %ne3A_722, %ne3A_725 : i1
        %sub3A_727 = arith.constant 1 : i32
        %sub3A_728 = arith.subi %div3A_707, %sub3A_727 : i32
        %select_n3A_729 = arith.select %and3A_726, %sub3A_728, %div3A_707 : i32
        %jit3A_730 = arith.constant 16 : i32
        %eq3A_731 = arith.constant 0 : i32
        %eq3A_732 = arith.cmpi eq, %jit3A_730, %eq3A_731 : i32
        %jit3A_733 = arith.constant 1 : i32
        %select_n3A_734 = arith.select %eq3A_732, %jit3A_733, %jit3A_730 : i32
        %rem3A_735 = arith.remsi %add3A_687, %select_n3A_734 : i32
        %ne3A_736 = arith.constant 0 : i32
        %ne3A_737 = arith.cmpi ne, %rem3A_735, %ne3A_736 : i32
        %lt3A_738 = arith.constant 0 : i32
        %lt3A_739 = arith.cmpi slt, %rem3A_735, %lt3A_738 : i32
        %lt3A_740 = arith.constant 0 : i32
        %lt3A_741 = arith.cmpi slt, %select_n3A_734, %lt3A_740 : i32
        %ne3A_742 = arith.xori %lt3A_739, %lt3A_741 : i1
        %and3A_743 = arith.andi %ne3A_742, %ne3A_737 : i1
        %add3A_744 = arith.addi %rem3A_735, %select_n3A_734 : i32
        %select_n3A_745 = arith.select %and3A_743, %add3A_744, %rem3A_735 : i32
        %mul3A_746 = arith.constant 8 : i32
        %mul3A_747 = arith.muli %select_n3A_745, %mul3A_746 : i32
        %dma_start3A_748 = tpu.memref_slice %arg2[%select_n3A_729, %mul3A_747, %mul3A_705] : memref<8x128x32768xf32, #tpu.memory_space<hbm>> -> memref<1x8x4096xf32, #tpu.memory_space<hbm>>
        %dma_start3A_749 = tpu.memref_squeeze %dma_start3A_748 : memref<1x8x4096xf32, #tpu.memory_space<hbm>> -> memref<8x4096xf32, #tpu.memory_space<hbm>>
        %dma_start3A_750 = tpu.memref_slice %arg2[%select_n3A_729, %mul3A_747, %mul3A_705] : memref<8x128x32768xf32, #tpu.memory_space<hbm>> -> memref<1x8x4096xf32, #tpu.memory_space<hbm>>
        %dma_start3A_751 = tpu.memref_squeeze %dma_start3A_750 : memref<1x8x4096xf32, #tpu.memory_space<hbm>> -> memref<8x4096xf32, #tpu.memory_space<hbm>>
        tpu.enqueue_dma source(%dma_start3A_751 : memref<8x4096xf32, #tpu.memory_space<hbm>>) target(%arg5 : memref<8x4096xf32, #tpu.memory_space<vmem>>) target_semaphore(%arg9 : memref<!tpu.dma_semaphore, #tpu.memory_space<semaphore_mem>>)
      } else {
      }
      %jit3A_572 = arith.constant 8 : i32
      %div3A_573 = arith.divsi %add3A_430, %jit3A_572 : i32
      %sign3A_574 = arith.constant 0 : i32
      %sign3A_575 = arith.cmpi sgt, %add3A_430, %sign3A_574 : i32
      %sign3A_576 = arith.extui %sign3A_575 : i1 to i32
      %sign3A_577 = arith.constant 0 : i32
      %sign3A_578 = arith.cmpi slt, %add3A_430, %sign3A_577 : i32
      %sign3A_579 = arith.extui %sign3A_578 : i1 to i32
      %sign3A_580 = arith.subi %sign3A_576, %sign3A_579 : i32
      %sign3A_581 = arith.constant 0 : i32
      %sign3A_582 = arith.cmpi sgt, %jit3A_572, %sign3A_581 : i32
      %sign3A_583 = arith.extui %sign3A_582 : i1 to i32
      %sign3A_584 = arith.constant 0 : i32
      %sign3A_585 = arith.cmpi slt, %jit3A_572, %sign3A_584 : i32
      %sign3A_586 = arith.extui %sign3A_585 : i1 to i32
      %sign3A_587 = arith.subi %sign3A_583, %sign3A_586 : i32
      %ne3A_588 = arith.cmpi ne, %sign3A_580, %sign3A_587 : i32
      %rem3A_589 = arith.remsi %add3A_430, %jit3A_572 : i32
      %ne3A_590 = arith.constant 0 : i32
      %ne3A_591 = arith.cmpi ne, %rem3A_589, %ne3A_590 : i32
      %and3A_592 = arith.andi %ne3A_588, %ne3A_591 : i1
      %sub3A_593 = arith.constant 1 : i32
      %sub3A_594 = arith.subi %div3A_573, %sub3A_593 : i32
      %select_n3A_595 = arith.select %and3A_592, %sub3A_594, %div3A_573 : i32
      %add3A_596 = arith.addi %mul3A_2, %select_n3A_595 : i32
      %jit3A_597 = arith.constant 8 : i32
      %eq3A_598 = arith.constant 0 : i32
      %eq3A_599 = arith.cmpi eq, %jit3A_597, %eq3A_598 : i32
      %jit3A_600 = arith.constant 1 : i32
      %select_n3A_601 = arith.select %eq3A_599, %jit3A_600, %jit3A_597 : i32
      %rem3A_602 = arith.remsi %add3A_430, %select_n3A_601 : i32
      %ne3A_603 = arith.constant 0 : i32
      %ne3A_604 = arith.cmpi ne, %rem3A_602, %ne3A_603 : i32
      %lt3A_605 = arith.constant 0 : i32
      %lt3A_606 = arith.cmpi slt, %rem3A_602, %lt3A_605 : i32
      %lt3A_607 = arith.constant 0 : i32
      %lt3A_608 = arith.cmpi slt, %select_n3A_601, %lt3A_607 : i32
      %ne3A_609 = arith.xori %lt3A_606, %lt3A_608 : i1
      %and3A_610 = arith.andi %ne3A_609, %ne3A_604 : i1
      %add3A_611 = arith.addi %rem3A_602, %select_n3A_601 : i32
      %select_n3A_612 = arith.select %and3A_610, %add3A_611, %rem3A_602 : i32
      %mul3A_613 = arith.constant 2048 : i32
      %mul3A_614 = arith.muli %select_n3A_612, %mul3A_613 : i32
      %jit3A_615 = arith.constant 16 : i32
      %div3A_616 = arith.divsi %add3A_596, %jit3A_615 : i32
      %sign3A_617 = arith.constant 0 : i32
      %sign3A_618 = arith.cmpi sgt, %add3A_596, %sign3A_617 : i32
      %sign3A_619 = arith.extui %sign3A_618 : i1 to i32
      %sign3A_620 = arith.constant 0 : i32
      %sign3A_621 = arith.cmpi slt, %add3A_596, %sign3A_620 : i32
      %sign3A_622 = arith.extui %sign3A_621 : i1 to i32
      %sign3A_623 = arith.subi %sign3A_619, %sign3A_622 : i32
      %sign3A_624 = arith.constant 0 : i32
      %sign3A_625 = arith.cmpi sgt, %jit3A_615, %sign3A_624 : i32
      %sign3A_626 = arith.extui %sign3A_625 : i1 to i32
      %sign3A_627 = arith.constant 0 : i32
      %sign3A_628 = arith.cmpi slt, %jit3A_615, %sign3A_627 : i32
      %sign3A_629 = arith.extui %sign3A_628 : i1 to i32
      %sign3A_630 = arith.subi %sign3A_626, %sign3A_629 : i32
      %ne3A_631 = arith.cmpi ne, %sign3A_623, %sign3A_630 : i32
      %rem3A_632 = arith.remsi %add3A_596, %jit3A_615 : i32
      %ne3A_633 = arith.constant 0 : i32
      %ne3A_634 = arith.cmpi ne, %rem3A_632, %ne3A_633 : i32
      %and3A_635 = arith.andi %ne3A_631, %ne3A_634 : i1
      %sub3A_636 = arith.constant 1 : i32
      %sub3A_637 = arith.subi %div3A_616, %sub3A_636 : i32
      %select_n3A_638 = arith.select %and3A_635, %sub3A_637, %div3A_616 : i32
      %jit3A_639 = arith.constant 16 : i32
      %eq3A_640 = arith.constant 0 : i32
      %eq3A_641 = arith.cmpi eq, %jit3A_639, %eq3A_640 : i32
      %jit3A_642 = arith.constant 1 : i32
      %select_n3A_643 = arith.select %eq3A_641, %jit3A_642, %jit3A_639 : i32
      %rem3A_644 = arith.remsi %add3A_596, %select_n3A_643 : i32
      %ne3A_645 = arith.constant 0 : i32
      %ne3A_646 = arith.cmpi ne, %rem3A_644, %ne3A_645 : i32
      %lt3A_647 = arith.constant 0 : i32
      %lt3A_648 = arith.cmpi slt, %rem3A_644, %lt3A_647 : i32
      %lt3A_649 = arith.constant 0 : i32
      %lt3A_650 = arith.cmpi slt, %select_n3A_643, %lt3A_649 : i32
      %ne3A_651 = arith.xori %lt3A_648, %lt3A_650 : i1
      %and3A_652 = arith.andi %ne3A_651, %ne3A_646 : i1
      %add3A_653 = arith.addi %rem3A_644, %select_n3A_643 : i32
      %select_n3A_654 = arith.select %and3A_652, %add3A_653, %rem3A_644 : i32
      %mul3A_655 = arith.constant 8 : i32
      %mul3A_656 = arith.muli %select_n3A_654, %mul3A_655 : i32
      %dma_start3A_657 = tpu.memref_slice %arg3[%select_n3A_638, %mul3A_656, %mul3A_614] : memref<8x128x16384xf32, #tpu.memory_space<hbm>> -> memref<1x8x2048xf32, #tpu.memory_space<hbm>>
      %dma_start3A_658 = tpu.memref_squeeze %dma_start3A_657 : memref<1x8x2048xf32, #tpu.memory_space<hbm>> -> memref<8x2048xf32, #tpu.memory_space<hbm>>
      %dma_start3A_659 = tpu.memref_slice %arg3[%select_n3A_638, %mul3A_656, %mul3A_614] : memref<8x128x16384xf32, #tpu.memory_space<hbm>> -> memref<1x8x2048xf32, #tpu.memory_space<hbm>>
      %dma_start3A_660 = tpu.memref_squeeze %dma_start3A_659 : memref<1x8x2048xf32, #tpu.memory_space<hbm>> -> memref<8x2048xf32, #tpu.memory_space<hbm>>
      tpu.enqueue_dma source(%arg7 : memref<8x2048xf32, #tpu.memory_space<vmem>>) target(%dma_start3A_660 : memref<8x2048xf32, #tpu.memory_space<hbm>>) target_semaphore(%arg11 : memref<!tpu.dma_semaphore, #tpu.memory_space<semaphore_mem>>)
    }
    %scan3A_99 = arith.constant 16 : i32
    %add3A_100 = arith.constant 3 : i32
    %add3A_101 = arith.addi %mul3A_2, %add3A_100 : i32
    %jit3A_102 = arith.constant 16 : i32
    %div3A_103 = arith.divsi %add3A_101, %jit3A_102 : i32
    %sign3A_104 = arith.constant 0 : i32
    %sign3A_105 = arith.cmpi sgt, %add3A_101, %sign3A_104 : i32
    %sign3A_106 = arith.extui %sign3A_105 : i1 to i32
    %sign3A_107 = arith.constant 0 : i32
    %sign3A_108 = arith.cmpi slt, %add3A_101, %sign3A_107 : i32
    %sign3A_109 = arith.extui %sign3A_108 : i1 to i32
    %sign3A_110 = arith.subi %sign3A_106, %sign3A_109 : i32
    %sign3A_111 = arith.constant 0 : i32
    %sign3A_112 = arith.cmpi sgt, %jit3A_102, %sign3A_111 : i32
    %sign3A_113 = arith.extui %sign3A_112 : i1 to i32
    %sign3A_114 = arith.constant 0 : i32
    %sign3A_115 = arith.cmpi slt, %jit3A_102, %sign3A_114 : i32
    %sign3A_116 = arith.extui %sign3A_115 : i1 to i32
    %sign3A_117 = arith.subi %sign3A_113, %sign3A_116 : i32
    %ne3A_118 = arith.cmpi ne, %sign3A_110, %sign3A_117 : i32
    %rem3A_119 = arith.remsi %add3A_101, %jit3A_102 : i32
    %ne3A_120 = arith.constant 0 : i32
    %ne3A_121 = arith.cmpi ne, %rem3A_119, %ne3A_120 : i32
    %and3A_122 = arith.andi %ne3A_118, %ne3A_121 : i1
    %sub3A_123 = arith.constant 1 : i32
    %sub3A_124 = arith.subi %div3A_103, %sub3A_123 : i32
    %select_n3A_125 = arith.select %and3A_122, %sub3A_124, %div3A_103 : i32
    %jit3A_126 = arith.constant 16 : i32
    %eq3A_127 = arith.constant 0 : i32
    %eq3A_128 = arith.cmpi eq, %jit3A_126, %eq3A_127 : i32
    %jit3A_129 = arith.constant 1 : i32
    %select_n3A_130 = arith.select %eq3A_128, %jit3A_129, %jit3A_126 : i32
    %rem3A_131 = arith.remsi %add3A_101, %select_n3A_130 : i32
    %ne3A_132 = arith.constant 0 : i32
    %ne3A_133 = arith.cmpi ne, %rem3A_131, %ne3A_132 : i32
    %lt3A_134 = arith.constant 0 : i32
    %lt3A_135 = arith.cmpi slt, %rem3A_131, %lt3A_134 : i32
    %lt3A_136 = arith.constant 0 : i32
    %lt3A_137 = arith.cmpi slt, %select_n3A_130, %lt3A_136 : i32
    %ne3A_138 = arith.xori %lt3A_135, %lt3A_137 : i1
    %and3A_139 = arith.andi %ne3A_138, %ne3A_133 : i1
    %add3A_140 = arith.addi %rem3A_131, %select_n3A_130 : i32
    %select_n3A_141 = arith.select %and3A_139, %add3A_140, %rem3A_131 : i32
    %mul3A_142 = arith.constant 8 : i32
    %mul3A_143 = arith.muli %select_n3A_141, %mul3A_142 : i32
    %dma_wait3A = arith.constant 12288 : i32
    %dma_wait3A_144 = tpu.memref_slice %arg3[%select_n3A_125, %mul3A_143, %dma_wait3A] : memref<8x128x16384xf32, #tpu.memory_space<hbm>> -> memref<1x8x2048xf32, #tpu.memory_space<hbm>>
    %dma_wait3A_145 = tpu.memref_squeeze %dma_wait3A_144 : memref<1x8x2048xf32, #tpu.memory_space<hbm>> -> memref<8x2048xf32, #tpu.memory_space<hbm>>
    %dma_wait3A_146 = arith.constant 12288 : i32
    %dma_wait3A_147 = tpu.memref_slice %arg3[%select_n3A_125, %mul3A_143, %dma_wait3A_146] : memref<8x128x16384xf32, #tpu.memory_space<hbm>> -> memref<1x8x2048xf32, #tpu.memory_space<hbm>>
    %dma_wait3A_148 = tpu.memref_squeeze %dma_wait3A_147 : memref<1x8x2048xf32, #tpu.memory_space<hbm>> -> memref<8x2048xf32, #tpu.memory_space<hbm>>
    tpu.wait_dma2 semaphore(%arg10 : memref<!tpu.dma_semaphore, #tpu.memory_space<semaphore_mem>>) src(%arg6 : memref<8x2048xf32, #tpu.memory_space<vmem>>) dst(%dma_wait3A_148 : memref<8x2048xf32, #tpu.memory_space<hbm>>)
    %add3A_149 = arith.constant 3 : i32
    %add3A_150 = arith.addi %mul3A_2, %add3A_149 : i32
    %jit3A_151 = arith.constant 16 : i32
    %div3A_152 = arith.divsi %add3A_150, %jit3A_151 : i32
    %sign3A_153 = arith.constant 0 : i32
    %sign3A_154 = arith.cmpi sgt, %add3A_150, %sign3A_153 : i32
    %sign3A_155 = arith.extui %sign3A_154 : i1 to i32
    %sign3A_156 = arith.constant 0 : i32
    %sign3A_157 = arith.cmpi slt, %add3A_150, %sign3A_156 : i32
    %sign3A_158 = arith.extui %sign3A_157 : i1 to i32
    %sign3A_159 = arith.subi %sign3A_155, %sign3A_158 : i32
    %sign3A_160 = arith.constant 0 : i32
    %sign3A_161 = arith.cmpi sgt, %jit3A_151, %sign3A_160 : i32
    %sign3A_162 = arith.extui %sign3A_161 : i1 to i32
    %sign3A_163 = arith.constant 0 : i32
    %sign3A_164 = arith.cmpi slt, %jit3A_151, %sign3A_163 : i32
    %sign3A_165 = arith.extui %sign3A_164 : i1 to i32
    %sign3A_166 = arith.subi %sign3A_162, %sign3A_165 : i32
    %ne3A_167 = arith.cmpi ne, %sign3A_159, %sign3A_166 : i32
    %rem3A_168 = arith.remsi %add3A_150, %jit3A_151 : i32
    %ne3A_169 = arith.constant 0 : i32
    %ne3A_170 = arith.cmpi ne, %rem3A_168, %ne3A_169 : i32
    %and3A_171 = arith.andi %ne3A_167, %ne3A_170 : i1
    %sub3A_172 = arith.constant 1 : i32
    %sub3A_173 = arith.subi %div3A_152, %sub3A_172 : i32
    %select_n3A_174 = arith.select %and3A_171, %sub3A_173, %div3A_152 : i32
    %jit3A_175 = arith.constant 16 : i32
    %eq3A_176 = arith.constant 0 : i32
    %eq3A_177 = arith.cmpi eq, %jit3A_175, %eq3A_176 : i32
    %jit3A_178 = arith.constant 1 : i32
    %select_n3A_179 = arith.select %eq3A_177, %jit3A_178, %jit3A_175 : i32
    %rem3A_180 = arith.remsi %add3A_150, %select_n3A_179 : i32
    %ne3A_181 = arith.constant 0 : i32
    %ne3A_182 = arith.cmpi ne, %rem3A_180, %ne3A_181 : i32
    %lt3A_183 = arith.constant 0 : i32
    %lt3A_184 = arith.cmpi slt, %rem3A_180, %lt3A_183 : i32
    %lt3A_185 = arith.constant 0 : i32
    %lt3A_186 = arith.cmpi slt, %select_n3A_179, %lt3A_185 : i32
    %ne3A_187 = arith.xori %lt3A_184, %lt3A_186 : i1
    %and3A_188 = arith.andi %ne3A_187, %ne3A_182 : i1
    %add3A_189 = arith.addi %rem3A_180, %select_n3A_179 : i32
    %select_n3A_190 = arith.select %and3A_188, %add3A_189, %rem3A_180 : i32
    %mul3A_191 = arith.constant 8 : i32
    %mul3A_192 = arith.muli %select_n3A_190, %mul3A_191 : i32
    %dma_wait3A_193 = arith.constant 14336 : i32
    %dma_wait3A_194 = tpu.memref_slice %arg3[%select_n3A_174, %mul3A_192, %dma_wait3A_193] : memref<8x128x16384xf32, #tpu.memory_space<hbm>> -> memref<1x8x2048xf32, #tpu.memory_space<hbm>>
    %dma_wait3A_195 = tpu.memref_squeeze %dma_wait3A_194 : memref<1x8x2048xf32, #tpu.memory_space<hbm>> -> memref<8x2048xf32, #tpu.memory_space<hbm>>
    %dma_wait3A_196 = arith.constant 14336 : i32
    %dma_wait3A_197 = tpu.memref_slice %arg3[%select_n3A_174, %mul3A_192, %dma_wait3A_196] : memref<8x128x16384xf32, #tpu.memory_space<hbm>> -> memref<1x8x2048xf32, #tpu.memory_space<hbm>>
    %dma_wait3A_198 = tpu.memref_squeeze %dma_wait3A_197 : memref<1x8x2048xf32, #tpu.memory_space<hbm>> -> memref<8x2048xf32, #tpu.memory_space<hbm>>
    tpu.wait_dma2 semaphore(%arg11 : memref<!tpu.dma_semaphore, #tpu.memory_space<semaphore_mem>>) src(%arg7 : memref<8x2048xf32, #tpu.memory_space<vmem>>) dst(%dma_wait3A_198 : memref<8x2048xf32, #tpu.memory_space<hbm>>)
    return
  }
}

</mosaic_0001>

<sc_bundles>
// kernel: kernel.3.cloned.1.call-start
scs
__scs_entry_jumppad:
0x0: {  	(pc) =	sbr.rel $0x88, $3  }
0x1: {  	(tag) =	ssettag $0x0;
	lr =	simm.s32 $0x1  }
0x2: {  	[smem:$0x3FA0] =	sst lr;
	_ =	strace $0xD0000000  }
0x3: {  	_ = 	snop  }
0x4: {  	_ = 	snop  }
0x5: {  	_ = 	snop  }
0x6: {  	_ = 	snop  }
0x7: {  	_ = 	snop  }
__scs_overlays_trampoline_lowered:
0x8: {  	[smem:$0x3FAF] =	sst s0  }
0x9: {  	[smem:$0x3FB0] =	sst s1  }
0xa: {  	[smem:$0x3FB1] =	sst s2  }
0xb: {  	[smem:$0x3FB2] =	sst s3  }
0xc: {  	[smem:$0x3FB3] =	sst s4  }
0xd: {  	[smem:$0x3FB4] =	sst s5  }
0xe: {  	[smem:$0x3FB5] =	sst s6  }
0xf: {  	[smem:$0x3FB6] =	sst s7  }
0x10: {  	[smem:$0x3FB7] =	sst s8  }
0x11: {  	[smem:$0x3FB8] =	sst s9;
	s0 =	simm.s32 @!p0 $0x0  }
0x12: {  	s1 =	sld [smem:$0x3F9E];
	s0 =	simm.s32 @p0 $0x1  }
0x13: {  	[smem:$0x3FB9] =	sst s0;
	s0 =	simm.s32 @!p1 $0x0  }
0x14: {  	s2 =	sld [smem:$0x3F9D];
	s0 =	simm.s32 @p1 $0x1  }
0x15: {  	[smem:$0x3FBA] =	sst s0;
	s0 =	simm.s32 @!p2 $0x0  }
0x16: {  	s3 =	sld [smem:$0x3FDB];
	s0 =	simm.s32 @p2 $0x1  }
0x17: {  	s4 =	simm.s32 $0x1BF5;
	[smem:$0x3FBC] =	sst s0  }
0x18: {  	s0 =	sld [smem:$0x3F9F];
	_ =	swait.ge [sflag:s4], $0x0  }
0x19: {  	s7 =	sld [smem:$0x3FA0]  }
0x1a: {  	s8 =	sadd.s32 $0xFFFFE003, lr  }
0x1b: {  	s9 =	sadd.s32 $0xFFFFFEF7, lr;
	s5 =	simm.s32 $0xFFFFFFFF;
	p2 =	slt.u32 s8, $0xFFFFF086  }
0x1c: {  	p1 =	slt.u32 s9, $0xF7A;
	s5 =	simm.s32 @!p2 $0x0  }
0x1d: {  	s5 =	simm.s32 @p1 $0x1;
	p0 =	seq.s32 s7, s2  }
0x1e: {  	s7 =	smul.u32 @!p0 $0xF7A, s2;
	p2 =	seq.s32 @!p0 s5, $0x0  }
0x1f: {  	s9 =	smul.u32 $0xF7A, s1;
	s8 =	simm.s32 @!p0 $0x1BF5;
	p2 =	por !p2, p0  }
0x20: {  	[sflag:s8] =	ssyncset.s32 @!p0 $0xFFFFF086;
	s6 =	sadd.s32 @!p0 s3, s7;
	s7 =	simm.s32 @!p0 $0x108  }
0x21: {  	s3 =	sadd.s32 s3, s9;
	s6 =	sadd.s32 @!p0 $0x88, s6;
	s7 =	simm.s32 @p2 $0x1082  }
0x22: {  	[simem:s7], [sflag:s8] =	dma.local @!p0 [hbm:s6], $0xF7A  }
0x23: {  	s9 =	sor.u32 $0xD0000000, s2;
	s6 =	simm.s32 $0x108;
	_ =	swait.ge @!p0 [sflag:s8], $0x0  }
0x24: {  	s3 =	sadd.s32 $0x88, s3;
	s6 =	simm.s32 @!p1 $0x1082;
	[sflag:s4] =	ssyncset.s32 $0xFFFFF086  }
0x25: {  	[simem:s6], [sflag:s4] =	dma.local [hbm:s3], $0xF7A  }
0x26: {  	[smem:$0x3FA0] =	sst s1;
	(tag) =	ssettag s2;
	_ =	strace s9  }
0x27: {  	s1 =	sld [smem:$0x3FB0]  }
0x28: {  	s2 =	sld [smem:$0x3FB1]  }
0x29: {  	s4 =	sld [smem:$0x3FB3]  }
0x2a: {  	p0 =	seq.s32 s5, $0x0;
	s5 =	sld [smem:$0x3FB4]  }
0x2b: {  	s6 =	sld [smem:$0x3FB5]  }
0x2c: {  	s7 =	sld [smem:$0x3FB6]  }
0x2d: {  	s3 =	simm.s32 $0x108;
	s8 =	sld [smem:$0x3FB7]  }
0x2e: {  	s3 =	simm.s32 @!p0 $0x1082;
	s9 =	sld [smem:$0x3FB8]  }
0x2f: {  	lr =	sadd.s32 s0, s3;
	s0 =	sld [smem:$0x3FAF]  }
0x30: {  	s3 =	sld [smem:$0x3FB2]  }
0x31: {  	[smem:$0x3FBB] =	sst s10  }
0x32: {  	s10 =	sld [smem:$0x3FB9];
	_ =	sdelay $0x3  }
0x33: {  	p0 =	seq.s32 s10, $0x1;
	s10 =	sld [smem:$0x3FBB];
	_ =	sdelay $0x3  }
0x34: {  	[smem:$0x3FBB] =	sst s10  }
0x35: {  	s10 =	sld [smem:$0x3FBA];
	_ =	sdelay $0x3  }
0x36: {  	p1 =	seq.s32 s10, $0x1;
	s10 =	sld [smem:$0x3FBB];
	_ =	sdelay $0x3  }
0x37: {  	[smem:$0x3FBB] =	sst s10  }
0x38: {  	s10 =	sld [smem:$0x3FBC]  }
0x39: {  	_ = 	snop;
	(pc) =	sbr.ind lr, $3  }
0x3a: {  	_ = 	snop  }
0x3b: {  	_ = 	snop  }
0x3c: {  	p2 =	seq.s32 s10, $0x1;
	s10 =	sld [smem:$0x3FBB]  }
0x3d: {  	_ =	shalt  }
0x3e: {  	_ =	shalt  }
0x3f: {  	_ =	shalt  }
0x40: {  	_ =	shalt  }
0x41: {  	_ =	shalt  }
0x42: {  	_ =	shalt  }
0x43: {  	_ =	shalt  }
0x44: {  	_ =	shalt  }
0x45: {  	_ =	shalt  }
0x46: {  	_ =	shalt  }
0x47: {  	_ =	shalt  }
0x48: {  	_ =	shalt  }
0x49: {  	_ =	shalt  }
0x4a: {  	_ =	shalt  }
0x4b: {  	_ =	shalt  }
0x4c: {  	_ =	shalt  }
0x4d: {  	_ =	shalt  }
0x4e: {  	_ =	shalt  }
0x4f: {  	_ =	shalt  }
0x50: {  	_ =	shalt  }
0x51: {  	_ =	shalt  }
0x52: {  	_ =	shalt  }
0x53: {  	_ =	shalt  }
0x54: {  	_ =	shalt  }
0x55: {  	_ =	shalt  }
0x56: {  	_ =	shalt  }
0x57: {  	_ =	shalt  }
0x58: {  	_ =	shalt  }
0x59: {  	_ =	shalt  }
0x5a: {  	_ =	shalt  }
0x5b: {  	_ =	shalt  }
0x5c: {  	_ =	shalt  }
0x5d: {  	_ =	shalt  }
0x5e: {  	_ =	shalt  }
0x5f: {  	_ =	shalt  }
0x60: {  	_ =	shalt  }
0x61: {  	_ =	shalt  }
0x62: {  	_ =	shalt  }
0x63: {  	_ =	shalt  }
0x64: {  	_ =	shalt  }
0x65: {  	_ =	shalt  }
0x66: {  	_ =	shalt  }
0x67: {  	_ =	shalt  }
0x68: {  	_ =	shalt  }
0x69: {  	_ =	shalt  }
0x6a: {  	_ =	shalt  }
0x6b: {  	_ =	shalt  }
0x6c: {  	_ =	shalt  }
0x6d: {  	_ =	shalt  }
0x6e: {  	_ =	shalt  }
0x6f: {  	_ =	shalt  }
0x70: {  	_ =	shalt  }
0x71: {  	_ =	shalt  }
0x72: {  	_ =	shalt  }
0x73: {  	_ =	shalt  }
0x74: {  	_ =	shalt  }
0x75: {  	_ =	shalt  }
0x76: {  	_ =	shalt  }
0x77: {  	_ =	shalt  }
0x78: {  	_ =	shalt  }
0x79: {  	_ =	shalt  }
0x7a: {  	_ =	shalt  }
0x7b: {  	_ =	shalt  }
0x7c: {  	_ =	shalt  }
0x7d: {  	_ =	shalt  }
0x7e: {  	_ =	shalt  }
0x7f: {  	_ =	shalt  }
0x80: {  	_ =	shalt  }
0x81: {  	_ =	shalt  }
0x82: {  	_ =	shalt  }
0x83: {  	_ =	shalt  }
0x84: {  	_ =	shalt  }
0x85: {  	_ =	shalt  }
0x86: {  	_ =	shalt  }
0x87: {  	_ =	shalt  }
.Lfunc_end0:
.L_simem_size_0:
called_computation_lowered:
.L_overlay_start_0:
0x88: {  	s2 =	sld [smem:$0x3FD9]  }
0x89: {  	s3 =	sld [smem:$0x3FFE];
	_ =	sdelay $0x1  }
0x8a: {  	s1 =	srdreg.scid  }
0x8b: {  	s0 =	sand.u32 $0x1, s1  }
0x8c: {  	s18 =	sshll.u32 s0, $0xA;
	s2 =	sadd.s32 s3, s2  }
0x8d: {  	s2 =	sadd.s32 s2, s18  }
0x8e: {  	[smem:$0x3FC7] =	sst s2  }
0x8f: {  	_ = 	snop  }
0x90: {  	s2 =	sld [smem:$0x3FC9]  }
0x91: {  	s19 =	sld [smem:$0x3FD0];
	(tm) =	ssettm $0x1  }
0x92: {  	s4 =	sld [smem:$0x3FFB];
	_ =	sdelay $0x3  }
0x93: {  	_ =	strace s4  }
0x94: {  	s4 =	sld [smem:$0x3FFC];
	_ =	sdelay $0x3  }
0x95: {  	_ =	strace s4  }
0x96: {  	s4 =	sld [smem:$0x3FFD];
	_ =	sdelay $0x3  }
0x97: {  	_ =	strace s4  }
0x98: {  	_ =	strace $0x8FFFFFFF  }
0x99: {  	s20 =	sld [smem:$0x3FDB];
	_ =	sdelay $0x1  }
0x9a: {  	s5 =	simm.s32 $_scs_section_size  }
0x9b: {  	s6 =	simm.s32 $_size__tile_overlayer_lowered;
	s7 =	simm.s32 $_tile_overlayer_lowered  }
0x9c: {  	s23 =	simm.s32 $0x1BFF;
	s22 =	sshll.u32 s7, $0x1;
	s4 =	sadd.s32 s5, s20  }
0x9d: {  	s8 =	simm.s32 $0x0;
	s21 =	sshll.u32 s6, $0x1;
	s6 =	sadd.s32 s22, s4  }
0x9e: {  	[timem:s8], [sflag:s23] =	dma.local [hbm:s6], s21  }
0x9f: {  	_ =	swait.ge [sflag:s23], s21  }
0xa0: {  	s5 =	ssub.s32 $0x0, s21;
	[sflag:s23] =	ssyncset.done $0x0  }
0xa1: {  	[sflag:s23] =	ssyncadd.s32 s5;
	_ =	sdelay $0x1  }
0xa2: {  	s24 =	simm.s32 $0x1B8B  }
0xa3: {  	_ =	swait.ge [sflag:s24], $0x1  }
0xa4: {  	[sflag:s24] =	ssyncset.done $0x0  }
0xa5: {  	s25 =	simm.s32 $0x1B8E;
	[sflag:s24] =	ssyncadd.s32 $0xFFFFFFFF  }
0xa6: {  	s26 =	simm.s32 $execute0_lowered;
	[smem:$0x3FD2] =	sst s25  }
0xa7: {  	s5 =	sshll.u32 s26, $0x1;
	_ =	strace $0x80000046;
	[dreg:$0x1] =	wrdreg $0xFFFFFFFF  }
0xa8: {  	s28 =	simm.s32 $_size_execute0_lowered;
	s4 =	sadd.s32 s4, s5;
	[dreg:$0x0] =	wrdreg $0x0  }
0xa9: {  	s5 =	sshll.u32 s28, $0x1;
	[dreg:$0x2] =	wrdreg s4  }
0xaa: {  	[dreg:$0x3] =	wrdreg s5  }
0xab: {  	[dreg:$0x4] =	wrdreg $0xC0  }
0xac: {  	_ =	task [dreg:s8], $0x5FFFF  }
0xad: {  	[dreg:$0x1] =	wrdreg $0xFFFFFFFF  }
0xae: {  	[dreg:$0x0] =	wrdreg $0x60  }
0xaf: {  	[dreg:$0x2] =	wrdreg s2  }
0xb0: {  	[dreg:$0x3] =	wrdreg s19  }
0xb1: {  	[dreg:$0x4] =	wrdreg $0x9  }
0xb2: {  	_ =	task.clear_ibuf [dreg:s8], $0x5FFFF;
	_ =	strace $0x90000046  }
0xb3: {  	s29 =	simm.s32 $0x9;
	_ =	strace $0x80000048  }
0xb4: {  	_ =	swait.ge [sflag:s29], $0x1  }
0xb5: {  	[sflag:s29] =	ssyncadd.s32 $0xFFFFFFFF  }
0xb6: {  	_ =	strace $0x90000048  }
0xb7: {  	_ =	sfence  }
0xb8: {  	s30 =	sld [smem:$0x0];
	_ =	sdelay $0x2  }
0xb9: {  	s31 =	sshll.u32 s1, $0xD;
	s1 =	sshrl.u32 s1, $0x2  }
0xba: {  	s3 =	sand.u32 $0x4000, s31;
	s1 =	sadd.s32 s1, s30  }
0xbb: {  	s0 =	sor.u32 s3, s0;
	s1 =	sshll.u32 s1, $0x11  }
0xbc: {  	s0 =	sor.u32 s1, s0  }
0xbd: {  	s0 =	sadd.s32 $0x8F2B, s0  }
0xbe: {  	[sflag:s0] =	ssyncadd.remote.s32 $0x1  }
0xbf: {  	_ =	sfence.sel $0xFFFF  }
0xc0: {  	[dreg:$0x0] =	wrdreg $0xFFFFFFFF;
	(pc) =	sbr.abs _section_cstart, $3  }
0xc1: {  	[dreg:$0x1] =	wrdreg $0xFFFFFFFF  }
0xc2: {  	_ =	task.clear_ibuf [dreg:s8], $0x2FFFF;
	_ =	strace $0x9FFFFFFF  }
0xc3: {  	(tm) =	ssettm $0x7FFFFFFF  }
tec
execute0_lowered:
.L_overlay_start_1:
0x0: {  	(tag) =	ssettag $0x1  }
0x1: {  	s2 =	rddreg [dreg:$0x0]  }
0x2: {  	s3 =	rddreg [dreg:$0x1];
	s4 =	srdreg.scid  }
0x3: {  	s1 =	stileid.u32;
	s11 =	simm.s32 $0x8000;
	s12 =	simm.s32 $0x1  }
0x4: {  	s13 =	simm.s32 $0x10000;
	s14 =	simm.s32 $0x2;
	s15 =	simm.s32 $0x14000  }
0x5: {  	s16 =	simm.s32 $0x3;
	s17 =	simm.s32 $0x4;
	s18 =	simm.s32 $0x0  }
0x6: {  	s5 =	sand.u32 $0x1, s4;
	s4 =	simm.s32 $0x0;
	s6 =	sshll.u32 s1, $0x3  }
.Ltmp0:
0x7: {  	s9 =	sshll.u32 s1, $0x11;
	s7 =	sshll.u32 s5, $0x2;
	(pc) =	sbr.rel .LBB2_1-.Ltmp0, $4  }
0x8: {  	v0 =	vlaneseq.u32;
	[smem:$0x7FF] =	sst s4;
	s8 =	ssub.s32 $0x2, s5;
	s5 =	sor.u32 s7, s6  }
0x9: {  	v1 =	vimm.s32 $0x0;
	vm0 =	vcmask $0x300;
	v0 =	vmul.u32 $0x2, v0;
	s9 =	sand.u32 $0x1C0000, s9;
	s31 =	sshrl.u32 s8, $0x1;
	s7 =	sshll.u32 s5, $0xF  }
0xa: {  	v1 =	vsel vm0, $0xA, v1;
	_ =	strace $0x80000047;
	s10 =	ssub.s32 s8, s31;
	s6 =	sadd.s32 s2, s7  }
0xb: {  	v2 =	vor.u32 $0x20, v0;
	v3 =	vor.u32 $0x40, v0;
	v4 =	vor.u32 $0x60, v0;
	s8 =	sand.u32 $0xC, s5;
	s10 =	smax.u32 s10, $0x1;
	s7 =	sadd.s32 $0x1000, s6  }
.LBB2_95:
0xc: {  	s18 =	sadd.s32 $0x1, s18  }
0xd: {  	_ =	swait.ge [sflag:s16], $0x4000;
	p0 =	sne.s32 s18, s10  }
.Ltmp1:
0xe: {  	[sflag:s16] =	ssyncset.done $0x0;
	(pc) =	sbr.rel @!p0 .LBB2_96-.Ltmp1, $4  }
0xf: {  	[sflag:s16] =	ssyncadd.s32 $0xFFFFC000  }
0x10: {  	_ =	swait.ge [sflag:s17], $0x4000  }
0x11: {  	[sflag:s17] =	ssyncset.done $0x0  }
0x12: {  	[sflag:s17] =	ssyncadd.s32 $0xFFFFC000  }
.LBB2_1:
0x13: {  	[tilespmem:s4], [sflag:$0x1] =	stream.linear.gather [hbm4b:s6+s4], $0x8000, $0x38;
	[tilespmem:$0x18000] =	vst v63  }
0x14: {  	s19 =	simm.s32 $0x0  }
0x15: {  	[tilespmem:s11], [sflag:$0x2] =	stream.linear.gather [hbm4b:s7+s4], $0x8000, $0x38;
	[tilespmem:$0x18000] =	vst v63  }
.LBB2_2:
0x16: {  	s22 =	simm.s32 $0x0;
	s20 =	simm.s32 $0x80;
	s21 =	simm.s32 $0xE0  }
0x17: {  	s23 =	simm.s32 $0xA0;
	s24 =	simm.s32 $0xC0;
	s28 =	simm.s32 $0x1E0;
	v5 =	vmov s22;
	v6 =	vmov s20;
	v7 =	vmov s21  }
0x18: {  	v8 =	vmov s23;
	v9 =	vmov s24;
	v15 =	vmov s28  }
0x19: {  	v5 =	vshrl.u32 v5, $0x7;
	v7 =	vshrl.u32 v7, $0x7;
	v6 =	vshrl.u32 v6, $0x7  }
0x1a: {  	v10 =	vshrl.u32 v8, $0x7;
	v8 =	vshll.u32 v7, v1;
	v6 =	vshll.u32 v6, v1  }
0x1b: {  	v7 =	vshrl.u32 v9, $0x7;
	v5 =	vshll.u32 v5, v1;
	v11 =	vbroadcast v8, $0x0  }
0x1c: {  	_ =	swait.ge [sflag:s12], $0x8000;
	v9 =	vshll.u32 v10, v1;
	v7 =	vshll.u32 v7, v1;
	v10 =	vbroadcast v6, $0x0  }
0x1d: {  	p0 =	seq.s32 s19, $0x0;
	s30 =	simm.s32 $0x1C0;
	[sflag:s12] =	ssyncset.done $0x0;
	v12 =	vbroadcast v9, $0x0;
	v13 =	vbroadcast v5, $0x0;
	v11 =	vor.u32 v4, v11  }
0x1e: {  	s20 =	simm.s32 @!p0 $0x3;
	v19 =	vmov s30;
	[sflag:s12] =	ssyncadd.s32 $0xFFFF8000;
	v14 =	vbroadcast v7, $0x0;
	v10 =	vor.u32 v0, v10  }
0x1f: {  	s25 =	simm.s32 $0x100;
	_ =	swait.ge @!p0 [sflag:s20], $0x4000;
	v12 =	vor.u32 v2, v12;
	v17 =	vor.u32 v0, v13;
	v20 =	vor.u32 v2, v13  }
0x20: {  	s26 =	simm.s32 $0x180;
	[sflag:s20] =	ssyncset.done @!p0 $0x0;
	v21 =	vor.u32 v3, v13;
	v18 =	vor.u32 v3, v14;
	v14 =	vmov s25  }
0x21: {  	[sflag:s20] =	ssyncadd.s32 @!p0 $0xFFFFC000;
	v29 =	vor.u32 v4, v13;
	v13 =	vshrl.u32 v14, $0x7;
	v14 =	vmov s26  }
0x22: {  	s29 =	simm.s32 $0x1A0;
	v15 =	vshrl.u32 v15, $0x7;
	v19 =	vshrl.u32 v19, $0x7;
	v22 =	vshrl.u32 v14, $0x7;
	v23 =	vld.idx.msk [tilespmem:v11+s22+$0x0], $0xffff  }
0x23: {  	v14 =	vshll.u32 v15, v1;
	v11 =	vmov s29;
	v16 =	vld.idx.msk [tilespmem:v10+s22+$0x0], $0xffff;
	v10 =	vshll.u32 v13, v1  }
0x24: {  	v15 =	vld.idx.msk [tilespmem:v12+s22+$0x0], $0xffff;
	v24 =	vshrl.u32 v11, $0x7;
	v11 =	vshll.u32 v22, v1;
	v22 =	vbroadcast v14, $0x0  }
0x25: {  	v13 =	vshll.u32 v19, v1;
	v19 =	vld.idx.msk [tilespmem:v17+s22+$0x0], $0xffff;
	v28 =	vbroadcast v10, $0x0  }
0x26: {  	v21 =	vld.idx.msk [tilespmem:v21+s22+$0x0], $0xffff;
	v12 =	vshll.u32 v24, v1;
	v24 =	vbroadcast v11, $0x0;
	v26 =	vor.u32 v4, v22  }
0x27: {  	s31 =	sshrl.u32 s19, $0x2;
	s23 =	simm.s32 $0x10040;
	v18 =	vld.idx.msk [tilespmem:v18+s22+$0x0], $0xffff;
	v17 =	vbroadcast v13, $0x0;
	v25 =	vbroadcast v12, $0x0  }
0x28: {  	s21 =	sadd.s32 s8, s31;
	s24 =	simm.s32 $0x10040;
	v22 =	vld.idx.msk [tilespmem:v20+s22+$0x0], $0xffff;
	v20 =	vor.u32 v2, v28;
	v27 =	vor.u32 v0, v24;
	[tilespmem:s23+$0x30] =	vst v23  }
0x29: {  	s20 =	sshll.u32 s19, $0x1;
	s25 =	simm.s32 $0x8;
	s26 =	simm.s32 $0x200;
	v24 =	vor.u32 v2, v25;
	v23 =	vor.u32 v0, v28;
	v25 =	vor.u32 v3, v17;
	v17 =	vld.idx.msk [tilespmem:v29+s22+$0x0], $0xffff  }
.LBB2_3:
0x2a: {  	v29 =	vmov s26;
	s28 =	sadd.s32 $0x80, s26;
	s29 =	sadd.s32 $0xE0, s26;
	s25 =	sadd.s32 $0x8, s25;
	v30 =	vor.u32 v3, v28;
	v31 =	vor.u32 v4, v28;
	[tilespmem:s23+$0x0] =	vst v16  }
0x2b: {  	s30 =	sadd.s32 $0xC0, s26;
	v28 =	vshrl.u32 v29, $0x7;
	v16 =	vmov s28;
	s28 =	sadd.s32 $0xA0, s26;
	v29 =	vmov s29;
	p1 =	slt.u32 s25, $0x78;
	v32 =	vld.idx.msk [tilespmem:v26+s22+$0x0], $0xffff;
	[tilespmem:s23+$0x10] =	vst v15  }
0x2c: {  	v26 =	vmov s30;
	v15 =	vmov s28;
	v29 =	vshrl.u32 v29, $0x7;
	[tilespmem:s23+$0x20] =	vst v18  }
0x2d: {  	v18 =	vshrl.u32 v16, $0x7;
	v33 =	vshrl.u32 v15, $0x7;
	v15 =	vshll.u32 v29, v1;
	v16 =	vld.idx.msk [tilespmem:v27+s22+$0x0], $0xffff;
	[tilespmem:s23+$0xFFFFFFC0] =	vst v19  }
0x2e: {  	v19 =	vshll.u32 v18, v1;
	v18 =	vshrl.u32 v26, $0x7;
	v26 =	vbroadcast v15, $0x0;
	v15 =	vld.idx.msk [tilespmem:v24+s22+$0x0], $0xffff;
	[tilespmem:s23+$0xFFFFFFD0] =	vst v22  }
.Ltmp2:
0x2f: {  	v22 =	vshll.u32 v28, v1;
	v24 =	vshll.u32 v33, v1;
	v27 =	vshll.u32 v18, v1;
	v18 =	vld.idx.msk [tilespmem:v25+s22+$0x0], $0xffff;
	(pc) =	sbr.rel @p1 .LBB2_3-.Ltmp2, $4  }
0x30: {  	s23 =	sadd.s32 $0x400, s23;
	v25 =	vbroadcast v19, $0x0;
	v24 =	vbroadcast v24, $0x0;
	v26 =	vor.u32 v4, v26;
	v19 =	vld.idx.msk [tilespmem:v23+s22+$0x0], $0xffff;
	[tilespmem:s24+$0xFFFFFFE0] =	vst v21  }
0x31: {  	v28 =	vbroadcast v22, $0x0;
	v29 =	vbroadcast v27, $0x0;
	v22 =	vld.idx.msk [tilespmem:v20+s22+$0x0], $0xffff;
	[tilespmem:s23+$0x30] =	vst v32  }
0x32: {  	v27 =	vor.u32 v0, v25;
	v24 =	vor.u32 v2, v24;
	v21 =	vld.idx.msk [tilespmem:v30+s22+$0x0], $0xffff;
	[tilespmem:s24+$0xFFFFFFF0] =	vst v17;
	s24 =	smov.u32 s23  }
0x33: {  	s26 =	sadd.s32 $0x100, s26;
	v23 =	vor.u32 v0, v28;
	v20 =	vor.u32 v2, v28;
	v25 =	vor.u32 v3, v29;
	v17 =	vld.idx.msk [tilespmem:v31+s22+$0x0], $0xffff  }
0x34: {  	_ =	sdelay $0x1  }
0x35: {  	[tilespmem:s23+$0x0] =	vst v16  }
0x36: {  	[tilespmem:s23+$0x10] =	vst v15  }
0x37: {  	v16 =	vld.idx.msk [tilespmem:v26+s22+$0x0], $0xffff;
	[tilespmem:s23+$0x20] =	vst v18  }
0x38: {  	v15 =	vor.u32 v3, v28;
	v18 =	vld.idx.msk [tilespmem:v27+s22+$0x0], $0xffff;
	[tilespmem:s23+$0xFFFFFFC0] =	vst v19  }
0x39: {  	v24 =	vld.idx.msk [tilespmem:v24+s22+$0x0], $0xffff;
	v19 =	vor.u32 v4, v28;
	[tilespmem:s23+$0xFFFFFFD0] =	vst v22  }
0x3a: {  	v57 =	vld.idx.msk [tilespmem:v25+s22+$0x0], $0xffff;
	[tilespmem:s24+$0xFFFFFFE0] =	vst v21  }
0x3b: {  	s26 =	sadd.s32 $0x400, s23;
	v58 =	vld.idx.msk [tilespmem:v23+s22+$0x0], $0xffff;
	[tilespmem:s24+$0xFFFFFFF0] =	vst v17  }
0x3c: {  	v8 =	vadd.s32 $0x80, v8;
	[tilespmem:s26+$0x30] =	vst v16;
	v16 =	vld.idx.msk [tilespmem:v20+s22+$0x0], $0xffff  }
0x3d: {  	v6 =	vadd.s32 $0x80, v6;
	v8 =	vbroadcast v8, $0x0;
	v15 =	vld.idx.msk [tilespmem:v15+s22+$0x0], $0xffff;
	[tilespmem:s26+$0x0] =	vst v18  }
0x3e: {  	v9 =	vadd.s32 $0x80, v9;
	v6 =	vbroadcast v6, $0x0;
	[tilespmem:s26+$0x10] =	vst v24;
	v17 =	vld.idx.msk [tilespmem:v19+s22+$0x0], $0xffff  }
0x3f: {  	v7 =	vadd.s32 $0x80, v7;
	v9 =	vbroadcast v9, $0x0;
	v8 =	vor.u32 v4, v8;
	[tilespmem:s26+$0x20] =	vst v57  }
0x40: {  	v14 =	vadd.s32 $0x80, v14;
	v7 =	vbroadcast v7, $0x0;
	v6 =	vor.u32 v0, v6;
	[tilespmem:s26+$0xFFFFFFC0] =	vst v58  }
0x41: {  	v11 =	vadd.s32 $0x80, v11;
	v14 =	vbroadcast v14, $0x0;
	v9 =	vor.u32 v2, v9;
	[tilespmem:s26+$0xFFFFFFD0] =	vst v16  }
0x42: {  	v5 =	vadd.s32 $0x80, v5;
	v11 =	vbroadcast v11, $0x0;
	v7 =	vor.u32 v3, v7;
	[tilespmem:s26+$0xFFFFFFE0] =	vst v15  }
0x43: {  	v5 =	vbroadcast v5, $0x0;
	v14 =	vor.u32 v4, v14;
	s22 =	simm.s32 $0x0;
	[tilespmem:s26+$0xFFFFFFF0] =	vst v17  }
0x44: {  	v12 =	vadd.s32 $0x80, v12;
	v11 =	vor.u32 v0, v11;
	v8 =	vld.idx.msk [tilespmem:v8+s22+$0x0], $0xffff  }
0x45: {  	v13 =	vadd.s32 $0x80, v13;
	v10 =	vadd.s32 $0x80, v10;
	s30 =	simm.s32 $0x2E0;
	v15 =	vor.u32 v0, v5;
	v6 =	vld.idx.msk [tilespmem:v6+s22+$0x0], $0xffff  }
0x46: {  	v12 =	vbroadcast v12, $0x0;
	v59 =	vmov s30;
	v16 =	vor.u32 v2, v5;
	v9 =	vld.idx.msk [tilespmem:v9+s22+$0x0], $0xffff  }
0x47: {  	v17 =	vbroadcast v10, $0x0;
	v10 =	vbroadcast v13, $0x0;
	v13 =	vor.u32 v3, v5;
	v7 =	vld.idx.msk [tilespmem:v7+s22+$0x0], $0xffff  }
0x48: {  	s29 =	simm.s32 $0x200;
	v20 =	vshrl.u32 v59, $0x7;
	v14 =	vld.idx.msk [tilespmem:v14+s22+$0x0], $0xffff  }
0x49: {  	v12 =	vor.u32 v2, v12;
	s24 =	simm.s32 $0x100F0;
	v18 =	vmov s29;
	v20 =	vshll.u32 v20, v1;
	v63 =	vld.idx.msk [tilespmem:v11+s22+$0x0], $0xffff  }
0x4a: {  	v18 =	vshrl.u32 v18, $0x7;
	v5 =	vor.u32 v4, v5;
	s26 =	simm.s32 $0x2A0;
	v19 =	vor.u32 v0, v17;
	v15 =	vld.idx.msk [tilespmem:v15+s22+$0x0], $0xffff;
	[tilespmem:s24+$0x0] =	vst v8  }
0x4b: {  	s25 =	simm.s32 $0x280;
	v61 =	vmov s26;
	v10 =	vor.u32 v3, v10;
	v60 =	vor.u32 v2, v17;
	v16 =	vld.idx.msk [tilespmem:v16+s22+$0x0], $0xffff;
	[tilespmem:s24+$0xFFFFFFD0] =	vst v6  }
0x4c: {  	s31 =	simm.s32 $0x2C0;
	v62 =	vld.idx.msk [tilespmem:v13+s22+$0x0], $0xffff;
	v13 =	vadd.s32 $0x80, v20;
	v8 =	vmov s25;
	[tilespmem:s24+$0xFFFFFFE0] =	vst v9;
	v9 =	vshrl.u32 v61, $0x7  }
0x4d: {  	s23 =	simm.s32 $0x104F0;
	[tilespmem:s24+$0xFFFFFFF0] =	vst v7;
	v11 =	vbroadcast v13, $0x0;
	v6 =	vshrl.u32 v8, $0x7;
	v8 =	vmov s31  }
0x4e: {  	v13 =	vshll.u32 v18, v1;
	[tilespmem:s23+$0x0] =	vst v14;
	v9 =	vshll.u32 v9, v1;
	v8 =	vshrl.u32 v8, $0x7  }
0x4f: {  	v7 =	vld.idx.msk [tilespmem:v12+s22+$0x0], $0xffff;
	[tilespmem:s23+$0xFFFFFFD0] =	vst v63;
	v6 =	vshll.u32 v6, v1;
	v9 =	vadd.s32 $0x80, v9;
	v12 =	vor.u32 v4, v11  }
0x50: {  	v11 =	vadd.s32 $0x80, v13;
	[tilespmem:s24+$0xFFFFFF90] =	vst v15;
	v15 =	vadd.s32 $0x80, v6;
	v8 =	vshll.u32 v8, v1;
	v6 =	vld.idx.msk [tilespmem:v10+s22+$0x0], $0xffff  }
0x51: {  	[tilespmem:s24+$0xFFFFFFA0] =	vst v16;
	v18 =	vbroadcast v9, $0x0;
	v10 =	vadd.s32 $0x80, v8;
	v8 =	vld.idx.msk [tilespmem:v19+s22+$0x0], $0xffff;
	v14 =	vbroadcast v15, $0x0  }
0x52: {  	v13 =	vor.u32 v3, v17;
	v9 =	vld.idx.msk [tilespmem:v60+s22+$0x0], $0xffff;
	v15 =	vbroadcast v11, $0x0;
	[tilespmem:s24+$0xFFFFFFB0] =	vst v62;
	v16 =	vbroadcast v10, $0x0  }
0x53: {  	s28 =	simm.s32 $0x300;
	s26 =	simm.s32 $0x10;
	s25 =	simm.s32 $0x0;
	v10 =	vld.idx.msk [tilespmem:v5+s22+$0x0], $0xffff;
	v11 =	vor.u32 v2, v18;
	v5 =	vor.u32 v4, v17;
	v14 =	vor.u32 v0, v14  }
.LBB2_5:
0x54: {  	v17 =	vmov s28;
	s29 =	sadd.s32 $0xE0, s28;
	s26 =	sadd.s32 $0x8, s26;
	v18 =	vor.u32 v0, v15;
	v16 =	vor.u32 v3, v16;
	[tilespmem:s23+$0xFFFFFFE0] =	vst v7;
	v19 =	vmovc v15  }
0x55: {  	s30 =	sadd.s32 $0x80, s28;
	s31 =	sadd.s32 $0xA0, s28;
	v15 =	vshrl.u32 v17, $0x7;
	v7 =	vmov s29;
	p1 =	slt.u32 s26, $0x78;
	v17 =	vor.u32 v2, v19;
	v20 =	vld.idx.msk [tilespmem:v12+s22+$0x0], $0xffff;
	[tilespmem:s23+$0xFFFFFFF0] =	vst v6  }
0x56: {  	v6 =	vmov s30;
	v12 =	vmov s31;
	s29 =	sadd.s32 $0xC0, s28;
	v7 =	vshrl.u32 v7, $0x7;
	[tilespmem:s23+$0xFFFFFF90] =	vst v8  }
0x57: {  	v6 =	vshrl.u32 v6, $0x7;
	v8 =	vmov s29;
	v7 =	vshll.u32 v7, v1;
	[tilespmem:s23+$0xFFFFFFA0] =	vst v9;
	v21 =	vld.idx.msk [tilespmem:v13+s25+$0x0], $0xffff  }
0x58: {  	v9 =	vshrl.u32 v12, $0x7;
	v8 =	vshrl.u32 v8, $0x7;
	v7 =	vadd.s32 $0x80, v7;
	v22 =	vld.idx.msk [tilespmem:v14+s22+$0x0], $0xffff;
	[tilespmem:s24+$0xFFFFFFC0] =	vst v10;
	s24 =	smov.u32 s23  }
0x59: {  	v6 =	vshll.u32 v6, v1;
	v9 =	vshll.u32 v9, v1;
	v10 =	vbroadcast v7, $0x0;
	v7 =	vld.idx.msk [tilespmem:v11+s22+$0x0], $0xffff  }
.Ltmp3:
0x5a: {  	v13 =	vadd.s32 $0x80, v6;
	v8 =	vshll.u32 v8, v1;
	s23 =	sadd.s32 $0x400, s23;
	v11 =	vshll.u32 v15, v1;
	v6 =	vld.idx.msk [tilespmem:v16+s22+$0x0], $0xffff;
	(pc) =	sbr.rel @p1 .LBB2_5-.Ltmp3, $4  }
0x5b: {  	v9 =	vadd.s32 $0x80, v9;
	v14 =	vadd.s32 $0x80, v8;
	v12 =	vor.u32 v4, v10;
	v8 =	vld.idx.msk [tilespmem:v18+s22+$0x0], $0xffff;
	[tilespmem:s23+$0x0] =	vst v20  }
0x5c: {  	v10 =	vadd.s32 $0x80, v11;
	v11 =	vbroadcast v13, $0x0;
	v18 =	vbroadcast v9, $0x0;
	v9 =	vld.idx.msk [tilespmem:v17+s22+$0x0], $0xffff  }
0x5d: {  	v16 =	vbroadcast v14, $0x0;
	v13 =	vor.u32 v3, v19;
	v15 =	vbroadcast v10, $0x0;
	[tilespmem:s24+$0xFFFFFFB0] =	vst v21;
	v10 =	vld.idx.msk [tilespmem:v5+s25+$0x0], $0xffff;
	s25 =	smov.u32 s22  }
0x5e: {  	s28 =	sadd.s32 $0x100, s28;
	v14 =	vor.u32 v0, v11;
	v11 =	vor.u32 v2, v18;
	v5 =	vor.u32 v4, v19;
	[tilespmem:s23+$0xFFFFFFD0] =	vst v22  }
0x5f: {  	_ =	sdelay $0x2  }
0x60: {  	s22 =	simm.s32 $0x0;
	v16 =	vor.u32 v3, v16  }
0x61: {  	v17 =	vor.u32 v0, v15;
	[tilespmem:s23+$0xFFFFFFE0] =	vst v7;
	v7 =	vld.idx.msk [tilespmem:v12+s22+$0x0], $0xffff  }
0x62: {  	[tilespmem:s23+$0xFFFFFFF0] =	vst v6;
	v6 =	vld.idx.msk [tilespmem:v13+s25+$0x0], $0xffff;
	v12 =	vor.u32 v2, v15  }
0x63: {  	[tilespmem:s23+$0xFFFFFF90] =	vst v8;
	v8 =	vld.idx.msk [tilespmem:v14+s22+$0x0], $0xffff  }
0x64: {  	[tilespmem:s23+$0xFFFFFFA0] =	vst v9;
	v9 =	vld.idx.msk [tilespmem:v11+s22+$0x0], $0xffff;
	v11 =	vor.u32 v3, v15  }
0x65: {  	s26 =	sadd.s32 $0x400, s23;
	v13 =	vor.u32 v4, v15;
	[tilespmem:s24+$0xFFFFFFC0] =	vst v10;
	v10 =	vld.idx.msk [tilespmem:v16+s22+$0x0], $0xffff  }
0x66: {  	s29 =	simm.s32 $0x80;
	s28 =	simm.s32 $0xE0;
	v14 =	vld.idx.msk [tilespmem:v17+s22+$0x0], $0xffff;
	[tilespmem:s26+$0x0] =	vst v7;
	v7 =	vmov s22  }
0x67: {  	s30 =	simm.s32 $0xA0;
	s31 =	simm.s32 $0xC0;
	[tilespmem:s23+$0xFFFFFFB0] =	vst v6;
	v6 =	vmov s29;
	v12 =	vld.idx.msk [tilespmem:v12+s22+$0x0], $0xffff;
	v15 =	vshrl.u32 v7, $0x7;
	v7 =	vmov s28  }
0x68: {  	v16 =	vld.idx.msk [tilespmem:v5+s25+$0x0], $0xffff;
	v5 =	vmov s30;
	[tilespmem:s26+$0xFFFFFFD0] =	vst v8;
	v8 =	vmov s31;
	v7 =	vshrl.u32 v7, $0x7  }
0x69: {  	v5 =	vshrl.u32 v5, $0x7;
	[tilespmem:s26+$0xFFFFFFE0] =	vst v9;
	v11 =	vld.idx.msk [tilespmem:v11+s22+$0x0], $0xffff;
	v9 =	vshrl.u32 v6, $0x7;
	v6 =	vshll.u32 v7, v1  }
0x6a: {  	p2 =	por $0x1, $0x1;
	v7 =	vshll.u32 v9, v1;
	v9 =	vshrl.u32 v8, $0x7;
	v8 =	vshll.u32 v5, v1;
	[tilespmem:s26+$0xFFFFFFF0] =	vst v10;
	v10 =	vld.idx.msk [tilespmem:v13+s22+$0x0], $0xffff  }
.Ltmp4:
0x6b: {  	v13 =	vadd.s32 $0x100, v6;
	[tilespmem:s26+$0xFFFFFF90] =	vst v14;
	v5 =	vshll.u32 v9, v1;
	v9 =	vshll.u32 v15, v1;
	(pc) =	sbr.rel @!p2 .LBB2_7-.Ltmp4, $4  }
0x6c: {  	v14 =	vadd.s32 $0x100, v8;
	v13 =	vbroadcast v13, $0x0;
	[tilespmem:s26+$0xFFFFFFA0] =	vst v12;
	v12 =	vadd.s32 $0x100, v7  }
0x6d: {  	[tilespmem:s23+$0xFFFFFFC0] =	vst v16;
	v15 =	vadd.s32 $0x100, v9;
	v14 =	vbroadcast v14, $0x0;
	v16 =	vbroadcast v12, $0x0  }
0x6e: {  	p3 =	por $0x0, $0x0;
	[tilespmem:s26+$0xFFFFFFB0] =	vst v11;
	v11 =	vadd.s32 $0x100, v5;
	v17 =	vbroadcast v15, $0x0;
	v12 =	vor.u32 v4, v13  }
0x6f: {  	p1 =	por $0x0, $0x0;
	s24 =	simm.s32 $0x10170;
	s25 =	simm.s32 $0x100;
	v20 =	vbroadcast v11, $0x0;
	v13 =	vor.u32 v0, v16;
	[tilespmem:s26+$0xFFFFFFC0] =	vst v10;
	v10 =	vor.u32 v2, v14  }
0x70: {  	_ = 	snop  }
0x71: {  	v11 =	vmov s25;
	s23 =	simm.s32 $0x180;
	s26 =	simm.s32 $0x1E0;
	v16 =	vor.u32 v0, v17;
	v14 =	vor.u32 v3, v20  }
0x72: {  	s31 =	simm.s32 $0x1A0;
	s28 =	simm.s32 $0x1C0;
	v11 =	vshrl.u32 v11, $0x7;
	v15 =	vmov s23;
	v18 =	vmov s26  }
0x73: {  	v19 =	vmov s31;
	v20 =	vmov s28;
	v18 =	vshrl.u32 v18, $0x7  }
0x74: {  	v21 =	vld.idx.msk [tilespmem:v12+s22+$0x0], $0xffff;
	v15 =	vshrl.u32 v15, $0x7;
	v19 =	vshrl.u32 v19, $0x7;
	v11 =	vshll.u32 v11, v1  }
0x75: {  	v23 =	vld.idx.msk [tilespmem:v13+s22+$0x0], $0xffff;
	v18 =	vshll.u32 v18, v1;
	v12 =	vshll.u32 v15, v1;
	v15 =	vshrl.u32 v20, $0x7  }
0x76: {  	p4 =	por $0x1, $0x1;
	v13 =	vshll.u32 v19, v1;
	v18 =	vadd.s32 $0x100, v18;
	v19 =	vshll.u32 v15, v1  }
.Ltmp5:
0x77: {  	v20 =	vadd.s32 $0x100, v12;
	v13 =	vadd.s32 $0x100, v13;
	v15 =	vld.idx.msk [tilespmem:v10+s22+$0x0], $0xffff;
	v10 =	vadd.s32 $0x100, v11;
	(pc) =	sbr.rel @!p4 .LBB2_9-.Ltmp5, $4  }
0x78: {  	v18 =	vbroadcast v18, $0x0;
	v11 =	vadd.s32 $0x100, v19;
	v24 =	vbroadcast v20, $0x0  }
0x79: {  	v25 =	vbroadcast v13, $0x0;
	[tilespmem:s24+$0x0] =	vst v21;
	v22 =	vbroadcast v10, $0x0;
	v19 =	vor.u32 v3, v17  }
0x7a: {  	v16 =	vld.idx.msk [tilespmem:v16+s22+$0x0], $0xffff;
	[tilespmem:s24+$0xFFFFFFD0] =	vst v23;
	v20 =	vbroadcast v11, $0x0;
	v11 =	vor.u32 v4, v17;
	v12 =	vor.u32 v4, v18  }
0x7b: {  	p3 =	por $0x1, $0x1;
	s23 =	simm.s32 $0x200;
	v14 =	vld.idx.msk [tilespmem:v14+s22+$0x0], $0xffff;
	v18 =	vor.u32 v2, v17;
	v13 =	vor.u32 v0, v24;
	v10 =	vor.u32 v2, v25  }
0x7c: {  	_ =	sdelay $0x1  }
0x7d: {  	v17 =	vmov s23;
	s30 =	simm.s32 $0x280;
	s26 =	simm.s32 $0x2E0;
	v21 =	vor.u32 v0, v22;
	v20 =	vor.u32 v3, v20  }
0x7e: {  	s31 =	simm.s32 $0x2A0;
	s28 =	simm.s32 $0x2C0;
	v17 =	vshrl.u32 v17, $0x7;
	v23 =	vmov s30;
	v24 =	vmov s26  }
0x7f: {  	v25 =	vld.idx.msk [tilespmem:v12+s22+$0x0], $0xffff;
	v12 =	vmov s31;
	v26 =	vmov s28;
	v24 =	vshrl.u32 v24, $0x7  }
0x80: {  	v27 =	vld.idx.msk [tilespmem:v18+s22+$0x0], $0xffff;
	v18 =	vshrl.u32 v23, $0x7;
	v12 =	vshrl.u32 v12, $0x7;
	v23 =	vshll.u32 v24, v1  }
0x81: {  	[tilespmem:s24+$0xFFFFFFE0] =	vst v15;
	v61 =	vld.idx.msk [tilespmem:v19+s22+$0x0], $0xffff;
	v15 =	vshrl.u32 v26, $0x7;
	v18 =	vshll.u32 v18, v1;
	v19 =	vadd.s32 $0x100, v23  }
0x82: {  	p5 =	por $0x1, $0x1;
	v12 =	vshll.u32 v12, v1;
	[tilespmem:s24+$0xFFFFFF90] =	vst v16;
	v23 =	vld.idx.msk [tilespmem:v13+s22+$0x0], $0xffff;
	v13 =	vshll.u32 v15, v1;
	v19 =	vbroadcast v19, $0x0  }
.Ltmp6:
0x83: {  	s23 =	simm.s32 $0x10570;
	[tilespmem:s24+$0xFFFFFFF0] =	vst v14;
	v15 =	vld.idx.msk [tilespmem:v10+s22+$0x0], $0xffff;
	v10 =	vshll.u32 v17, v1;
	v17 =	vadd.s32 $0x100, v18;
	v18 =	vadd.s32 $0x100, v12;
	(pc) =	sbr.rel @!p5 .LBB2_11-.Ltmp6, $4  }
0x84: {  	v14 =	vld.idx.msk [tilespmem:v20+s22+$0x0], $0xffff;
	v10 =	vadd.s32 $0x100, v10;
	v13 =	vadd.s32 $0x100, v13;
	[tilespmem:s23+$0x0] =	vst v25;
	v12 =	vor.u32 v4, v19  }
0x85: {  	v16 =	vld.idx.msk [tilespmem:v21+s22+$0x0], $0xffff;
	v62 =	vbroadcast v17, $0x0;
	v63 =	vbroadcast v18, $0x0;
	v18 =	vor.u32 v2, v22;
	[tilespmem:s24+$0xFFFFFFA0] =	vst v27  }
0x86: {  	s29 =	simm.s32 $0x300;
	v21 =	vld.idx.msk [tilespmem:v11+s22+$0x0], $0xffff;
	[tilespmem:s24+$0xFFFFFFB0] =	vst v61;
	v17 =	vbroadcast v10, $0x0;
	v20 =	vbroadcast v13, $0x0;
	v19 =	vor.u32 v3, v22  }
0x87: {  	p4 =	por $0x1, $0x1;
	s28 =	simm.s32 $0x10;
	s26 =	simm.s32 $0x10170;
	v11 =	vor.u32 v4, v22;
	v13 =	vor.u32 v0, v62;
	v10 =	vor.u32 v2, v63;
	[tilespmem:s23+$0xFFFFFFD0] =	vst v23  }
.LBB2_12:
0x88: {  	v22 =	vmov s29;
	s30 =	sadd.s32 $0x80, s29;
	s31 =	sadd.s32 $0xE0, s29;
	s28 =	sadd.s32 $0x8, s28;
	v23 =	vor.u32 v0, v17;
	v20 =	vor.u32 v3, v20;
	[tilespmem:s23+$0xFFFFFFE0] =	vst v15;
	v24 =	vmovc v17  }
0x89: {  	s0 =	sadd.s32 $0xC0, s29;
	v17 =	vshrl.u32 v22, $0x7;
	v15 =	vmov s30;
	s30 =	sadd.s32 $0xA0, s29;
	v22 =	vmov s31;
	p5 =	slt.u32 s28, $0x78;
	v25 =	vld.idx.msk [tilespmem:v12+s22+$0x0], $0xffff;
	[tilespmem:s23+$0xFFFFFFF0] =	vst v14  }
0x8a: {  	v14 =	vmov s0;
	v12 =	vmov s30;
	v22 =	vshrl.u32 v22, $0x7;
	[tilespmem:s23+$0xFFFFFF90] =	vst v16;
	v26 =	vld.idx.msk [tilespmem:v18+s22+$0x0], $0xffff  }
0x8b: {  	v15 =	vshrl.u32 v15, $0x7;
	v12 =	vshrl.u32 v12, $0x7;
	v16 =	vshll.u32 v22, v1;
	v22 =	vld.idx.msk [tilespmem:v19+s22+$0x0], $0xffff;
	[tilespmem:s26+$0xFFFFFFC0] =	vst v21;
	s26 =	smov.u32 s23  }
0x8c: {  	v14 =	vshrl.u32 v14, $0x7;
	v18 =	vshll.u32 v15, v1;
	v15 =	vadd.s32 $0x100, v16;
	v27 =	vld.idx.msk [tilespmem:v13+s22+$0x0], $0xffff  }
0x8d: {  	v12 =	vshll.u32 v12, v1;
	v13 =	vshll.u32 v14, v1;
	v16 =	vbroadcast v15, $0x0;
	v15 =	vld.idx.msk [tilespmem:v10+s22+$0x0], $0xffff  }
.Ltmp7:
0x8e: {  	s23 =	sadd.s32 $0x400, s23;
	v10 =	vshll.u32 v17, v1;
	v17 =	vadd.s32 $0x100, v18;
	v18 =	vadd.s32 $0x100, v12;
	v14 =	vld.idx.msk [tilespmem:v20+s22+$0x0], $0xffff;
	(pc) =	sbr.rel @p5 .LBB2_12-.Ltmp7, $4  }
0x8f: {  	v13 =	vadd.s32 $0x100, v13;
	v10 =	vadd.s32 $0x100, v10;
	v12 =	vor.u32 v4, v16;
	v16 =	vld.idx.msk [tilespmem:v23+s22+$0x0], $0xffff;
	[tilespmem:s23+$0x0] =	vst v25  }
0x90: {  	v23 =	vbroadcast v17, $0x0;
	v25 =	vbroadcast v18, $0x0;
	v18 =	vor.u32 v2, v24;
	[tilespmem:s26+$0xFFFFFFA0] =	vst v26;
	v21 =	vld.idx.msk [tilespmem:v11+s22+$0x0], $0xffff  }
0x91: {  	v19 =	vor.u32 v3, v24;
	v20 =	vbroadcast v13, $0x0;
	v17 =	vbroadcast v10, $0x0;
	[tilespmem:s26+$0xFFFFFFB0] =	vst v22  }
0x92: {  	s29 =	sadd.s32 $0x100, s29;
	v11 =	vor.u32 v4, v24;
	v13 =	vor.u32 v0, v23;
	v10 =	vor.u32 v2, v25;
	[tilespmem:s23+$0xFFFFFFD0] =	vst v27  }
.LBB2_13:
0x93: {  	_ =	sdelay $0x3  }
0x94: {  	v12 =	vld.idx.msk [tilespmem:v12+s22+$0x0], $0xffff  }
0x95: {  	v18 =	vld.idx.msk @p3 [tilespmem:v18+s22+$0x0], $0xffff  }
0x96: {  	v20 =	vor.u32 v3, v20;
	[tilespmem:s23+$0xFFFFFFE0] =	vst @p3 v15;
	v15 =	vld.idx.msk @p3 [tilespmem:v19+s22+$0x0], $0xffff  }
0x97: {  	v22 =	vor.u32 v0, v17;
	[tilespmem:s23+$0xFFFFFFF0] =	vst @p3 v14;
	v13 =	vld.idx.msk [tilespmem:v13+s22+$0x0], $0xffff  }
0x98: {  	v10 =	vld.idx.msk [tilespmem:v10+s22+$0x0], $0xffff;
	s0 =	sadd.s32 @p3 $0x400, s23;
	v14 =	vor.u32 v2, v17;
	[tilespmem:s23+$0xFFFFFF90] =	vst @p3 v16  }
0x99: {  	v19 =	vor.u32 v3, v17;
	v11 =	vld.idx.msk @p3 [tilespmem:v11+s22+$0x0], $0xffff;
	s24 =	smov.u32 @p3 s0;
	[tilespmem:s26+$0xFFFFFFC0] =	vst @p4 v21  }
0x9a: {  	s0 =	smov.u32 @p3 s23;
	[tilespmem:s24+$0x0] =	vst v12;
	v12 =	vor.u32 v4, v17  }
0x9b: {  	v16 =	vld.idx.msk [tilespmem:v20+s22+$0x0], $0xffff;
	[tilespmem:s0+$0xFFFFFFA0] =	vst @p3 v18  }
0x9c: {  	v63 =	vld.idx.msk [tilespmem:v22+s22+$0x0], $0xffff;
	[tilespmem:s0+$0xFFFFFFB0] =	vst @p3 v15  }
0x9d: {  	[tilespmem:s24+$0xFFFFFFD0] =	vst v13;
	v13 =	vld.idx.msk [tilespmem:v14+s22+$0x0], $0xffff  }
0x9e: {  	[tilespmem:s24+$0xFFFFFFE0] =	vst v10;
	v10 =	vld.idx.msk [tilespmem:v19+s22+$0x0], $0xffff;
	v11 =	vpsel p3, v11, v0;
	s0 =	smov.u32 @p3 s0  }
0x9f: {  	[tilespmem:s0+$0xFFFFFFC0] =	vst @p3 v11;
	v12 =	vld.idx.msk [tilespmem:v12+s22+$0x0], $0xffff  }
.Ltmp8:
0xa0: {  	v6 =	vadd.s32 $0x180, v6;
	[tilespmem:s24+$0xFFFFFFF0] =	vst v16;
	(pc) =	sbr.rel @!p2 .LBB2_14-.Ltmp8, $4  }
0xa1: {  	v7 =	vadd.s32 $0x180, v7;
	v8 =	vadd.s32 $0x180, v8;
	v6 =	vbroadcast v6, $0x0;
	[tilespmem:s24+$0xFFFFFF90] =	vst v63  }
0xa2: {  	v7 =	vbroadcast v7, $0x0;
	v8 =	vbroadcast v8, $0x0;
	v11 =	vadd.s32 $0x180, v9;
	[tilespmem:s24+$0xFFFFFFA0] =	vst v13  }
0xa3: {  	v5 =	vadd.s32 $0x180, v5;
	v9 =	vor.u32 v4, v6;
	[tilespmem:s24+$0xFFFFFFB0] =	vst v10;
	v13 =	vbroadcast v11, $0x0  }
0xa4: {  	s23 =	simm.s32 $0x101F0;
	v16 =	vbroadcast v5, $0x0;
	v11 =	vor.u32 v0, v7;
	v5 =	vor.u32 v2, v8;
	[tilespmem:s24+$0xFFFFFFC0] =	vst v12  }
0xa5: {  	v6 =	vmov s25;
	s0 =	simm.s32 $0x1E0;
	v10 =	vor.u32 v0, v13;
	v12 =	vor.u32 v2, v13  }
0xa6: {  	s22 =	simm.s32 $0x180;
	s24 =	simm.s32 $0x1A0;
	v7 =	vor.u32 v3, v16;
	v6 =	vshrl.u32 v6, $0x7;
	v8 =	vmov s0  }
0xa7: {  	s31 =	simm.s32 $0x1C0;
	v14 =	vmov s22;
	v15 =	vmov s24;
	v8 =	vshrl.u32 v8, $0x7  }
0xa8: {  	s24 =	simm.s32 $0x0;
	v16 =	vmov s31;
	v14 =	vshrl.u32 v14, $0x7;
	v8 =	vshll.u32 v8, v1  }
0xa9: {  	v17 =	vld.idx.msk [tilespmem:v9+s24+$0x0], $0xffff;
	v9 =	vshrl.u32 v15, $0x7;
	v15 =	vshrl.u32 v16, $0x7;
	v8 =	vadd.s32 $0x180, v8  }
0xaa: {  	p3 =	por $0x1, $0x1;
	v18 =	vld.idx.msk [tilespmem:v11+s24+$0x0], $0xffff;
	v11 =	vshll.u32 v14, v1;
	v9 =	vshll.u32 v9, v1;
	v14 =	vbroadcast v8, $0x0  }
.Ltmp9:
0xab: {  	v8 =	vld.idx.msk [tilespmem:v5+s24+$0x0], $0xffff;
	v5 =	vshll.u32 v6, v1;
	v6 =	vadd.s32 $0x180, v11;
	v11 =	vshll.u32 v15, v1;
	(pc) =	sbr.rel @!p3 .LBB2_16-.Ltmp9, $4  }
0xac: {  	v15 =	vadd.s32 $0x180, v9;
	v10 =	vld.idx.msk [tilespmem:v10+s24+$0x0], $0xffff;
	v11 =	vadd.s32 $0x180, v11;
	v5 =	vadd.s32 $0x180, v5  }
0xad: {  	v12 =	vld.idx.msk [tilespmem:v12+s24+$0x0], $0xffff;
	v6 =	vbroadcast v6, $0x0;
	v15 =	vbroadcast v15, $0x0;
	v9 =	vor.u32 v4, v14  }
0xae: {  	v7 =	vld.idx.msk [tilespmem:v7+s24+$0x0], $0xffff;
	[tilespmem:s23+$0x0] =	vst v17;
	v17 =	vbroadcast v5, $0x0;
	v16 =	vbroadcast v11, $0x0;
	v14 =	vor.u32 v3, v13  }
0xaf: {  	p2 =	por $0x1, $0x1;
	s22 =	simm.s32 $0x200;
	[tilespmem:s23+$0xFFFFFFD0] =	vst v18;
	v11 =	vor.u32 v0, v6;
	v5 =	vor.u32 v2, v15;
	v6 =	vor.u32 v4, v13  }
0xb0: {  	_ =	sdelay $0x1  }
0xb1: {  	v13 =	vmov s22;
	s0 =	simm.s32 $0x2E0;
	v15 =	vor.u32 v0, v17;
	v16 =	vor.u32 v3, v16  }
0xb2: {  	s30 =	simm.s32 $0x280;
	s25 =	simm.s32 $0x2A0;
	v19 =	vor.u32 v2, v17;
	v13 =	vshrl.u32 v13, $0x7;
	v18 =	vmov s0  }
0xb3: {  	v20 =	vld.idx.msk [tilespmem:v9+s24+$0x0], $0xffff;
	s31 =	simm.s32 $0x2C0;
	v9 =	vmov s30;
	v21 =	vmov s25;
	v18 =	vshrl.u32 v18, $0x7  }
0xb4: {  	v23 =	vld.idx.msk [tilespmem:v14+s24+$0x0], $0xffff;
	v22 =	vmov s31;
	v9 =	vshrl.u32 v9, $0x7;
	v18 =	vshll.u32 v18, v1  }
0xb5: {  	[tilespmem:s23+$0xFFFFFFE0] =	vst v8;
	v63 =	vld.idx.msk [tilespmem:v11+s24+$0x0], $0xffff;
	v8 =	vshrl.u32 v21, $0x7;
	v14 =	vshrl.u32 v22, $0x7;
	v18 =	vadd.s32 $0x180, v18  }
0xb6: {  	p3 =	por $0x1, $0x1;
	[tilespmem:s23+$0xFFFFFFF0] =	vst v7;
	v7 =	vshll.u32 v9, v1;
	v9 =	vshll.u32 v8, v1;
	v8 =	vld.idx.msk [tilespmem:v5+s24+$0x0], $0xffff;
	v11 =	vbroadcast v18, $0x0  }
.Ltmp10:
0xb7: {  	[tilespmem:s23+$0xFFFFFF90] =	vst v10;
	v5 =	vshll.u32 v13, v1;
	v10 =	vshll.u32 v14, v1;
	v13 =	vadd.s32 $0x180, v7;
	v7 =	vld.idx.msk [tilespmem:v16+s24+$0x0], $0xffff;
	(pc) =	sbr.rel @!p3 .LBB2_18-.Ltmp10, $4  }
0xb8: {  	s25 =	simm.s32 $0x105F0;
	[tilespmem:s23+$0xFFFFFFA0] =	vst v12;
	v12 =	vadd.s32 $0x180, v9;
	v14 =	vadd.s32 $0x180, v10;
	v10 =	vld.idx.msk [tilespmem:v15+s24+$0x0], $0xffff;
	v9 =	vor.u32 v4, v11  }
0xb9: {  	v5 =	vadd.s32 $0x180, v5;
	[tilespmem:s25+$0x0] =	vst v20;
	v18 =	vbroadcast v12, $0x0;
	v12 =	vld.idx.msk [tilespmem:v19+s24+$0x0], $0xffff;
	v11 =	vbroadcast v13, $0x0  }
0xba: {  	s22 =	simm.s32 $0x10;
	v16 =	vbroadcast v14, $0x0;
	v14 =	vor.u32 v3, v17;
	[tilespmem:s23+$0xFFFFFFB0] =	vst v23;
	v15 =	vld.idx.msk [tilespmem:v6+s24+$0x0], $0xffff;
	v13 =	vbroadcast v5, $0x0  }
0xbb: {  	s28 =	simm.s32 $0x300;
	p1 =	por $0x1, $0x1;
	s26 =	simm.s32 $0x101F0;
	v6 =	vor.u32 v4, v17;
	[tilespmem:s25+$0xFFFFFFD0] =	vst v63;
	v5 =	vor.u32 v2, v18;
	v11 =	vor.u32 v0, v11  }
.LBB2_19:
0xbc: {  	v17 =	vmov s28;
	s0 =	sadd.s32 $0xE0, s28;
	s22 =	sadd.s32 $0x8, s22;
	v18 =	vor.u32 v0, v13;
	s29 =	simm.s32 $0x0;
	v16 =	vor.u32 v3, v16;
	[tilespmem:s25+$0xFFFFFFE0] =	vst v8;
	v19 =	vmovc v13  }
0xbd: {  	s30 =	sadd.s32 $0x80, s28;
	s31 =	sadd.s32 $0xA0, s28;
	v13 =	vshrl.u32 v17, $0x7;
	v8 =	vmov s0;
	p3 =	slt.u32 s22, $0x78;
	v17 =	vor.u32 v2, v19;
	v20 =	vld.idx.msk [tilespmem:v9+s29+$0x0], $0xffff;
	[tilespmem:s25+$0xFFFFFFF0] =	vst v7  }
0xbe: {  	v7 =	vmov s30;
	v9 =	vmov s31;
	s0 =	sadd.s32 $0xC0, s28;
	v8 =	vshrl.u32 v8, $0x7;
	[tilespmem:s25+$0xFFFFFF90] =	vst v10  }
0xbf: {  	v7 =	vshrl.u32 v7, $0x7;
	v10 =	vmov s0;
	v8 =	vshll.u32 v8, v1;
	[tilespmem:s25+$0xFFFFFFA0] =	vst v12;
	v21 =	vld.idx.msk [tilespmem:v14+s24+$0x0], $0xffff  }
0xc0: {  	v9 =	vshrl.u32 v9, $0x7;
	v10 =	vshrl.u32 v10, $0x7;
	v8 =	vadd.s32 $0x180, v8;
	v22 =	vld.idx.msk [tilespmem:v11+s29+$0x0], $0xffff;
	[tilespmem:s26+$0xFFFFFFC0] =	vst v15;
	s26 =	smov.u32 s25  }
0xc1: {  	v7 =	vshll.u32 v7, v1;
	v9 =	vshll.u32 v9, v1;
	v11 =	vbroadcast v8, $0x0;
	v8 =	vld.idx.msk [tilespmem:v5+s29+$0x0], $0xffff  }
.Ltmp11:
0xc2: {  	v12 =	vadd.s32 $0x180, v7;
	v10 =	vshll.u32 v10, v1;
	s25 =	sadd.s32 $0x400, s25;
	v5 =	vshll.u32 v13, v1;
	v7 =	vld.idx.msk [tilespmem:v16+s29+$0x0], $0xffff;
	(pc) =	sbr.rel @p3 .LBB2_19-.Ltmp11, $4  }
0xc3: {  	v13 =	vadd.s32 $0x180, v9;
	v14 =	vadd.s32 $0x180, v10;
	v9 =	vor.u32 v4, v11;
	v10 =	vld.idx.msk [tilespmem:v18+s29+$0x0], $0xffff;
	[tilespmem:s25+$0x0] =	vst v20  }
0xc4: {  	v5 =	vadd.s32 $0x180, v5;
	v11 =	vbroadcast v12, $0x0;
	v18 =	vbroadcast v13, $0x0;
	v12 =	vld.idx.msk [tilespmem:v17+s29+$0x0], $0xffff  }
0xc5: {  	v16 =	vbroadcast v14, $0x0;
	v14 =	vor.u32 v3, v19;
	v13 =	vbroadcast v5, $0x0;
	[tilespmem:s26+$0xFFFFFFB0] =	vst v21;
	v15 =	vld.idx.msk [tilespmem:v6+s24+$0x0], $0xffff;
	s24 =	smov.u32 s29  }
0xc6: {  	s28 =	sadd.s32 $0x100, s28;
	v11 =	vor.u32 v0, v11;
	v5 =	vor.u32 v2, v18;
	v6 =	vor.u32 v4, v19;
	[tilespmem:s25+$0xFFFFFFD0] =	vst v22  }
.LBB2_20:
0xc7: {  	_ =	sdelay $0x3  }
0xc8: {  	v6 =	vld.idx.msk @p2 [tilespmem:v6+s24+$0x0], $0xffff  }
0xc9: {  	s22 =	simm.s32 $0x0;
	v16 =	vor.u32 v3, v16;
	[tilespmem:s25+$0xFFFFFFF0] =	vst @p2 v7;
	v7 =	vld.idx.msk @p2 [tilespmem:v14+s24+$0x0], $0xffff  }
0xca: {  	v17 =	vor.u32 v0, v13;
	[tilespmem:s25+$0xFFFFFFE0] =	vst @p2 v8;
	v9 =	vld.idx.msk [tilespmem:v9+s22+$0x0], $0xffff  }
0xcb: {  	v8 =	vor.u32 v2, v13;
	[tilespmem:s25+$0xFFFFFF90] =	vst @p2 v10;
	v10 =	vld.idx.msk [tilespmem:v11+s22+$0x0], $0xffff  }
0xcc: {  	s0 =	sadd.s32 @p2 $0x400, s25;
	v5 =	vld.idx.msk [tilespmem:v5+s22+$0x0], $0xffff;
	v11 =	vor.u32 v3, v13;
	[tilespmem:s25+$0xFFFFFFA0] =	vst @p2 v12  }
0xcd: {  	s23 =	smov.u32 @p2 s0;
	s0 =	smov.u32 @p2 s25;
	[tilespmem:s26+$0xFFFFFFC0] =	vst @p1 v15  }
0xce: {  	v13 =	vor.u32 v4, v13;
	v12 =	vld.idx.msk [tilespmem:v16+s22+$0x0], $0xffff;
	[tilespmem:s0+$0xFFFFFFB0] =	vst @p2 v7  }
0xcf: {  	s28 =	simm.s32 $0x80;
	s29 =	simm.s32 $0xE0;
	v14 =	vld.idx.msk [tilespmem:v17+s22+$0x0], $0xffff;
	v15 =	vpsel p2, v6, v0;
	v6 =	vmov s22;
	[tilespmem:s23+$0x0] =	vst v9  }
0xd0: {  	s30 =	simm.s32 $0xA0;
	s31 =	simm.s32 $0xC0;
	v7 =	vmov s29;
	v9 =	vld.idx.msk [tilespmem:v8+s22+$0x0], $0xffff;
	v16 =	vshrl.u32 v6, $0x7;
	v6 =	vmov s28;
	[tilespmem:s23+$0xFFFFFFD0] =	vst v10  }
0xd1: {  	s0 =	smov.u32 @p2 s0;
	v8 =	vmov s30;
	v10 =	vmov s31;
	v7 =	vshrl.u32 v7, $0x7;
	[tilespmem:s23+$0xFFFFFFE0] =	vst v5;
	v11 =	vld.idx.msk [tilespmem:v11+s22+$0x0], $0xffff  }
0xd2: {  	[tilespmem:s0+$0xFFFFFFC0] =	vst @p2 v15;
	v5 =	vshrl.u32 v6, $0x7;
	v8 =	vshrl.u32 v8, $0x7;
	v6 =	vshll.u32 v7, v1  }
0xd3: {  	v13 =	vld.idx.msk [tilespmem:v13+s22+$0x0], $0xffff;
	p2 =	por $0x1, $0x1;
	v7 =	vshll.u32 v5, v1;
	v5 =	vshrl.u32 v10, $0x7;
	v10 =	vadd.s32 $0x200, v6;
	[tilespmem:s23+$0xFFFFFFF0] =	vst v12  }
.Ltmp12:
0xd4: {  	v8 =	vshll.u32 v8, v1;
	v5 =	vshll.u32 v5, v1;
	v10 =	vbroadcast v10, $0x0;
	[tilespmem:s23+$0xFFFFFF90] =	vst v14;
	(pc) =	sbr.rel @!p2 .LBB2_21-.Ltmp12, $4  }
0xd5: {  	v12 =	vadd.s32 $0x200, v7;
	v14 =	vadd.s32 $0x200, v8;
	[tilespmem:s23+$0xFFFFFFA0] =	vst v9;
	v9 =	vshll.u32 v16, v1  }
0xd6: {  	v16 =	vbroadcast v12, $0x0;
	v14 =	vbroadcast v14, $0x0;
	[tilespmem:s23+$0xFFFFFFB0] =	vst v11;
	v11 =	vadd.s32 $0x200, v5  }
0xd7: {  	s24 =	simm.s32 $0x10270;
	v12 =	vor.u32 v4, v10;
	v15 =	vadd.s32 $0x200, v9;
	v20 =	vbroadcast v11, $0x0  }
0xd8: {  	p3 =	por $0x0, $0x0;
	s25 =	simm.s32 $0x100;
	p1 =	por $0x0, $0x0;
	[tilespmem:s23+$0xFFFFFFC0] =	vst v13;
	v17 =	vbroadcast v15, $0x0;
	v13 =	vor.u32 v0, v16;
	v10 =	vor.u32 v2, v14  }
0xd9: {  	_ = 	snop  }
0xda: {  	v11 =	vmov s25;
	s0 =	simm.s32 $0x180;
	s23 =	simm.s32 $0x1E0;
	v14 =	vor.u32 v3, v20;
	v16 =	vor.u32 v0, v17  }
0xdb: {  	s31 =	simm.s32 $0x1A0;
	s26 =	simm.s32 $0x1C0;
	v11 =	vshrl.u32 v11, $0x7;
	v15 =	vmov s0;
	v18 =	vmov s23  }
0xdc: {  	v19 =	vmov s31;
	v20 =	vmov s26;
	v18 =	vshrl.u32 v18, $0x7  }
0xdd: {  	v21 =	vld.idx.msk [tilespmem:v12+s22+$0x0], $0xffff;
	v15 =	vshrl.u32 v15, $0x7;
	v19 =	vshrl.u32 v19, $0x7;
	v11 =	vshll.u32 v11, v1  }
0xde: {  	v23 =	vld.idx.msk [tilespmem:v13+s22+$0x0], $0xffff;
	v18 =	vshll.u32 v18, v1;
	v12 =	vshll.u32 v15, v1;
	v15 =	vshrl.u32 v20, $0x7  }
0xdf: {  	p4 =	por $0x1, $0x1;
	v13 =	vshll.u32 v19, v1;
	v18 =	vadd.s32 $0x200, v18;
	v19 =	vshll.u32 v15, v1  }
.Ltmp13:
0xe0: {  	v20 =	vadd.s32 $0x200, v12;
	v13 =	vadd.s32 $0x200, v13;
	v15 =	vld.idx.msk [tilespmem:v10+s22+$0x0], $0xffff;
	v10 =	vadd.s32 $0x200, v11;
	(pc) =	sbr.rel @!p4 .LBB2_23-.Ltmp13, $4  }
0xe1: {  	v18 =	vbroadcast v18, $0x0;
	v11 =	vadd.s32 $0x200, v19;
	v24 =	vbroadcast v20, $0x0  }
0xe2: {  	v25 =	vbroadcast v13, $0x0;
	[tilespmem:s24+$0x0] =	vst v21;
	v22 =	vbroadcast v10, $0x0;
	v19 =	vor.u32 v3, v17  }
0xe3: {  	v14 =	vld.idx.msk [tilespmem:v14+s22+$0x0], $0xffff;
	[tilespmem:s24+$0xFFFFFFD0] =	vst v23;
	v20 =	vbroadcast v11, $0x0;
	v11 =	vor.u32 v4, v17;
	v12 =	vor.u32 v4, v18  }
0xe4: {  	p3 =	por $0x1, $0x1;
	s23 =	simm.s32 $0x200;
	v16 =	vld.idx.msk [tilespmem:v16+s22+$0x0], $0xffff;
	v18 =	vor.u32 v2, v17;
	v13 =	vor.u32 v0, v24;
	v10 =	vor.u32 v2, v25  }
0xe5: {  	_ =	sdelay $0x1  }
0xe6: {  	v17 =	vmov s23;
	s0 =	simm.s32 $0x280;
	s30 =	simm.s32 $0x2E0;
	v21 =	vor.u32 v0, v22;
	v20 =	vor.u32 v3, v20  }
0xe7: {  	s31 =	simm.s32 $0x2A0;
	s26 =	simm.s32 $0x2C0;
	v17 =	vshrl.u32 v17, $0x7;
	v23 =	vmov s0;
	v24 =	vmov s30  }
0xe8: {  	v25 =	vld.idx.msk [tilespmem:v12+s22+$0x0], $0xffff;
	v12 =	vmov s31;
	v26 =	vmov s26;
	v24 =	vshrl.u32 v24, $0x7  }
0xe9: {  	v27 =	vld.idx.msk [tilespmem:v18+s22+$0x0], $0xffff;
	v18 =	vshrl.u32 v23, $0x7;
	v12 =	vshrl.u32 v12, $0x7;
	v23 =	vshll.u32 v24, v1  }
0xea: {  	[tilespmem:s24+$0xFFFFFFE0] =	vst v15;
	v61 =	vld.idx.msk [tilespmem:v19+s22+$0x0], $0xffff;
	v15 =	vshrl.u32 v26, $0x7;
	v18 =	vshll.u32 v18, v1;
	v19 =	vadd.s32 $0x200, v23  }
0xeb: {  	p5 =	por $0x1, $0x1;
	[tilespmem:s24+$0xFFFFFFF0] =	vst v14;
	v12 =	vshll.u32 v12, v1;
	v23 =	vld.idx.msk [tilespmem:v13+s22+$0x0], $0xffff;
	v13 =	vshll.u32 v15, v1;
	v19 =	vbroadcast v19, $0x0  }
.Ltmp14:
0xec: {  	s23 =	simm.s32 $0x10670;
	[tilespmem:s24+$0xFFFFFF90] =	vst v16;
	v15 =	vld.idx.msk [tilespmem:v10+s22+$0x0], $0xffff;
	v10 =	vshll.u32 v17, v1;
	v17 =	vadd.s32 $0x200, v18;
	v18 =	vadd.s32 $0x200, v12;
	(pc) =	sbr.rel @!p5 .LBB2_25-.Ltmp14, $4  }
0xed: {  	v14 =	vld.idx.msk [tilespmem:v20+s22+$0x0], $0xffff;
	v10 =	vadd.s32 $0x200, v10;
	v13 =	vadd.s32 $0x200, v13;
	[tilespmem:s23+$0x0] =	vst v25;
	v12 =	vor.u32 v4, v19  }
0xee: {  	v16 =	vld.idx.msk [tilespmem:v21+s22+$0x0], $0xffff;
	v62 =	vbroadcast v17, $0x0;
	v63 =	vbroadcast v18, $0x0;
	v18 =	vor.u32 v2, v22;
	[tilespmem:s24+$0xFFFFFFA0] =	vst v27  }
0xef: {  	s28 =	simm.s32 $0x10;
	v21 =	vld.idx.msk [tilespmem:v11+s22+$0x0], $0xffff;
	[tilespmem:s24+$0xFFFFFFB0] =	vst v61;
	v17 =	vbroadcast v10, $0x0;
	v20 =	vbroadcast v13, $0x0;
	v19 =	vor.u32 v3, v22  }
0xf0: {  	s29 =	simm.s32 $0x300;
	p4 =	por $0x1, $0x1;
	s26 =	simm.s32 $0x10270;
	v11 =	vor.u32 v4, v22;
	v13 =	vor.u32 v0, v62;
	v10 =	vor.u32 v2, v63;
	[tilespmem:s23+$0xFFFFFFD0] =	vst v23  }
.LBB2_26:
0xf1: {  	v22 =	vmov s29;
	s0 =	sadd.s32 $0x80, s29;
	s30 =	sadd.s32 $0xE0, s29;
	s28 =	sadd.s32 $0x8, s28;
	v23 =	vor.u32 v0, v17;
	v20 =	vor.u32 v3, v20;
	[tilespmem:s23+$0xFFFFFFE0] =	vst v15;
	v24 =	vmovc v17  }
0xf2: {  	s31 =	sadd.s32 $0xC0, s29;
	v17 =	vshrl.u32 v22, $0x7;
	v15 =	vmov s0;
	s0 =	sadd.s32 $0xA0, s29;
	v22 =	vmov s30;
	p5 =	slt.u32 s28, $0x78;
	v25 =	vld.idx.msk [tilespmem:v12+s22+$0x0], $0xffff;
	[tilespmem:s23+$0xFFFFFFF0] =	vst v14  }
0xf3: {  	v14 =	vmov s31;
	v12 =	vmov s0;
	v22 =	vshrl.u32 v22, $0x7;
	[tilespmem:s23+$0xFFFFFF90] =	vst v16;
	v26 =	vld.idx.msk [tilespmem:v18+s22+$0x0], $0xffff  }
0xf4: {  	v15 =	vshrl.u32 v15, $0x7;
	v12 =	vshrl.u32 v12, $0x7;
	v16 =	vshll.u32 v22, v1;
	v22 =	vld.idx.msk [tilespmem:v19+s22+$0x0], $0xffff;
	[tilespmem:s26+$0xFFFFFFC0] =	vst v21;
	s26 =	smov.u32 s23  }
0xf5: {  	v14 =	vshrl.u32 v14, $0x7;
	v18 =	vshll.u32 v15, v1;
	v15 =	vadd.s32 $0x200, v16;
	v27 =	vld.idx.msk [tilespmem:v13+s22+$0x0], $0xffff  }
0xf6: {  	v12 =	vshll.u32 v12, v1;
	v13 =	vshll.u32 v14, v1;
	v16 =	vbroadcast v15, $0x0;
	v15 =	vld.idx.msk [tilespmem:v10+s22+$0x0], $0xffff  }
.Ltmp15:
0xf7: {  	s23 =	sadd.s32 $0x400, s23;
	v10 =	vshll.u32 v17, v1;
	v17 =	vadd.s32 $0x200, v18;
	v18 =	vadd.s32 $0x200, v12;
	v14 =	vld.idx.msk [tilespmem:v20+s22+$0x0], $0xffff;
	(pc) =	sbr.rel @p5 .LBB2_26-.Ltmp15, $4  }
0xf8: {  	v13 =	vadd.s32 $0x200, v13;
	v10 =	vadd.s32 $0x200, v10;
	v12 =	vor.u32 v4, v16;
	v16 =	vld.idx.msk [tilespmem:v23+s22+$0x0], $0xffff;
	[tilespmem:s23+$0x0] =	vst v25  }
0xf9: {  	v23 =	vbroadcast v17, $0x0;
	v25 =	vbroadcast v18, $0x0;
	v18 =	vor.u32 v2, v24;
	[tilespmem:s26+$0xFFFFFFA0] =	vst v26;
	v21 =	vld.idx.msk [tilespmem:v11+s22+$0x0], $0xffff  }
0xfa: {  	v19 =	vor.u32 v3, v24;
	v20 =	vbroadcast v13, $0x0;
	v17 =	vbroadcast v10, $0x0;
	[tilespmem:s26+$0xFFFFFFB0] =	vst v22  }
0xfb: {  	s29 =	sadd.s32 $0x100, s29;
	v11 =	vor.u32 v4, v24;
	v13 =	vor.u32 v0, v23;
	v10 =	vor.u32 v2, v25;
	[tilespmem:s23+$0xFFFFFFD0] =	vst v27  }
.LBB2_27:
0xfc: {  	_ =	sdelay $0x3  }
0xfd: {  	v12 =	vld.idx.msk [tilespmem:v12+s22+$0x0], $0xffff  }
0xfe: {  	v18 =	vld.idx.msk @p3 [tilespmem:v18+s22+$0x0], $0xffff  }
0xff: {  	v20 =	vor.u32 v3, v20;
	[tilespmem:s23+$0xFFFFFFE0] =	vst @p3 v15;
	v15 =	vld.idx.msk @p3 [tilespmem:v19+s22+$0x0], $0xffff  }
0x100: {  	v22 =	vor.u32 v0, v17;
	[tilespmem:s23+$0xFFFFFFF0] =	vst @p3 v14;
	v13 =	vld.idx.msk [tilespmem:v13+s22+$0x0], $0xffff  }
0x101: {  	v10 =	vld.idx.msk [tilespmem:v10+s22+$0x0], $0xffff;
	s0 =	sadd.s32 @p3 $0x400, s23;
	v14 =	vor.u32 v2, v17;
	[tilespmem:s23+$0xFFFFFF90] =	vst @p3 v16  }
0x102: {  	v19 =	vor.u32 v3, v17;
	v11 =	vld.idx.msk @p3 [tilespmem:v11+s22+$0x0], $0xffff;
	s24 =	smov.u32 @p3 s0;
	[tilespmem:s26+$0xFFFFFFC0] =	vst @p4 v21  }
0x103: {  	s0 =	smov.u32 @p3 s23;
	[tilespmem:s24+$0x0] =	vst v12;
	v12 =	vor.u32 v4, v17  }
0x104: {  	v16 =	vld.idx.msk [tilespmem:v20+s22+$0x0], $0xffff;
	[tilespmem:s0+$0xFFFFFFA0] =	vst @p3 v18  }
0x105: {  	v63 =	vld.idx.msk [tilespmem:v22+s22+$0x0], $0xffff;
	[tilespmem:s0+$0xFFFFFFB0] =	vst @p3 v15  }
0x106: {  	[tilespmem:s24+$0xFFFFFFD0] =	vst v13;
	v13 =	vld.idx.msk [tilespmem:v14+s22+$0x0], $0xffff  }
0x107: {  	[tilespmem:s24+$0xFFFFFFE0] =	vst v10;
	v10 =	vld.idx.msk [tilespmem:v19+s22+$0x0], $0xffff;
	v11 =	vpsel p3, v11, v0;
	s0 =	smov.u32 @p3 s0  }
0x108: {  	[tilespmem:s0+$0xFFFFFFC0] =	vst @p3 v11;
	v12 =	vld.idx.msk [tilespmem:v12+s22+$0x0], $0xffff  }
.Ltmp16:
0x109: {  	v6 =	vadd.s32 $0x280, v6;
	[tilespmem:s24+$0xFFFFFFF0] =	vst v16;
	(pc) =	sbr.rel @!p2 .LBB2_28-.Ltmp16, $4  }
0x10a: {  	v7 =	vadd.s32 $0x280, v7;
	v8 =	vadd.s32 $0x280, v8;
	v6 =	vbroadcast v6, $0x0;
	[tilespmem:s24+$0xFFFFFF90] =	vst v63  }
0x10b: {  	v7 =	vbroadcast v7, $0x0;
	v8 =	vbroadcast v8, $0x0;
	v11 =	vadd.s32 $0x280, v9;
	[tilespmem:s24+$0xFFFFFFA0] =	vst v13  }
0x10c: {  	v5 =	vadd.s32 $0x280, v5;
	v9 =	vor.u32 v4, v6;
	[tilespmem:s24+$0xFFFFFFB0] =	vst v10;
	v13 =	vbroadcast v11, $0x0  }
0x10d: {  	s23 =	simm.s32 $0x102F0;
	v16 =	vbroadcast v5, $0x0;
	v11 =	vor.u32 v0, v7;
	v5 =	vor.u32 v2, v8;
	[tilespmem:s24+$0xFFFFFFC0] =	vst v12  }
0x10e: {  	v6 =	vmov s25;
	s0 =	simm.s32 $0x1E0;
	v10 =	vor.u32 v0, v13;
	v12 =	vor.u32 v2, v13  }
0x10f: {  	s22 =	simm.s32 $0x180;
	s24 =	simm.s32 $0x1A0;
	v7 =	vor.u32 v3, v16;
	v6 =	vshrl.u32 v6, $0x7;
	v8 =	vmov s0  }
0x110: {  	s31 =	simm.s32 $0x1C0;
	v14 =	vmov s22;
	v15 =	vmov s24;
	v8 =	vshrl.u32 v8, $0x7  }
0x111: {  	s24 =	simm.s32 $0x0;
	v16 =	vmov s31;
	v14 =	vshrl.u32 v14, $0x7;
	v8 =	vshll.u32 v8, v1  }
0x112: {  	v17 =	vld.idx.msk [tilespmem:v9+s24+$0x0], $0xffff;
	v9 =	vshrl.u32 v15, $0x7;
	v15 =	vshrl.u32 v16, $0x7;
	v8 =	vadd.s32 $0x280, v8  }
0x113: {  	p3 =	por $0x1, $0x1;
	v18 =	vld.idx.msk [tilespmem:v11+s24+$0x0], $0xffff;
	v11 =	vshll.u32 v14, v1;
	v9 =	vshll.u32 v9, v1;
	v14 =	vbroadcast v8, $0x0  }
.Ltmp17:
0x114: {  	v8 =	vld.idx.msk [tilespmem:v5+s24+$0x0], $0xffff;
	v5 =	vshll.u32 v6, v1;
	v6 =	vadd.s32 $0x280, v11;
	v11 =	vshll.u32 v15, v1;
	(pc) =	sbr.rel @!p3 .LBB2_30-.Ltmp17, $4  }
0x115: {  	v15 =	vadd.s32 $0x280, v9;
	v10 =	vld.idx.msk [tilespmem:v10+s24+$0x0], $0xffff;
	v11 =	vadd.s32 $0x280, v11;
	v5 =	vadd.s32 $0x280, v5  }
0x116: {  	v12 =	vld.idx.msk [tilespmem:v12+s24+$0x0], $0xffff;
	v6 =	vbroadcast v6, $0x0;
	v15 =	vbroadcast v15, $0x0;
	v9 =	vor.u32 v4, v14  }
0x117: {  	v7 =	vld.idx.msk [tilespmem:v7+s24+$0x0], $0xffff;
	[tilespmem:s23+$0x0] =	vst v17;
	v17 =	vbroadcast v5, $0x0;
	v16 =	vbroadcast v11, $0x0;
	v14 =	vor.u32 v3, v13  }
0x118: {  	p2 =	por $0x1, $0x1;
	s22 =	simm.s32 $0x200;
	[tilespmem:s23+$0xFFFFFFD0] =	vst v18;
	v11 =	vor.u32 v0, v6;
	v5 =	vor.u32 v2, v15;
	v6 =	vor.u32 v4, v13  }
0x119: {  	_ =	sdelay $0x1  }
0x11a: {  	v13 =	vmov s22;
	s0 =	simm.s32 $0x2E0;
	v15 =	vor.u32 v0, v17;
	v16 =	vor.u32 v3, v16  }
0x11b: {  	s30 =	simm.s32 $0x280;
	s25 =	simm.s32 $0x2A0;
	v19 =	vor.u32 v2, v17;
	v13 =	vshrl.u32 v13, $0x7;
	v18 =	vmov s0  }
0x11c: {  	v20 =	vld.idx.msk [tilespmem:v9+s24+$0x0], $0xffff;
	s31 =	simm.s32 $0x2C0;
	v9 =	vmov s30;
	v21 =	vmov s25;
	v18 =	vshrl.u32 v18, $0x7  }
0x11d: {  	v23 =	vld.idx.msk [tilespmem:v14+s24+$0x0], $0xffff;
	v22 =	vmov s31;
	v9 =	vshrl.u32 v9, $0x7;
	v18 =	vshll.u32 v18, v1  }
0x11e: {  	[tilespmem:s23+$0xFFFFFFE0] =	vst v8;
	v63 =	vld.idx.msk [tilespmem:v11+s24+$0x0], $0xffff;
	v8 =	vshrl.u32 v21, $0x7;
	v14 =	vshrl.u32 v22, $0x7;
	v18 =	vadd.s32 $0x280, v18  }
0x11f: {  	p3 =	por $0x1, $0x1;
	[tilespmem:s23+$0xFFFFFFF0] =	vst v7;
	v7 =	vshll.u32 v9, v1;
	v9 =	vshll.u32 v8, v1;
	v8 =	vld.idx.msk [tilespmem:v5+s24+$0x0], $0xffff;
	v11 =	vbroadcast v18, $0x0  }
.Ltmp18:
0x120: {  	[tilespmem:s23+$0xFFFFFF90] =	vst v10;
	v5 =	vshll.u32 v13, v1;
	v10 =	vshll.u32 v14, v1;
	v13 =	vadd.s32 $0x280, v7;
	v7 =	vld.idx.msk [tilespmem:v16+s24+$0x0], $0xffff;
	(pc) =	sbr.rel @!p3 .LBB2_32-.Ltmp18, $4  }
0x121: {  	s25 =	simm.s32 $0x106F0;
	[tilespmem:s23+$0xFFFFFFA0] =	vst v12;
	v12 =	vadd.s32 $0x280, v9;
	v14 =	vadd.s32 $0x280, v10;
	v10 =	vld.idx.msk [tilespmem:v15+s24+$0x0], $0xffff;
	v9 =	vor.u32 v4, v11  }
0x122: {  	v5 =	vadd.s32 $0x280, v5;
	[tilespmem:s25+$0x0] =	vst v20;
	v18 =	vbroadcast v12, $0x0;
	v12 =	vld.idx.msk [tilespmem:v19+s24+$0x0], $0xffff;
	v11 =	vbroadcast v13, $0x0  }
0x123: {  	s22 =	simm.s32 $0x10;
	v16 =	vbroadcast v14, $0x0;
	v14 =	vor.u32 v3, v17;
	[tilespmem:s23+$0xFFFFFFB0] =	vst v23;
	v15 =	vld.idx.msk [tilespmem:v6+s24+$0x0], $0xffff;
	v13 =	vbroadcast v5, $0x0  }
0x124: {  	s28 =	simm.s32 $0x300;
	p1 =	por $0x1, $0x1;
	s26 =	simm.s32 $0x102F0;
	v6 =	vor.u32 v4, v17;
	[tilespmem:s25+$0xFFFFFFD0] =	vst v63;
	v5 =	vor.u32 v2, v18;
	v11 =	vor.u32 v0, v11  }
.LBB2_33:
0x125: {  	v17 =	vmov s28;
	s0 =	sadd.s32 $0xE0, s28;
	s22 =	sadd.s32 $0x8, s22;
	v18 =	vor.u32 v0, v13;
	s29 =	simm.s32 $0x0;
	v16 =	vor.u32 v3, v16;
	[tilespmem:s25+$0xFFFFFFE0] =	vst v8;
	v19 =	vmovc v13  }
0x126: {  	s30 =	sadd.s32 $0x80, s28;
	s31 =	sadd.s32 $0xA0, s28;
	v13 =	vshrl.u32 v17, $0x7;
	v8 =	vmov s0;
	p3 =	slt.u32 s22, $0x78;
	v17 =	vor.u32 v2, v19;
	v20 =	vld.idx.msk [tilespmem:v9+s29+$0x0], $0xffff;
	[tilespmem:s25+$0xFFFFFFF0] =	vst v7  }
0x127: {  	v7 =	vmov s30;
	v9 =	vmov s31;
	s0 =	sadd.s32 $0xC0, s28;
	v8 =	vshrl.u32 v8, $0x7;
	[tilespmem:s25+$0xFFFFFF90] =	vst v10  }
0x128: {  	v7 =	vshrl.u32 v7, $0x7;
	v10 =	vmov s0;
	v8 =	vshll.u32 v8, v1;
	[tilespmem:s25+$0xFFFFFFA0] =	vst v12;
	v21 =	vld.idx.msk [tilespmem:v14+s24+$0x0], $0xffff  }
0x129: {  	v9 =	vshrl.u32 v9, $0x7;
	v10 =	vshrl.u32 v10, $0x7;
	v8 =	vadd.s32 $0x280, v8;
	v22 =	vld.idx.msk [tilespmem:v11+s29+$0x0], $0xffff;
	[tilespmem:s26+$0xFFFFFFC0] =	vst v15;
	s26 =	smov.u32 s25  }
0x12a: {  	v7 =	vshll.u32 v7, v1;
	v9 =	vshll.u32 v9, v1;
	v11 =	vbroadcast v8, $0x0;
	v8 =	vld.idx.msk [tilespmem:v5+s29+$0x0], $0xffff  }
.Ltmp19:
0x12b: {  	v12 =	vadd.s32 $0x280, v7;
	v10 =	vshll.u32 v10, v1;
	s25 =	sadd.s32 $0x400, s25;
	v5 =	vshll.u32 v13, v1;
	v7 =	vld.idx.msk [tilespmem:v16+s29+$0x0], $0xffff;
	(pc) =	sbr.rel @p3 .LBB2_33-.Ltmp19, $4  }
0x12c: {  	v13 =	vadd.s32 $0x280, v9;
	v14 =	vadd.s32 $0x280, v10;
	v9 =	vor.u32 v4, v11;
	v10 =	vld.idx.msk [tilespmem:v18+s29+$0x0], $0xffff;
	[tilespmem:s25+$0x0] =	vst v20  }
0x12d: {  	v5 =	vadd.s32 $0x280, v5;
	v11 =	vbroadcast v12, $0x0;
	v18 =	vbroadcast v13, $0x0;
	v12 =	vld.idx.msk [tilespmem:v17+s29+$0x0], $0xffff  }
0x12e: {  	v16 =	vbroadcast v14, $0x0;
	v14 =	vor.u32 v3, v19;
	v13 =	vbroadcast v5, $0x0;
	[tilespmem:s26+$0xFFFFFFB0] =	vst v21;
	v15 =	vld.idx.msk [tilespmem:v6+s24+$0x0], $0xffff;
	s24 =	smov.u32 s29  }
0x12f: {  	s28 =	sadd.s32 $0x100, s28;
	v11 =	vor.u32 v0, v11;
	v5 =	vor.u32 v2, v18;
	v6 =	vor.u32 v4, v19;
	[tilespmem:s25+$0xFFFFFFD0] =	vst v22  }
.LBB2_34:
0x130: {  	_ =	sdelay $0x3  }
0x131: {  	v6 =	vld.idx.msk @p2 [tilespmem:v6+s24+$0x0], $0xffff  }
0x132: {  	s22 =	simm.s32 $0x0;
	v16 =	vor.u32 v3, v16;
	[tilespmem:s25+$0xFFFFFFF0] =	vst @p2 v7;
	v7 =	vld.idx.msk @p2 [tilespmem:v14+s24+$0x0], $0xffff  }
0x133: {  	v17 =	vor.u32 v0, v13;
	[tilespmem:s25+$0xFFFFFFE0] =	vst @p2 v8;
	v9 =	vld.idx.msk [tilespmem:v9+s22+$0x0], $0xffff  }
0x134: {  	v8 =	vor.u32 v2, v13;
	[tilespmem:s25+$0xFFFFFF90] =	vst @p2 v10;
	v10 =	vld.idx.msk [tilespmem:v11+s22+$0x0], $0xffff  }
0x135: {  	s0 =	sadd.s32 @p2 $0x400, s25;
	v5 =	vld.idx.msk [tilespmem:v5+s22+$0x0], $0xffff;
	v11 =	vor.u32 v3, v13;
	[tilespmem:s25+$0xFFFFFFA0] =	vst @p2 v12  }
0x136: {  	s23 =	smov.u32 @p2 s0;
	s0 =	smov.u32 @p2 s25;
	[tilespmem:s26+$0xFFFFFFC0] =	vst @p1 v15  }
0x137: {  	v13 =	vor.u32 v4, v13;
	v12 =	vld.idx.msk [tilespmem:v16+s22+$0x0], $0xffff;
	[tilespmem:s0+$0xFFFFFFB0] =	vst @p2 v7  }
0x138: {  	s28 =	simm.s32 $0x80;
	s29 =	simm.s32 $0xE0;
	v14 =	vld.idx.msk [tilespmem:v17+s22+$0x0], $0xffff;
	v15 =	vpsel p2, v6, v0;
	v6 =	vmov s22;
	[tilespmem:s23+$0x0] =	vst v9  }
0x139: {  	s30 =	simm.s32 $0xA0;
	s31 =	simm.s32 $0xC0;
	v7 =	vmov s29;
	v9 =	vld.idx.msk [tilespmem:v8+s22+$0x0], $0xffff;
	v16 =	vshrl.u32 v6, $0x7;
	v6 =	vmov s28;
	[tilespmem:s23+$0xFFFFFFD0] =	vst v10  }
0x13a: {  	s0 =	smov.u32 @p2 s0;
	v8 =	vmov s30;
	v10 =	vmov s31;
	v7 =	vshrl.u32 v7, $0x7;
	[tilespmem:s23+$0xFFFFFFE0] =	vst v5;
	v11 =	vld.idx.msk [tilespmem:v11+s22+$0x0], $0xffff  }
0x13b: {  	[tilespmem:s0+$0xFFFFFFC0] =	vst @p2 v15;
	v5 =	vshrl.u32 v6, $0x7;
	v8 =	vshrl.u32 v8, $0x7;
	v6 =	vshll.u32 v7, v1  }
0x13c: {  	v13 =	vld.idx.msk [tilespmem:v13+s22+$0x0], $0xffff;
	p2 =	por $0x1, $0x1;
	v7 =	vshll.u32 v5, v1;
	v5 =	vshrl.u32 v10, $0x7;
	v10 =	vadd.s32 $0x300, v6;
	[tilespmem:s23+$0xFFFFFFF0] =	vst v12  }
.Ltmp20:
0x13d: {  	v8 =	vshll.u32 v8, v1;
	v5 =	vshll.u32 v5, v1;
	v10 =	vbroadcast v10, $0x0;
	[tilespmem:s23+$0xFFFFFF90] =	vst v14;
	(pc) =	sbr.rel @!p2 .LBB2_35-.Ltmp20, $4  }
0x13e: {  	v12 =	vadd.s32 $0x300, v7;
	v14 =	vadd.s32 $0x300, v8;
	[tilespmem:s23+$0xFFFFFFA0] =	vst v9;
	v9 =	vshll.u32 v16, v1  }
0x13f: {  	v16 =	vbroadcast v12, $0x0;
	v14 =	vbroadcast v14, $0x0;
	[tilespmem:s23+$0xFFFFFFB0] =	vst v11;
	v11 =	vadd.s32 $0x300, v5  }
0x140: {  	s24 =	simm.s32 $0x10370;
	v12 =	vor.u32 v4, v10;
	v15 =	vadd.s32 $0x300, v9;
	v20 =	vbroadcast v11, $0x0  }
0x141: {  	p3 =	por $0x0, $0x0;
	p1 =	por $0x0, $0x0;
	[tilespmem:s23+$0xFFFFFFC0] =	vst v13;
	s23 =	simm.s32 $0x100;
	v17 =	vbroadcast v15, $0x0;
	v13 =	vor.u32 v0, v16;
	v10 =	vor.u32 v2, v14  }
0x142: {  	_ = 	snop  }
0x143: {  	v11 =	vmov s23;
	s0 =	simm.s32 $0x180;
	s25 =	simm.s32 $0x1E0;
	v14 =	vor.u32 v3, v20;
	v16 =	vor.u32 v0, v17  }
0x144: {  	s31 =	simm.s32 $0x1A0;
	s26 =	simm.s32 $0x1C0;
	v11 =	vshrl.u32 v11, $0x7;
	v15 =	vmov s0;
	v18 =	vmov s25  }
0x145: {  	v19 =	vmov s31;
	v20 =	vmov s26;
	v18 =	vshrl.u32 v18, $0x7  }
0x146: {  	v21 =	vld.idx.msk [tilespmem:v12+s22+$0x0], $0xffff;
	v15 =	vshrl.u32 v15, $0x7;
	v19 =	vshrl.u32 v19, $0x7;
	v11 =	vshll.u32 v11, v1  }
0x147: {  	v23 =	vld.idx.msk [tilespmem:v13+s22+$0x0], $0xffff;
	v18 =	vshll.u32 v18, v1;
	v12 =	vshll.u32 v15, v1;
	v15 =	vshrl.u32 v20, $0x7  }
0x148: {  	p4 =	por $0x1, $0x1;
	v13 =	vshll.u32 v19, v1;
	v18 =	vadd.s32 $0x300, v18;
	v19 =	vshll.u32 v15, v1  }
.Ltmp21:
0x149: {  	v20 =	vadd.s32 $0x300, v12;
	v13 =	vadd.s32 $0x300, v13;
	v15 =	vld.idx.msk [tilespmem:v10+s22+$0x0], $0xffff;
	v10 =	vadd.s32 $0x300, v11;
	(pc) =	sbr.rel @!p4 .LBB2_37-.Ltmp21, $4  }
0x14a: {  	v18 =	vbroadcast v18, $0x0;
	v11 =	vadd.s32 $0x300, v19;
	v24 =	vbroadcast v20, $0x0  }
0x14b: {  	v25 =	vbroadcast v13, $0x0;
	[tilespmem:s24+$0x0] =	vst v21;
	v22 =	vbroadcast v10, $0x0;
	v19 =	vor.u32 v3, v17  }
0x14c: {  	v14 =	vld.idx.msk [tilespmem:v14+s22+$0x0], $0xffff;
	[tilespmem:s24+$0xFFFFFFD0] =	vst v23;
	v20 =	vbroadcast v11, $0x0;
	v11 =	vor.u32 v4, v17;
	v12 =	vor.u32 v4, v18  }
0x14d: {  	p3 =	por $0x1, $0x1;
	s25 =	simm.s32 $0x200;
	v16 =	vld.idx.msk [tilespmem:v16+s22+$0x0], $0xffff;
	v18 =	vor.u32 v2, v17;
	v13 =	vor.u32 v0, v24;
	v10 =	vor.u32 v2, v25  }
0x14e: {  	_ =	sdelay $0x1  }
0x14f: {  	v17 =	vmov s25;
	s0 =	simm.s32 $0x280;
	s30 =	simm.s32 $0x2E0;
	v21 =	vor.u32 v0, v22;
	v20 =	vor.u32 v3, v20  }
0x150: {  	s31 =	simm.s32 $0x2A0;
	s26 =	simm.s32 $0x2C0;
	v17 =	vshrl.u32 v17, $0x7;
	v23 =	vmov s0;
	v24 =	vmov s30  }
0x151: {  	v25 =	vld.idx.msk [tilespmem:v12+s22+$0x0], $0xffff;
	v12 =	vmov s31;
	v26 =	vmov s26;
	v24 =	vshrl.u32 v24, $0x7  }
0x152: {  	v27 =	vld.idx.msk [tilespmem:v18+s22+$0x0], $0xffff;
	v18 =	vshrl.u32 v23, $0x7;
	v12 =	vshrl.u32 v12, $0x7;
	v23 =	vshll.u32 v24, v1  }
0x153: {  	[tilespmem:s24+$0xFFFFFFE0] =	vst v15;
	v61 =	vld.idx.msk [tilespmem:v19+s22+$0x0], $0xffff;
	v15 =	vshrl.u32 v26, $0x7;
	v18 =	vshll.u32 v18, v1;
	v19 =	vadd.s32 $0x300, v23  }
0x154: {  	p5 =	por $0x1, $0x1;
	[tilespmem:s24+$0xFFFFFFF0] =	vst v14;
	v12 =	vshll.u32 v12, v1;
	v23 =	vld.idx.msk [tilespmem:v13+s22+$0x0], $0xffff;
	v13 =	vshll.u32 v15, v1;
	v19 =	vbroadcast v19, $0x0  }
.Ltmp22:
0x155: {  	s25 =	simm.s32 $0x10770;
	[tilespmem:s24+$0xFFFFFF90] =	vst v16;
	v15 =	vld.idx.msk [tilespmem:v10+s22+$0x0], $0xffff;
	v10 =	vshll.u32 v17, v1;
	v17 =	vadd.s32 $0x300, v18;
	v18 =	vadd.s32 $0x300, v12;
	(pc) =	sbr.rel @!p5 .LBB2_39-.Ltmp22, $4  }
0x156: {  	v14 =	vld.idx.msk [tilespmem:v20+s22+$0x0], $0xffff;
	v10 =	vadd.s32 $0x300, v10;
	v13 =	vadd.s32 $0x300, v13;
	[tilespmem:s25+$0x0] =	vst v25;
	v12 =	vor.u32 v4, v19  }
0x157: {  	v16 =	vld.idx.msk [tilespmem:v21+s22+$0x0], $0xffff;
	v62 =	vbroadcast v17, $0x0;
	v63 =	vbroadcast v18, $0x0;
	v18 =	vor.u32 v2, v22;
	[tilespmem:s24+$0xFFFFFFA0] =	vst v27  }
0x158: {  	s28 =	simm.s32 $0x10;
	v21 =	vld.idx.msk [tilespmem:v11+s22+$0x0], $0xffff;
	[tilespmem:s24+$0xFFFFFFB0] =	vst v61;
	v17 =	vbroadcast v10, $0x0;
	v20 =	vbroadcast v13, $0x0;
	v19 =	vor.u32 v3, v22  }
0x159: {  	s29 =	simm.s32 $0x300;
	p4 =	por $0x1, $0x1;
	s26 =	simm.s32 $0x10370;
	v11 =	vor.u32 v4, v22;
	v13 =	vor.u32 v0, v62;
	v10 =	vor.u32 v2, v63;
	[tilespmem:s25+$0xFFFFFFD0] =	vst v23  }
.LBB2_40:
0x15a: {  	v22 =	vmov s29;
	s0 =	sadd.s32 $0x80, s29;
	s30 =	sadd.s32 $0xE0, s29;
	s28 =	sadd.s32 $0x8, s28;
	v23 =	vor.u32 v0, v17;
	v20 =	vor.u32 v3, v20;
	[tilespmem:s25+$0xFFFFFFE0] =	vst v15;
	v24 =	vmovc v17  }
0x15b: {  	s31 =	sadd.s32 $0xC0, s29;
	v17 =	vshrl.u32 v22, $0x7;
	v15 =	vmov s0;
	s0 =	sadd.s32 $0xA0, s29;
	v22 =	vmov s30;
	p5 =	slt.u32 s28, $0x78;
	v25 =	vld.idx.msk [tilespmem:v12+s22+$0x0], $0xffff;
	[tilespmem:s25+$0xFFFFFFF0] =	vst v14  }
0x15c: {  	v14 =	vmov s31;
	v12 =	vmov s0;
	v22 =	vshrl.u32 v22, $0x7;
	[tilespmem:s25+$0xFFFFFF90] =	vst v16;
	v26 =	vld.idx.msk [tilespmem:v18+s22+$0x0], $0xffff  }
0x15d: {  	v15 =	vshrl.u32 v15, $0x7;
	v12 =	vshrl.u32 v12, $0x7;
	v16 =	vshll.u32 v22, v1;
	v22 =	vld.idx.msk [tilespmem:v19+s22+$0x0], $0xffff;
	[tilespmem:s26+$0xFFFFFFC0] =	vst v21;
	s26 =	smov.u32 s25  }
0x15e: {  	v14 =	vshrl.u32 v14, $0x7;
	v18 =	vshll.u32 v15, v1;
	v15 =	vadd.s32 $0x300, v16;
	v27 =	vld.idx.msk [tilespmem:v13+s22+$0x0], $0xffff  }
0x15f: {  	v12 =	vshll.u32 v12, v1;
	v13 =	vshll.u32 v14, v1;
	v16 =	vbroadcast v15, $0x0;
	v15 =	vld.idx.msk [tilespmem:v10+s22+$0x0], $0xffff  }
.Ltmp23:
0x160: {  	s25 =	sadd.s32 $0x400, s25;
	v10 =	vshll.u32 v17, v1;
	v17 =	vadd.s32 $0x300, v18;
	v18 =	vadd.s32 $0x300, v12;
	v14 =	vld.idx.msk [tilespmem:v20+s22+$0x0], $0xffff;
	(pc) =	sbr.rel @p5 .LBB2_40-.Ltmp23, $4  }
0x161: {  	v13 =	vadd.s32 $0x300, v13;
	v10 =	vadd.s32 $0x300, v10;
	v12 =	vor.u32 v4, v16;
	v16 =	vld.idx.msk [tilespmem:v23+s22+$0x0], $0xffff;
	[tilespmem:s25+$0x0] =	vst v25  }
0x162: {  	v23 =	vbroadcast v17, $0x0;
	v25 =	vbroadcast v18, $0x0;
	v18 =	vor.u32 v2, v24;
	[tilespmem:s26+$0xFFFFFFA0] =	vst v26;
	v21 =	vld.idx.msk [tilespmem:v11+s22+$0x0], $0xffff  }
0x163: {  	v19 =	vor.u32 v3, v24;
	v20 =	vbroadcast v13, $0x0;
	v17 =	vbroadcast v10, $0x0;
	[tilespmem:s26+$0xFFFFFFB0] =	vst v22  }
0x164: {  	s29 =	sadd.s32 $0x100, s29;
	v11 =	vor.u32 v4, v24;
	v13 =	vor.u32 v0, v23;
	v10 =	vor.u32 v2, v25;
	[tilespmem:s25+$0xFFFFFFD0] =	vst v27  }
.LBB2_41:
0x165: {  	_ =	sdelay $0x3  }
0x166: {  	v12 =	vld.idx.msk [tilespmem:v12+s22+$0x0], $0xffff  }
0x167: {  	v18 =	vld.idx.msk @p3 [tilespmem:v18+s22+$0x0], $0xffff  }
0x168: {  	v20 =	vor.u32 v3, v20;
	[tilespmem:s25+$0xFFFFFFE0] =	vst @p3 v15;
	v15 =	vld.idx.msk @p3 [tilespmem:v19+s22+$0x0], $0xffff  }
0x169: {  	v22 =	vor.u32 v0, v17;
	[tilespmem:s25+$0xFFFFFFF0] =	vst @p3 v14;
	v13 =	vld.idx.msk [tilespmem:v13+s22+$0x0], $0xffff  }
0x16a: {  	v10 =	vld.idx.msk [tilespmem:v10+s22+$0x0], $0xffff;
	s0 =	sadd.s32 @p3 $0x400, s25;
	v14 =	vor.u32 v2, v17;
	[tilespmem:s25+$0xFFFFFF90] =	vst @p3 v16  }
0x16b: {  	v19 =	vor.u32 v3, v17;
	v11 =	vld.idx.msk @p3 [tilespmem:v11+s22+$0x0], $0xffff;
	s24 =	smov.u32 @p3 s0;
	[tilespmem:s26+$0xFFFFFFC0] =	vst @p4 v21  }
0x16c: {  	s0 =	smov.u32 @p3 s25;
	[tilespmem:s24+$0x0] =	vst v12;
	v12 =	vor.u32 v4, v17  }
0x16d: {  	v16 =	vld.idx.msk [tilespmem:v20+s22+$0x0], $0xffff;
	[tilespmem:s0+$0xFFFFFFA0] =	vst @p3 v18  }
0x16e: {  	v63 =	vld.idx.msk [tilespmem:v22+s22+$0x0], $0xffff;
	[tilespmem:s0+$0xFFFFFFB0] =	vst @p3 v15  }
0x16f: {  	[tilespmem:s24+$0xFFFFFFD0] =	vst v13;
	v13 =	vld.idx.msk [tilespmem:v14+s22+$0x0], $0xffff  }
0x170: {  	[tilespmem:s24+$0xFFFFFFE0] =	vst v10;
	v10 =	vld.idx.msk [tilespmem:v19+s22+$0x0], $0xffff;
	v11 =	vpsel p3, v11, v0;
	s0 =	smov.u32 @p3 s0  }
0x171: {  	[tilespmem:s0+$0xFFFFFFC0] =	vst @p3 v11;
	v14 =	vld.idx.msk [tilespmem:v12+s22+$0x0], $0xffff  }
.Ltmp24:
0x172: {  	v6 =	vadd.s32 $0x380, v6;
	[tilespmem:s24+$0xFFFFFFF0] =	vst v16;
	(pc) =	sbr.rel @!p2 .LBB2_42-.Ltmp24, $4  }
0x173: {  	v7 =	vadd.s32 $0x380, v7;
	v8 =	vadd.s32 $0x380, v8;
	v6 =	vbroadcast v6, $0x0;
	[tilespmem:s24+$0xFFFFFF90] =	vst v63  }
0x174: {  	v9 =	vadd.s32 $0x380, v9;
	v11 =	vbroadcast v7, $0x0;
	[tilespmem:s24+$0xFFFFFFA0] =	vst v13;
	v13 =	vbroadcast v8, $0x0  }
0x175: {  	v5 =	vadd.s32 $0x380, v5;
	v7 =	vor.u32 v4, v6;
	[tilespmem:s24+$0xFFFFFFB0] =	vst v10;
	v12 =	vbroadcast v9, $0x0  }
0x176: {  	s22 =	simm.s32 $0x103F0;
	v16 =	vbroadcast v5, $0x0;
	v8 =	vor.u32 v0, v11;
	v6 =	vor.u32 v2, v13;
	[tilespmem:s24+$0xFFFFFFC0] =	vst v14  }
0x177: {  	_ = 	snop  }
0x178: {  	v5 =	vmov s23;
	s0 =	simm.s32 $0x180;
	s30 =	simm.s32 $0x1E0;
	v11 =	vor.u32 v0, v12;
	v9 =	vor.u32 v3, v16  }
0x179: {  	s31 =	simm.s32 $0x1A0;
	s24 =	simm.s32 $0x1C0;
	v5 =	vshrl.u32 v5, $0x7;
	v10 =	vmov s0;
	v13 =	vmov s30  }
0x17a: {  	v14 =	vmov s31;
	v15 =	vmov s24;
	v13 =	vshrl.u32 v13, $0x7  }
0x17b: {  	v10 =	vshrl.u32 v10, $0x7;
	v14 =	vshrl.u32 v14, $0x7;
	v5 =	vshll.u32 v5, v1  }
0x17c: {  	v16 =	vld.idx.msk [tilespmem:v7+s4+$0x0], $0xffff;
	v13 =	vshll.u32 v13, v1;
	v7 =	vshll.u32 v10, v1;
	v10 =	vshrl.u32 v15, $0x7  }
0x17d: {  	p3 =	por $0x1, $0x1;
	v15 =	vld.idx.msk [tilespmem:v8+s4+$0x0], $0xffff;
	v8 =	vshll.u32 v14, v1;
	v5 =	vadd.s32 $0x380, v5;
	v13 =	vadd.s32 $0x380, v13  }
.Ltmp25:
0x17e: {  	v14 =	vshll.u32 v10, v1;
	v17 =	vadd.s32 $0x380, v7;
	v8 =	vadd.s32 $0x380, v8;
	(pc) =	sbr.rel @!p3 .LBB2_44-.Ltmp25, $4  }
0x17f: {  	v10 =	vld.idx.msk [tilespmem:v6+s4+$0x0], $0xffff;
	v13 =	vbroadcast v13, $0x0;
	v6 =	vadd.s32 $0x380, v14;
	v18 =	vbroadcast v17, $0x0  }
0x180: {  	v19 =	vbroadcast v8, $0x0;
	v11 =	vld.idx.msk [tilespmem:v11+s4+$0x0], $0xffff;
	v17 =	vbroadcast v5, $0x0;
	v14 =	vor.u32 v3, v12  }
0x181: {  	v5 =	vor.u32 v4, v12;
	v9 =	vld.idx.msk [tilespmem:v9+s4+$0x0], $0xffff;
	[tilespmem:s22+$0x0] =	vst v16;
	v16 =	vbroadcast v6, $0x0;
	v7 =	vor.u32 v4, v13  }
0x182: {  	s23 =	simm.s32 $0x200;
	p2 =	por $0x1, $0x1;
	v13 =	vor.u32 v2, v12;
	v8 =	vor.u32 v0, v18;
	v6 =	vor.u32 v2, v19;
	[tilespmem:s22+$0xFFFFFFD0] =	vst v15  }
0x183: {  	_ =	sdelay $0x1  }
0x184: {  	v12 =	vmov s23;
	s0 =	simm.s32 $0x280;
	s30 =	simm.s32 $0x2E0;
	v15 =	vor.u32 v0, v17;
	v16 =	vor.u32 v3, v16  }
0x185: {  	s31 =	simm.s32 $0x2A0;
	s24 =	simm.s32 $0x2C0;
	v12 =	vshrl.u32 v12, $0x7;
	v18 =	vmov s0;
	v19 =	vmov s30  }
0x186: {  	v20 =	vld.idx.msk [tilespmem:v7+s4+$0x0], $0xffff;
	v7 =	vmov s31;
	v21 =	vmov s24;
	v19 =	vshrl.u32 v19, $0x7  }
0x187: {  	v22 =	vld.idx.msk [tilespmem:v13+s4+$0x0], $0xffff;
	v13 =	vshrl.u32 v18, $0x7;
	v7 =	vshrl.u32 v7, $0x7;
	v18 =	vshll.u32 v19, v1  }
0x188: {  	[tilespmem:s22+$0xFFFFFFE0] =	vst v10;
	v10 =	vshrl.u32 v21, $0x7;
	v19 =	vld.idx.msk [tilespmem:v14+s4+$0x0], $0xffff;
	v13 =	vshll.u32 v13, v1;
	v14 =	vadd.s32 $0x380, v18  }
0x189: {  	p3 =	por $0x1, $0x1;
	[tilespmem:s22+$0xFFFFFF90] =	vst v11;
	v7 =	vshll.u32 v7, v1;
	v18 =	vld.idx.msk [tilespmem:v8+s4+$0x0], $0xffff;
	v8 =	vshll.u32 v10, v1;
	v14 =	vbroadcast v14, $0x0  }
.Ltmp26:
0x18a: {  	s23 =	simm.s32 $0x107F0;
	[tilespmem:s22+$0xFFFFFFF0] =	vst v9;
	v10 =	vld.idx.msk [tilespmem:v6+s4+$0x0], $0xffff;
	v6 =	vshll.u32 v12, v1;
	v12 =	vadd.s32 $0x380, v13;
	v13 =	vadd.s32 $0x380, v7;
	(pc) =	sbr.rel @!p3 .LBB2_46-.Ltmp26, $4  }
0x18b: {  	v9 =	vld.idx.msk [tilespmem:v16+s4+$0x0], $0xffff;
	v6 =	vadd.s32 $0x380, v6;
	v8 =	vadd.s32 $0x380, v8;
	[tilespmem:s23+$0x0] =	vst v20;
	v7 =	vor.u32 v4, v14  }
0x18c: {  	v11 =	vld.idx.msk [tilespmem:v15+s4+$0x0], $0xffff;
	v62 =	vbroadcast v12, $0x0;
	v63 =	vbroadcast v13, $0x0;
	v13 =	vor.u32 v2, v17;
	[tilespmem:s22+$0xFFFFFFA0] =	vst v22  }
0x18d: {  	s25 =	simm.s32 $0x10;
	v15 =	vld.idx.msk [tilespmem:v5+s4+$0x0], $0xffff;
	v12 =	vbroadcast v6, $0x0;
	v16 =	vbroadcast v8, $0x0;
	v14 =	vor.u32 v3, v17;
	[tilespmem:s22+$0xFFFFFFB0] =	vst v19  }
0x18e: {  	s26 =	simm.s32 $0x300;
	p1 =	por $0x1, $0x1;
	s24 =	simm.s32 $0x103F0;
	v5 =	vor.u32 v4, v17;
	v8 =	vor.u32 v0, v62;
	v6 =	vor.u32 v2, v63;
	[tilespmem:s23+$0xFFFFFFD0] =	vst v18  }
.LBB2_47:
0x18f: {  	v17 =	vmov s26;
	s0 =	sadd.s32 $0x80, s26;
	s28 =	sadd.s32 $0xE0, s26;
	s25 =	sadd.s32 $0x8, s25;
	v18 =	vor.u32 v0, v12;
	v16 =	vor.u32 v3, v16;
	[tilespmem:s23+$0xFFFFFFE0] =	vst v10;
	v19 =	vmovc v12  }
0x190: {  	s29 =	sadd.s32 $0xC0, s26;
	v12 =	vshrl.u32 v17, $0x7;
	v10 =	vmov s0;
	s0 =	sadd.s32 $0xA0, s26;
	v17 =	vmov s28;
	p3 =	slt.u32 s25, $0x78;
	v20 =	vld.idx.msk [tilespmem:v7+s4+$0x0], $0xffff;
	[tilespmem:s23+$0xFFFFFFF0] =	vst v9  }
0x191: {  	v9 =	vmov s29;
	v7 =	vmov s0;
	v17 =	vshrl.u32 v17, $0x7;
	[tilespmem:s23+$0xFFFFFF90] =	vst v11;
	v21 =	vld.idx.msk [tilespmem:v13+s4+$0x0], $0xffff  }
0x192: {  	v10 =	vshrl.u32 v10, $0x7;
	v7 =	vshrl.u32 v7, $0x7;
	v11 =	vshll.u32 v17, v1;
	v17 =	vld.idx.msk [tilespmem:v14+s4+$0x0], $0xffff;
	[tilespmem:s24+$0xFFFFFFC0] =	vst v15;
	s24 =	smov.u32 s23  }
0x193: {  	v9 =	vshrl.u32 v9, $0x7;
	v13 =	vshll.u32 v10, v1;
	v10 =	vadd.s32 $0x380, v11;
	v22 =	vld.idx.msk [tilespmem:v8+s4+$0x0], $0xffff  }
0x194: {  	v7 =	vshll.u32 v7, v1;
	v8 =	vshll.u32 v9, v1;
	v11 =	vbroadcast v10, $0x0;
	v10 =	vld.idx.msk [tilespmem:v6+s4+$0x0], $0xffff  }
.Ltmp27:
0x195: {  	s23 =	sadd.s32 $0x400, s23;
	v6 =	vshll.u32 v12, v1;
	v12 =	vadd.s32 $0x380, v13;
	v13 =	vadd.s32 $0x380, v7;
	v9 =	vld.idx.msk [tilespmem:v16+s4+$0x0], $0xffff;
	(pc) =	sbr.rel @p3 .LBB2_47-.Ltmp27, $4  }
0x196: {  	v8 =	vadd.s32 $0x380, v8;
	v6 =	vadd.s32 $0x380, v6;
	v7 =	vor.u32 v4, v11;
	v11 =	vld.idx.msk [tilespmem:v18+s4+$0x0], $0xffff;
	[tilespmem:s23+$0x0] =	vst v20  }
0x197: {  	v18 =	vbroadcast v12, $0x0;
	v20 =	vbroadcast v13, $0x0;
	v13 =	vor.u32 v2, v19;
	[tilespmem:s24+$0xFFFFFFA0] =	vst v21;
	v15 =	vld.idx.msk [tilespmem:v5+s4+$0x0], $0xffff  }
0x198: {  	v14 =	vor.u32 v3, v19;
	v16 =	vbroadcast v8, $0x0;
	v12 =	vbroadcast v6, $0x0;
	[tilespmem:s24+$0xFFFFFFB0] =	vst v17  }
0x199: {  	s26 =	sadd.s32 $0x100, s26;
	v5 =	vor.u32 v4, v19;
	v8 =	vor.u32 v0, v18;
	v6 =	vor.u32 v2, v20;
	[tilespmem:s23+$0xFFFFFFD0] =	vst v22  }
.LBB2_48:
0x19a: {  	_ =	sdelay $0x3  }
0x19b: {  	v7 =	vld.idx.msk [tilespmem:v7+s4+$0x0], $0xffff  }
0x19c: {  	v13 =	vld.idx.msk @p2 [tilespmem:v13+s4+$0x0], $0xffff  }
0x19d: {  	v16 =	vor.u32 v3, v16;
	[tilespmem:s23+$0xFFFFFFE0] =	vst @p2 v10;
	v10 =	vld.idx.msk @p2 [tilespmem:v14+s4+$0x0], $0xffff  }
0x19e: {  	v17 =	vor.u32 v0, v12;
	[tilespmem:s23+$0xFFFFFFF0] =	vst @p2 v9;
	v8 =	vld.idx.msk [tilespmem:v8+s4+$0x0], $0xffff  }
0x19f: {  	v6 =	vld.idx.msk [tilespmem:v6+s4+$0x0], $0xffff;
	s0 =	sadd.s32 @p2 $0x400, s23;
	v9 =	vor.u32 v2, v12;
	[tilespmem:s23+$0xFFFFFF90] =	vst @p2 v11  }
0x1a0: {  	v14 =	vor.u32 v3, v12;
	v5 =	vld.idx.msk @p2 [tilespmem:v5+s4+$0x0], $0xffff;
	s22 =	smov.u32 @p2 s0;
	[tilespmem:s24+$0xFFFFFFC0] =	vst @p1 v15  }
0x1a1: {  	s0 =	smov.u32 @p2 s23;
	[tilespmem:s22+$0x0] =	vst v7;
	v7 =	vor.u32 v4, v12  }
0x1a2: {  	v11 =	vld.idx.msk [tilespmem:v16+s4+$0x0], $0xffff;
	[tilespmem:s0+$0xFFFFFFA0] =	vst @p2 v13  }
0x1a3: {  	v15 =	vld.idx.msk [tilespmem:v17+s4+$0x0], $0xffff;
	[tilespmem:s0+$0xFFFFFFB0] =	vst @p2 v10  }
0x1a4: {  	[tilespmem:s22+$0xFFFFFFD0] =	vst v8;
	v8 =	vld.idx.msk [tilespmem:v9+s4+$0x0], $0xffff  }
0x1a5: {  	p1 =	seq.s32 s19, $0xF;
	[tilespmem:s22+$0xFFFFFFE0] =	vst v6;
	v6 =	vld.idx.msk [tilespmem:v14+s4+$0x0], $0xffff;
	v5 =	vpsel p2, v5, v0;
	s0 =	smov.u32 @p2 s0  }
0x1a6: {  	s25 =	simm.s32 $0x0;
	s26 =	sshll.u32 s21, $0xE;
	s23 =	sadd.s32 @!p1 $0x2, s20;
	[tilespmem:s0+$0xFFFFFFC0] =	vst @p2 v5;
	v7 =	vld.idx.msk [tilespmem:v7+s4+$0x0], $0xffff  }
0x1a7: {  	s28 =	simm.s32 $0x80;
	s24 =	sshrl.u32 @!p1 s23, $0x3;
	s23 =	sshll.u32 @!p1 s23, $0xC;
	[tilespmem:s22+$0xFFFFFFF0] =	vst v11  }
0x1a8: {  	s29 =	simm.s32 $0xE0;
	s23 =	sand.u32 @!p1 $0x6000, s23;
	s0 =	sadd.s32 @!p1 s5, s24;
	[tilespmem:s22+$0xFFFFFF90] =	vst v15  }
0x1a9: {  	s31 =	simm.s32 $0xC0;
	s23 =	sadd.s32 @!p1 s2, s23;
	s0 =	sshll.u32 @!p1 s0, $0xF;
	[tilespmem:s22+$0xFFFFFFA0] =	vst v8  }
0x1aa: {  	s24 =	sshll.u32 s19, $0xC;
	v5 =	vmov s25;
	s25 =	simm.s32 $0xA0;
	s0 =	sand.u32 @!p1 $0xFFF8000, s0;
	[tilespmem:s22+$0xFFFFFFB0] =	vst v6  }
0x1ab: {  	v9 =	vmov s31;
	s21 =	sand.u32 $0x3000, s24;
	s0 =	sadd.s32 @!p1 s0, s23;
	v6 =	vshrl.u32 v5, $0x7;
	[tilespmem:s22+$0xFFFFFFC0] =	vst v7;
	s22 =	simm.s32 @!p1 $0x0  }
0x1ac: {  	v5 =	vmov s28;
	v6 =	vshll.u32 v6, v1;
	v7 =	vmov s29;
	[tilespmem:s22], [sflag:$0x1] =	stream.linear.gather @!p1 [hbm4b:s0+s22], $0x8000, $0x38;
	[tilespmem:$0x18000] =	vst v63  }
0x1ad: {  	s30 =	sadd.s32 s3, s21;
	v8 =	vmov s25;
	v13 =	vbroadcast v6, $0x0;
	s22 =	sadd.s32 s9, s26;
	v7 =	vshrl.u32 v7, $0x7  }
0x1ae: {  	v5 =	vshrl.u32 v5, $0x7;
	v10 =	vshrl.u32 v8, $0x7;
	s23 =	sadd.s32 s22, s30;
	v8 =	vshll.u32 v7, v1  }
0x1af: {  	v5 =	vshll.u32 v5, v1;
	v16 =	vor.u32 v0, v13;
	[hbm4b:s23+s4] =	stream.linear.scatter [tilespmem:s13], [sflag:$0x3], $0x4000, $0x38;
	v11 =	vbroadcast v8, $0x0;
	[tilespmem:$0x18000] =	vst v63  }
0x1b0: {  	v7 =	vshrl.u32 v9, $0x7;
	v9 =	vshll.u32 v10, v1;
	v10 =	vbroadcast v5, $0x0;
	_ =	swait.ge [sflag:s14], $0x8000  }
0x1b1: {  	v7 =	vshll.u32 v7, v1;
	v12 =	vbroadcast v9, $0x0;
	[sflag:s14] =	ssyncset.done $0x0;
	v11 =	vor.u32 v4, v11  }
0x1b2: {  	v18 =	vor.u32 v2, v13;
	s0 =	simm.s32 @!p0 $0x4;
	v14 =	vbroadcast v7, $0x0;
	v10 =	vor.u32 v0, v10;
	[sflag:s14] =	ssyncadd.s32 $0xFFFF8000  }
0x1b3: {  	v23 =	vor.u32 v3, v13;
	v29 =	vor.u32 v4, v13;
	s29 =	simm.s32 $0x1E0;
	s26 =	simm.s32 $0x100;
	v12 =	vor.u32 v2, v12;
	_ =	swait.ge @!p0 [sflag:s0], $0x4000  }
0x1b4: {  	s28 =	simm.s32 $0x180;
	v15 =	vmov s29;
	v19 =	vor.u32 v3, v14;
	v14 =	vmov s26;
	[sflag:s0] =	ssyncset.done @!p0 $0x0  }
0x1b5: {  	v15 =	vshrl.u32 v15, $0x7;
	v13 =	vshrl.u32 v14, $0x7;
	v14 =	vmov s28;
	[sflag:s0] =	ssyncadd.s32 @!p0 $0xFFFFC000  }
0x1b6: {  	s31 =	simm.s32 $0x1C0;
	s30 =	simm.s32 $0x1A0;
	v21 =	vshrl.u32 v14, $0x7;
	v14 =	vshll.u32 v15, v1;
	v24 =	vld.idx.msk [tilespmem:v11+s11+$0x0], $0xffff  }
0x1b7: {  	v20 =	vmov s31;
	v25 =	vbroadcast v14, $0x0;
	v11 =	vmov s30;
	v17 =	vld.idx.msk [tilespmem:v10+s11+$0x0], $0xffff  }
0x1b8: {  	v10 =	vshll.u32 v21, v1;
	v21 =	vshrl.u32 v20, $0x7;
	v15 =	vld.idx.msk [tilespmem:v12+s11+$0x0], $0xffff;
	v22 =	vshrl.u32 v11, $0x7  }
0x1b9: {  	v11 =	vshll.u32 v13, v1;
	v20 =	vld.idx.msk [tilespmem:v19+s11+$0x0], $0xffff;
	v12 =	vshll.u32 v21, v1;
	v19 =	vbroadcast v10, $0x0  }
0x1ba: {  	v21 =	vld.idx.msk [tilespmem:v16+s11+$0x0], $0xffff;
	v26 =	vor.u32 v4, v25;
	v13 =	vshll.u32 v22, v1;
	v28 =	vbroadcast v11, $0x0  }
0x1bb: {  	v16 =	vbroadcast v12, $0x0;
	v22 =	vld.idx.msk [tilespmem:v18+s11+$0x0], $0xffff;
	v30 =	vbroadcast v13, $0x0  }
0x1bc: {  	s23 =	simm.s32 $0x14040;
	v27 =	vor.u32 v0, v19;
	v19 =	vld.idx.msk [tilespmem:v23+s11+$0x0], $0xffff;
	v23 =	vor.u32 v0, v28;
	v18 =	vor.u32 v2, v28  }
0x1bd: {  	s24 =	simm.s32 $0x14040;
	s25 =	simm.s32 $0x8;
	s26 =	simm.s32 $0x200;
	v25 =	vor.u32 v3, v16;
	v16 =	vld.idx.msk [tilespmem:v29+s11+$0x0], $0xffff;
	[tilespmem:s23+$0x30] =	vst v24;
	v24 =	vor.u32 v2, v30  }
.LBB2_49:
0x1be: {  	v29 =	vmov s26;
	s0 =	sadd.s32 $0x80, s26;
	s28 =	sadd.s32 $0xE0, s26;
	s25 =	sadd.s32 $0x8, s25;
	v30 =	vor.u32 v3, v28;
	v31 =	vor.u32 v4, v28;
	[tilespmem:s23+$0x0] =	vst v17  }
0x1bf: {  	s29 =	sadd.s32 $0xC0, s26;
	v28 =	vshrl.u32 v29, $0x7;
	v17 =	vmov s0;
	s0 =	sadd.s32 $0xA0, s26;
	v29 =	vmov s28;
	p0 =	slt.u32 s25, $0x78;
	v32 =	vld.idx.msk [tilespmem:v26+s11+$0x0], $0xffff;
	[tilespmem:s23+$0x10] =	vst v15  }
0x1c0: {  	v26 =	vmov s29;
	v15 =	vmov s0;
	v29 =	vshrl.u32 v29, $0x7;
	[tilespmem:s23+$0x20] =	vst v20  }
0x1c1: {  	v20 =	vshrl.u32 v17, $0x7;
	v33 =	vshrl.u32 v15, $0x7;
	v15 =	vshll.u32 v29, v1;
	v17 =	vld.idx.msk [tilespmem:v27+s11+$0x0], $0xffff;
	[tilespmem:s23+$0xFFFFFFC0] =	vst v21  }
0x1c2: {  	v21 =	vshll.u32 v20, v1;
	v20 =	vshrl.u32 v26, $0x7;
	v26 =	vbroadcast v15, $0x0;
	v15 =	vld.idx.msk [tilespmem:v24+s11+$0x0], $0xffff;
	[tilespmem:s23+$0xFFFFFFD0] =	vst v22  }
.Ltmp28:
0x1c3: {  	v22 =	vshll.u32 v28, v1;
	v24 =	vshll.u32 v33, v1;
	v27 =	vshll.u32 v20, v1;
	v20 =	vld.idx.msk [tilespmem:v25+s11+$0x0], $0xffff;
	(pc) =	sbr.rel @p0 .LBB2_49-.Ltmp28, $4  }
0x1c4: {  	s23 =	sadd.s32 $0x400, s23;
	v25 =	vbroadcast v21, $0x0;
	v24 =	vbroadcast v24, $0x0;
	v26 =	vor.u32 v4, v26;
	v21 =	vld.idx.msk [tilespmem:v23+s11+$0x0], $0xffff;
	[tilespmem:s24+$0xFFFFFFE0] =	vst v19  }
0x1c5: {  	v28 =	vbroadcast v22, $0x0;
	v29 =	vbroadcast v27, $0x0;
	v22 =	vld.idx.msk [tilespmem:v18+s11+$0x0], $0xffff;
	[tilespmem:s23+$0x30] =	vst v32  }
0x1c6: {  	v27 =	vor.u32 v0, v25;
	v24 =	vor.u32 v2, v24;
	v19 =	vld.idx.msk [tilespmem:v30+s11+$0x0], $0xffff;
	[tilespmem:s24+$0xFFFFFFF0] =	vst v16;
	s24 =	smov.u32 s23  }
0x1c7: {  	s26 =	sadd.s32 $0x100, s26;
	v23 =	vor.u32 v0, v28;
	v18 =	vor.u32 v2, v28;
	v25 =	vor.u32 v3, v29;
	v16 =	vld.idx.msk [tilespmem:v31+s11+$0x0], $0xffff  }
0x1c8: {  	_ =	sdelay $0x1  }
0x1c9: {  	[tilespmem:s23+$0x0] =	vst v17  }
0x1ca: {  	[tilespmem:s23+$0x10] =	vst v15  }
0x1cb: {  	v17 =	vld.idx.msk [tilespmem:v26+s11+$0x0], $0xffff;
	[tilespmem:s23+$0x20] =	vst v20  }
0x1cc: {  	v15 =	vor.u32 v3, v28;
	v56 =	vld.idx.msk [tilespmem:v27+s11+$0x0], $0xffff;
	[tilespmem:s23+$0xFFFFFFC0] =	vst v21  }
0x1cd: {  	v57 =	vor.u32 v4, v28;
	v24 =	vld.idx.msk [tilespmem:v24+s11+$0x0], $0xffff;
	[tilespmem:s23+$0xFFFFFFD0] =	vst v22  }
0x1ce: {  	v58 =	vld.idx.msk [tilespmem:v25+s11+$0x0], $0xffff;
	[tilespmem:s24+$0xFFFFFFE0] =	vst v19  }
0x1cf: {  	s0 =	sadd.s32 $0x400, s23;
	v19 =	vld.idx.msk [tilespmem:v23+s11+$0x0], $0xffff;
	[tilespmem:s24+$0xFFFFFFF0] =	vst v16  }
0x1d0: {  	v8 =	vadd.s32 $0x80, v8;
	[tilespmem:s0+$0x30] =	vst v17;
	v17 =	vld.idx.msk [tilespmem:v18+s11+$0x0], $0xffff  }
0x1d1: {  	v5 =	vadd.s32 $0x80, v5;
	v8 =	vbroadcast v8, $0x0;
	v15 =	vld.idx.msk [tilespmem:v15+s11+$0x0], $0xffff;
	[tilespmem:s0+$0x0] =	vst v56  }
0x1d2: {  	v9 =	vadd.s32 $0x80, v9;
	v6 =	vadd.s32 $0x80, v6;
	v5 =	vbroadcast v5, $0x0;
	v16 =	vld.idx.msk [tilespmem:v57+s11+$0x0], $0xffff;
	[tilespmem:s0+$0x10] =	vst v24  }
0x1d3: {  	v7 =	vadd.s32 $0x80, v7;
	v9 =	vbroadcast v9, $0x0;
	v8 =	vor.u32 v4, v8;
	[tilespmem:s0+$0x20] =	vst v58  }
0x1d4: {  	v14 =	vadd.s32 $0x80, v14;
	v7 =	vbroadcast v7, $0x0;
	v5 =	vor.u32 v0, v5;
	[tilespmem:s0+$0xFFFFFFC0] =	vst v19  }
0x1d5: {  	v11 =	vadd.s32 $0x80, v11;
	v6 =	vbroadcast v6, $0x0;
	v9 =	vor.u32 v2, v9;
	[tilespmem:s0+$0xFFFFFFD0] =	vst v17  }
0x1d6: {  	v12 =	vadd.s32 $0x80, v12;
	v14 =	vbroadcast v14, $0x0;
	v7 =	vor.u32 v3, v7;
	[tilespmem:s0+$0xFFFFFFE0] =	vst v15  }
0x1d7: {  	v18 =	vbroadcast v11, $0x0;
	v11 =	vbroadcast v12, $0x0;
	v12 =	vor.u32 v3, v6;
	[tilespmem:s0+$0xFFFFFFF0] =	vst v16  }
0x1d8: {  	v10 =	vadd.s32 $0x80, v10;
	v17 =	vor.u32 v0, v6;
	v8 =	vld.idx.msk [tilespmem:v8+s11+$0x0], $0xffff  }
0x1d9: {  	v13 =	vadd.s32 $0x80, v13;
	v10 =	vbroadcast v10, $0x0;
	v14 =	vor.u32 v4, v14;
	v5 =	vld.idx.msk [tilespmem:v5+s11+$0x0], $0xffff  }
0x1da: {  	s30 =	simm.s32 $0x2E0;
	v13 =	vbroadcast v13, $0x0;
	v15 =	vor.u32 v2, v6;
	v9 =	vld.idx.msk [tilespmem:v9+s11+$0x0], $0xffff  }
0x1db: {  	s28 =	simm.s32 $0x200;
	s25 =	simm.s32 $0x2C0;
	v60 =	vmov s30;
	v10 =	vor.u32 v0, v10;
	v16 =	vor.u32 v4, v6;
	v6 =	vld.idx.msk [tilespmem:v7+s11+$0x0], $0xffff  }
0x1dc: {  	s29 =	simm.s32 $0x280;
	v61 =	vmov s25;
	v13 =	vor.u32 v2, v13;
	s24 =	simm.s32 $0x140F0;
	v7 =	vmov s28;
	v62 =	vld.idx.msk [tilespmem:v12+s11+$0x0], $0xffff  }
0x1dd: {  	v21 =	vshrl.u32 v60, $0x7;
	v59 =	vshrl.u32 v7, $0x7;
	v7 =	vmov s29;
	v17 =	vld.idx.msk [tilespmem:v17+s11+$0x0], $0xffff;
	[tilespmem:s24+$0x0] =	vst v8  }
0x1de: {  	s31 =	simm.s32 $0x2A0;
	v11 =	vor.u32 v3, v11;
	v19 =	vor.u32 v0, v18;
	v7 =	vshrl.u32 v7, $0x7;
	v8 =	vld.idx.msk [tilespmem:v14+s11+$0x0], $0xffff;
	[tilespmem:s24+$0xFFFFFFD0] =	vst v5  }
0x1df: {  	v14 =	vmov s31;
	v5 =	vld.idx.msk [tilespmem:v15+s11+$0x0], $0xffff;
	v15 =	vshll.u32 v21, v1;
	[tilespmem:s24+$0xFFFFFFE0] =	vst v9;
	v9 =	vshll.u32 v7, v1  }
0x1e0: {  	v63 =	vld.idx.msk [tilespmem:v10+s11+$0x0], $0xffff;
	v7 =	vshrl.u32 v61, $0x7;
	v14 =	vshrl.u32 v14, $0x7;
	v12 =	vadd.s32 $0x80, v15  }
0x1e1: {  	[tilespmem:s24+$0xFFFFFFF0] =	vst v6;
	v10 =	vshll.u32 v7, v1;
	v7 =	vld.idx.msk [tilespmem:v13+s11+$0x0], $0xffff;
	v13 =	vshll.u32 v59, v1;
	v12 =	vbroadcast v12, $0x0  }
0x1e2: {  	[tilespmem:s24+$0xFFFFFFB0] =	vst v62;
	v9 =	vadd.s32 $0x80, v9;
	v6 =	vshll.u32 v14, v1;
	v13 =	vadd.s32 $0x80, v13  }
0x1e3: {  	s23 =	simm.s32 $0x144F0;
	v10 =	vadd.s32 $0x80, v10;
	v14 =	vadd.s32 $0x80, v6;
	v6 =	vld.idx.msk [tilespmem:v11+s11+$0x0], $0xffff;
	[tilespmem:s24+$0xFFFFFF90] =	vst v17;
	v11 =	vor.u32 v4, v12  }
0x1e4: {  	v17 =	vbroadcast v9, $0x0;
	v12 =	vor.u32 v2, v18;
	[tilespmem:s23+$0x0] =	vst v8;
	v8 =	vld.idx.msk [tilespmem:v19+s11+$0x0], $0xffff;
	v19 =	vbroadcast v14, $0x0  }
0x1e5: {  	[tilespmem:s23+$0xFFFFFFD0] =	vst v63;
	v15 =	vbroadcast v13, $0x0;
	v9 =	vld.idx.msk [tilespmem:v16+s11+$0x0], $0xffff;
	v16 =	vbroadcast v10, $0x0;
	v14 =	vor.u32 v3, v18  }
0x1e6: {  	s26 =	simm.s32 $0x300;
	s25 =	simm.s32 $0x10;
	[tilespmem:s24+$0xFFFFFFA0] =	vst v5;
	v5 =	vor.u32 v4, v18;
	v13 =	vor.u32 v0, v17;
	v10 =	vor.u32 v2, v19  }
.LBB2_51:
0x1e7: {  	v17 =	vmov s26;
	s0 =	sadd.s32 $0x80, s26;
	s28 =	sadd.s32 $0xE0, s26;
	s25 =	sadd.s32 $0x8, s25;
	v18 =	vor.u32 v0, v15;
	v16 =	vor.u32 v3, v16;
	[tilespmem:s23+$0xFFFFFFE0] =	vst v7;
	v19 =	vmovc v15  }
0x1e8: {  	s29 =	sadd.s32 $0xC0, s26;
	v15 =	vshrl.u32 v17, $0x7;
	v7 =	vmov s0;
	s0 =	sadd.s32 $0xA0, s26;
	v17 =	vmov s28;
	p0 =	slt.u32 s25, $0x78;
	v20 =	vld.idx.msk [tilespmem:v11+s11+$0x0], $0xffff;
	[tilespmem:s23+$0xFFFFFFF0] =	vst v6  }
0x1e9: {  	v11 =	vmov s29;
	v6 =	vmov s0;
	v17 =	vshrl.u32 v17, $0x7;
	[tilespmem:s23+$0xFFFFFF90] =	vst v8;
	v21 =	vld.idx.msk [tilespmem:v12+s11+$0x0], $0xffff  }
0x1ea: {  	v7 =	vshrl.u32 v7, $0x7;
	v6 =	vshrl.u32 v6, $0x7;
	v8 =	vshll.u32 v17, v1;
	v17 =	vld.idx.msk [tilespmem:v14+s11+$0x0], $0xffff;
	[tilespmem:s24+$0xFFFFFFC0] =	vst v9;
	s24 =	smov.u32 s23  }
0x1eb: {  	v9 =	vshll.u32 v7, v1;
	v7 =	vshrl.u32 v11, $0x7;
	v8 =	vadd.s32 $0x80, v8;
	v22 =	vld.idx.msk [tilespmem:v13+s11+$0x0], $0xffff  }
0x1ec: {  	v6 =	vshll.u32 v6, v1;
	v11 =	vshll.u32 v7, v1;
	v8 =	vbroadcast v8, $0x0;
	v7 =	vld.idx.msk [tilespmem:v10+s11+$0x0], $0xffff  }
.Ltmp29:
0x1ed: {  	s23 =	sadd.s32 $0x400, s23;
	v9 =	vadd.s32 $0x80, v9;
	v10 =	vshll.u32 v15, v1;
	v12 =	vadd.s32 $0x80, v6;
	v6 =	vld.idx.msk [tilespmem:v16+s11+$0x0], $0xffff;
	(pc) =	sbr.rel @p0 .LBB2_51-.Ltmp29, $4  }
0x1ee: {  	v13 =	vadd.s32 $0x80, v11;
	v10 =	vadd.s32 $0x80, v10;
	v11 =	vor.u32 v4, v8;
	v8 =	vld.idx.msk [tilespmem:v18+s11+$0x0], $0xffff;
	[tilespmem:s23+$0x0] =	vst v20  }
0x1ef: {  	v18 =	vbroadcast v9, $0x0;
	v20 =	vbroadcast v12, $0x0;
	v12 =	vor.u32 v2, v19;
	[tilespmem:s24+$0xFFFFFFA0] =	vst v21;
	v9 =	vld.idx.msk [tilespmem:v5+s11+$0x0], $0xffff  }
0x1f0: {  	v14 =	vor.u32 v3, v19;
	v16 =	vbroadcast v13, $0x0;
	v15 =	vbroadcast v10, $0x0;
	[tilespmem:s24+$0xFFFFFFB0] =	vst v17  }
0x1f1: {  	s26 =	sadd.s32 $0x100, s26;
	v5 =	vor.u32 v4, v19;
	v13 =	vor.u32 v0, v18;
	v10 =	vor.u32 v2, v20;
	[tilespmem:s23+$0xFFFFFFD0] =	vst v22  }
0x1f2: {  	_ =	sdelay $0x3  }
0x1f3: {  	v16 =	vor.u32 v3, v16;
	v11 =	vld.idx.msk [tilespmem:v11+s11+$0x0], $0xffff  }
0x1f4: {  	v17 =	vor.u32 v0, v15;
	[tilespmem:s23+$0xFFFFFFE0] =	vst v7;
	v7 =	vld.idx.msk [tilespmem:v12+s11+$0x0], $0xffff  }
0x1f5: {  	[tilespmem:s23+$0xFFFFFFF0] =	vst v6;
	v6 =	vld.idx.msk [tilespmem:v14+s11+$0x0], $0xffff  }
0x1f6: {  	v12 =	vor.u32 v2, v15;
	[tilespmem:s23+$0xFFFFFF90] =	vst v8;
	v8 =	vld.idx.msk [tilespmem:v13+s11+$0x0], $0xffff  }
0x1f7: {  	s0 =	sadd.s32 $0x400, s23;
	[tilespmem:s24+$0xFFFFFFC0] =	vst v9;
	v9 =	vld.idx.msk [tilespmem:v10+s11+$0x0], $0xffff;
	v10 =	vor.u32 v3, v15  }
0x1f8: {  	s28 =	simm.s32 $0x0;
	v13 =	vld.idx.msk [tilespmem:v16+s11+$0x0], $0xffff;
	[tilespmem:s0+$0x0] =	vst v11;
	v11 =	vor.u32 v4, v15  }
0x1f9: {  	s29 =	simm.s32 $0x80;
	s25 =	simm.s32 $0xE0;
	v14 =	vld.idx.msk [tilespmem:v17+s11+$0x0], $0xffff;
	[tilespmem:s23+$0xFFFFFFA0] =	vst v7;
	v7 =	vmov s28  }
0x1fa: {  	s30 =	simm.s32 $0xA0;
	s31 =	simm.s32 $0xC0;
	v15 =	vld.idx.msk [tilespmem:v5+s11+$0x0], $0xffff;
	[tilespmem:s23+$0xFFFFFFB0] =	vst v6;
	v5 =	vmov s29;
	v6 =	vmov s25;
	v16 =	vshrl.u32 v7, $0x7  }
0x1fb: {  	v12 =	vld.idx.msk [tilespmem:v12+s11+$0x0], $0xffff;
	[tilespmem:s0+$0xFFFFFFD0] =	vst v8;
	v7 =	vmov s30;
	v8 =	vmov s31;
	v6 =	vshrl.u32 v6, $0x7  }
0x1fc: {  	v5 =	vshrl.u32 v5, $0x7;
	[tilespmem:s0+$0xFFFFFFE0] =	vst v9;
	v10 =	vld.idx.msk [tilespmem:v10+s11+$0x0], $0xffff;
	v9 =	vshrl.u32 v7, $0x7;
	v6 =	vshll.u32 v6, v1  }
0x1fd: {  	p2 =	por $0x1, $0x1;
	v7 =	vshll.u32 v5, v1;
	v5 =	vshrl.u32 v8, $0x7;
	v8 =	vshll.u32 v9, v1;
	[tilespmem:s0+$0xFFFFFFF0] =	vst v13;
	v11 =	vld.idx.msk [tilespmem:v11+s11+$0x0], $0xffff  }
.Ltmp30:
0x1fe: {  	v5 =	vshll.u32 v5, v1;
	v9 =	vshll.u32 v16, v1;
	v13 =	vadd.s32 $0x100, v6;
	[tilespmem:s0+$0xFFFFFF90] =	vst v14;
	(pc) =	sbr.rel @!p2 .LBB2_53-.Ltmp30, $4  }
0x1ff: {  	[tilespmem:s23+$0xFFFFFFC0] =	vst v15;
	v14 =	vadd.s32 $0x100, v7;
	v15 =	vadd.s32 $0x100, v8;
	v13 =	vbroadcast v13, $0x0  }
0x200: {  	v16 =	vadd.s32 $0x100, v9;
	[tilespmem:s0+$0xFFFFFFA0] =	vst v12;
	v14 =	vbroadcast v14, $0x0;
	v15 =	vbroadcast v15, $0x0  }
0x201: {  	p3 =	por $0x0, $0x0;
	v17 =	vbroadcast v16, $0x0;
	[tilespmem:s0+$0xFFFFFFB0] =	vst v10;
	v10 =	vadd.s32 $0x100, v5;
	v12 =	vor.u32 v4, v13  }
0x202: {  	p0 =	por $0x0, $0x0;
	s24 =	simm.s32 $0x14170;
	s25 =	simm.s32 $0x100;
	v20 =	vbroadcast v10, $0x0;
	v13 =	vor.u32 v0, v14;
	v10 =	vor.u32 v2, v15;
	[tilespmem:s0+$0xFFFFFFC0] =	vst v11  }
0x203: {  	_ = 	snop  }
0x204: {  	v11 =	vmov s25;
	s0 =	simm.s32 $0x180;
	s23 =	simm.s32 $0x1E0;
	v16 =	vor.u32 v0, v17;
	v14 =	vor.u32 v3, v20  }
0x205: {  	s31 =	simm.s32 $0x1A0;
	s26 =	simm.s32 $0x1C0;
	v11 =	vshrl.u32 v11, $0x7;
	v15 =	vmov s0;
	v18 =	vmov s23  }
0x206: {  	v19 =	vmov s31;
	v20 =	vmov s26;
	v18 =	vshrl.u32 v18, $0x7  }
0x207: {  	v21 =	vld.idx.msk [tilespmem:v12+s11+$0x0], $0xffff;
	v15 =	vshrl.u32 v15, $0x7;
	v19 =	vshrl.u32 v19, $0x7;
	v11 =	vshll.u32 v11, v1  }
0x208: {  	v23 =	vld.idx.msk [tilespmem:v13+s11+$0x0], $0xffff;
	v18 =	vshll.u32 v18, v1;
	v12 =	vshll.u32 v15, v1;
	v15 =	vshrl.u32 v20, $0x7  }
0x209: {  	p4 =	por $0x1, $0x1;
	v13 =	vshll.u32 v19, v1;
	v18 =	vadd.s32 $0x100, v18;
	v19 =	vshll.u32 v15, v1  }
.Ltmp31:
0x20a: {  	v20 =	vadd.s32 $0x100, v12;
	v13 =	vadd.s32 $0x100, v13;
	v15 =	vld.idx.msk [tilespmem:v10+s11+$0x0], $0xffff;
	v10 =	vadd.s32 $0x100, v11;
	(pc) =	sbr.rel @!p4 .LBB2_55-.Ltmp31, $4  }
0x20b: {  	v18 =	vbroadcast v18, $0x0;
	v11 =	vadd.s32 $0x100, v19;
	v24 =	vbroadcast v20, $0x0  }
0x20c: {  	v25 =	vbroadcast v13, $0x0;
	[tilespmem:s24+$0x0] =	vst v21;
	v22 =	vbroadcast v10, $0x0;
	v19 =	vor.u32 v3, v17  }
0x20d: {  	v16 =	vld.idx.msk [tilespmem:v16+s11+$0x0], $0xffff;
	[tilespmem:s24+$0xFFFFFFD0] =	vst v23;
	v20 =	vbroadcast v11, $0x0;
	v11 =	vor.u32 v4, v17;
	v12 =	vor.u32 v4, v18  }
0x20e: {  	p3 =	por $0x1, $0x1;
	s23 =	simm.s32 $0x200;
	v14 =	vld.idx.msk [tilespmem:v14+s11+$0x0], $0xffff;
	v18 =	vor.u32 v2, v17;
	v13 =	vor.u32 v0, v24;
	v10 =	vor.u32 v2, v25  }
0x20f: {  	_ =	sdelay $0x1  }
0x210: {  	v17 =	vmov s23;
	s0 =	simm.s32 $0x280;
	s30 =	simm.s32 $0x2E0;
	v21 =	vor.u32 v0, v22;
	v20 =	vor.u32 v3, v20  }
0x211: {  	s31 =	simm.s32 $0x2A0;
	s26 =	simm.s32 $0x2C0;
	v17 =	vshrl.u32 v17, $0x7;
	v23 =	vmov s0;
	v24 =	vmov s30  }
0x212: {  	v25 =	vld.idx.msk [tilespmem:v12+s11+$0x0], $0xffff;
	v12 =	vmov s31;
	v26 =	vmov s26;
	v24 =	vshrl.u32 v24, $0x7  }
0x213: {  	v27 =	vld.idx.msk [tilespmem:v18+s11+$0x0], $0xffff;
	v18 =	vshrl.u32 v23, $0x7;
	v12 =	vshrl.u32 v12, $0x7;
	v23 =	vshll.u32 v24, v1  }
0x214: {  	[tilespmem:s24+$0xFFFFFFE0] =	vst v15;
	v61 =	vld.idx.msk [tilespmem:v19+s11+$0x0], $0xffff;
	v15 =	vshrl.u32 v26, $0x7;
	v18 =	vshll.u32 v18, v1;
	v19 =	vadd.s32 $0x100, v23  }
0x215: {  	p5 =	por $0x1, $0x1;
	v12 =	vshll.u32 v12, v1;
	[tilespmem:s24+$0xFFFFFF90] =	vst v16;
	v23 =	vld.idx.msk [tilespmem:v13+s11+$0x0], $0xffff;
	v13 =	vshll.u32 v15, v1;
	v19 =	vbroadcast v19, $0x0  }
.Ltmp32:
0x216: {  	s23 =	simm.s32 $0x14570;
	[tilespmem:s24+$0xFFFFFFF0] =	vst v14;
	v15 =	vld.idx.msk [tilespmem:v10+s11+$0x0], $0xffff;
	v10 =	vshll.u32 v17, v1;
	v17 =	vadd.s32 $0x100, v18;
	v18 =	vadd.s32 $0x100, v12;
	(pc) =	sbr.rel @!p5 .LBB2_57-.Ltmp32, $4  }
0x217: {  	v14 =	vld.idx.msk [tilespmem:v20+s11+$0x0], $0xffff;
	v10 =	vadd.s32 $0x100, v10;
	v13 =	vadd.s32 $0x100, v13;
	[tilespmem:s23+$0x0] =	vst v25;
	v12 =	vor.u32 v4, v19  }
0x218: {  	v16 =	vld.idx.msk [tilespmem:v21+s11+$0x0], $0xffff;
	v62 =	vbroadcast v17, $0x0;
	v63 =	vbroadcast v18, $0x0;
	v18 =	vor.u32 v2, v22;
	[tilespmem:s24+$0xFFFFFFA0] =	vst v27  }
0x219: {  	s28 =	simm.s32 $0x10;
	v21 =	vld.idx.msk [tilespmem:v11+s11+$0x0], $0xffff;
	[tilespmem:s24+$0xFFFFFFB0] =	vst v61;
	v17 =	vbroadcast v10, $0x0;
	v20 =	vbroadcast v13, $0x0;
	v19 =	vor.u32 v3, v22  }
0x21a: {  	s29 =	simm.s32 $0x300;
	p4 =	por $0x1, $0x1;
	s26 =	simm.s32 $0x14170;
	v11 =	vor.u32 v4, v22;
	v13 =	vor.u32 v0, v62;
	v10 =	vor.u32 v2, v63;
	[tilespmem:s23+$0xFFFFFFD0] =	vst v23  }
.LBB2_58:
0x21b: {  	v22 =	vmov s29;
	s0 =	sadd.s32 $0x80, s29;
	s30 =	sadd.s32 $0xE0, s29;
	s28 =	sadd.s32 $0x8, s28;
	v23 =	vor.u32 v0, v17;
	v20 =	vor.u32 v3, v20;
	[tilespmem:s23+$0xFFFFFFE0] =	vst v15;
	v24 =	vmovc v17  }
0x21c: {  	s31 =	sadd.s32 $0xC0, s29;
	v17 =	vshrl.u32 v22, $0x7;
	v15 =	vmov s0;
	s0 =	sadd.s32 $0xA0, s29;
	v22 =	vmov s30;
	p5 =	slt.u32 s28, $0x78;
	v25 =	vld.idx.msk [tilespmem:v12+s11+$0x0], $0xffff;
	[tilespmem:s23+$0xFFFFFFF0] =	vst v14  }
0x21d: {  	v14 =	vmov s31;
	v12 =	vmov s0;
	v22 =	vshrl.u32 v22, $0x7;
	[tilespmem:s23+$0xFFFFFF90] =	vst v16;
	v26 =	vld.idx.msk [tilespmem:v18+s11+$0x0], $0xffff  }
0x21e: {  	v15 =	vshrl.u32 v15, $0x7;
	v12 =	vshrl.u32 v12, $0x7;
	v16 =	vshll.u32 v22, v1;
	v22 =	vld.idx.msk [tilespmem:v19+s11+$0x0], $0xffff;
	[tilespmem:s26+$0xFFFFFFC0] =	vst v21;
	s26 =	smov.u32 s23  }
0x21f: {  	v14 =	vshrl.u32 v14, $0x7;
	v18 =	vshll.u32 v15, v1;
	v15 =	vadd.s32 $0x100, v16;
	v27 =	vld.idx.msk [tilespmem:v13+s11+$0x0], $0xffff  }
0x220: {  	v12 =	vshll.u32 v12, v1;
	v13 =	vshll.u32 v14, v1;
	v16 =	vbroadcast v15, $0x0;
	v15 =	vld.idx.msk [tilespmem:v10+s11+$0x0], $0xffff  }
.Ltmp33:
0x221: {  	s23 =	sadd.s32 $0x400, s23;
	v10 =	vshll.u32 v17, v1;
	v17 =	vadd.s32 $0x100, v18;
	v18 =	vadd.s32 $0x100, v12;
	v14 =	vld.idx.msk [tilespmem:v20+s11+$0x0], $0xffff;
	(pc) =	sbr.rel @p5 .LBB2_58-.Ltmp33, $4  }
0x222: {  	v13 =	vadd.s32 $0x100, v13;
	v10 =	vadd.s32 $0x100, v10;
	v12 =	vor.u32 v4, v16;
	v16 =	vld.idx.msk [tilespmem:v23+s11+$0x0], $0xffff;
	[tilespmem:s23+$0x0] =	vst v25  }
0x223: {  	v23 =	vbroadcast v17, $0x0;
	v25 =	vbroadcast v18, $0x0;
	v18 =	vor.u32 v2, v24;
	[tilespmem:s26+$0xFFFFFFA0] =	vst v26;
	v21 =	vld.idx.msk [tilespmem:v11+s11+$0x0], $0xffff  }
0x224: {  	v19 =	vor.u32 v3, v24;
	v20 =	vbroadcast v13, $0x0;
	v17 =	vbroadcast v10, $0x0;
	[tilespmem:s26+$0xFFFFFFB0] =	vst v22  }
0x225: {  	s29 =	sadd.s32 $0x100, s29;
	v11 =	vor.u32 v4, v24;
	v13 =	vor.u32 v0, v23;
	v10 =	vor.u32 v2, v25;
	[tilespmem:s23+$0xFFFFFFD0] =	vst v27  }
.LBB2_59:
0x226: {  	_ =	sdelay $0x3  }
0x227: {  	v12 =	vld.idx.msk [tilespmem:v12+s11+$0x0], $0xffff  }
0x228: {  	v18 =	vld.idx.msk @p3 [tilespmem:v18+s11+$0x0], $0xffff  }
0x229: {  	v20 =	vor.u32 v3, v20;
	[tilespmem:s23+$0xFFFFFFE0] =	vst @p3 v15;
	v15 =	vld.idx.msk @p3 [tilespmem:v19+s11+$0x0], $0xffff  }
0x22a: {  	v22 =	vor.u32 v0, v17;
	[tilespmem:s23+$0xFFFFFFF0] =	vst @p3 v14;
	v13 =	vld.idx.msk [tilespmem:v13+s11+$0x0], $0xffff  }
0x22b: {  	v10 =	vld.idx.msk [tilespmem:v10+s11+$0x0], $0xffff;
	s0 =	sadd.s32 @p3 $0x400, s23;
	v14 =	vor.u32 v2, v17;
	[tilespmem:s23+$0xFFFFFF90] =	vst @p3 v16  }
0x22c: {  	v19 =	vor.u32 v3, v17;
	v11 =	vld.idx.msk @p3 [tilespmem:v11+s11+$0x0], $0xffff;
	s24 =	smov.u32 @p3 s0;
	[tilespmem:s26+$0xFFFFFFC0] =	vst @p4 v21  }
0x22d: {  	s0 =	smov.u32 @p3 s23;
	[tilespmem:s24+$0x0] =	vst v12;
	v12 =	vor.u32 v4, v17  }
0x22e: {  	v16 =	vld.idx.msk [tilespmem:v20+s11+$0x0], $0xffff;
	[tilespmem:s0+$0xFFFFFFA0] =	vst @p3 v18  }
0x22f: {  	v61 =	vld.idx.msk [tilespmem:v22+s11+$0x0], $0xffff;
	[tilespmem:s0+$0xFFFFFFB0] =	vst @p3 v15  }
0x230: {  	[tilespmem:s24+$0xFFFFFFD0] =	vst v13;
	v13 =	vld.idx.msk [tilespmem:v14+s11+$0x0], $0xffff  }
0x231: {  	[tilespmem:s24+$0xFFFFFFE0] =	vst v10;
	v62 =	vld.idx.msk [tilespmem:v19+s11+$0x0], $0xffff;
	v11 =	vpsel p3, v11, v0;
	s0 =	smov.u32 @p3 s0  }
0x232: {  	[tilespmem:s0+$0xFFFFFFC0] =	vst @p3 v11;
	v14 =	vld.idx.msk [tilespmem:v12+s11+$0x0], $0xffff  }
.Ltmp34:
0x233: {  	v6 =	vadd.s32 $0x180, v6;
	v7 =	vadd.s32 $0x180, v7;
	[tilespmem:s24+$0xFFFFFFF0] =	vst v16;
	(pc) =	sbr.rel @!p2 .LBB2_60-.Ltmp34, $4  }
0x234: {  	v8 =	vadd.s32 $0x180, v8;
	v6 =	vbroadcast v6, $0x0;
	v63 =	vbroadcast v7, $0x0;
	[tilespmem:s24+$0xFFFFFF90] =	vst v61  }
0x235: {  	v9 =	vadd.s32 $0x180, v9;
	v8 =	vbroadcast v8, $0x0;
	[tilespmem:s24+$0xFFFFFFA0] =	vst v13  }
0x236: {  	v5 =	vadd.s32 $0x180, v5;
	v7 =	vor.u32 v4, v6;
	v6 =	vor.u32 v0, v63;
	[tilespmem:s24+$0xFFFFFFB0] =	vst v62  }
0x237: {  	s23 =	simm.s32 $0x141F0;
	v12 =	vbroadcast v9, $0x0;
	v16 =	vbroadcast v5, $0x0;
	v5 =	vor.u32 v2, v8;
	[tilespmem:s24+$0xFFFFFFC0] =	vst v14  }
0x238: {  	_ = 	snop  }
0x239: {  	v8 =	vmov s25;
	s0 =	simm.s32 $0x180;
	s24 =	simm.s32 $0x1E0;
	v11 =	vor.u32 v0, v12;
	v9 =	vor.u32 v3, v16  }
0x23a: {  	s30 =	simm.s32 $0x1A0;
	s31 =	simm.s32 $0x1C0;
	v8 =	vshrl.u32 v8, $0x7;
	v10 =	vmov s0;
	v13 =	vmov s24  }
0x23b: {  	v14 =	vmov s30;
	v15 =	vmov s31;
	v13 =	vshrl.u32 v13, $0x7  }
0x23c: {  	v10 =	vshrl.u32 v10, $0x7;
	v14 =	vshrl.u32 v14, $0x7;
	v8 =	vshll.u32 v8, v1  }
0x23d: {  	v16 =	vld.idx.msk [tilespmem:v7+s11+$0x0], $0xffff;
	v13 =	vshll.u32 v13, v1;
	v7 =	vshll.u32 v10, v1;
	v10 =	vshrl.u32 v15, $0x7  }
0x23e: {  	p3 =	por $0x1, $0x1;
	v15 =	vld.idx.msk [tilespmem:v6+s11+$0x0], $0xffff;
	v6 =	vshll.u32 v14, v1;
	v13 =	vadd.s32 $0x180, v13;
	v14 =	vshll.u32 v10, v1  }
.Ltmp35:
0x23f: {  	v17 =	vadd.s32 $0x180, v7;
	v6 =	vadd.s32 $0x180, v6;
	v10 =	vld.idx.msk [tilespmem:v5+s11+$0x0], $0xffff;
	v5 =	vadd.s32 $0x180, v8;
	(pc) =	sbr.rel @!p3 .LBB2_62-.Ltmp35, $4  }
0x240: {  	v13 =	vbroadcast v13, $0x0;
	v8 =	vadd.s32 $0x180, v14;
	v18 =	vbroadcast v17, $0x0  }
0x241: {  	v19 =	vbroadcast v6, $0x0;
	v17 =	vbroadcast v5, $0x0;
	v14 =	vor.u32 v3, v12;
	v9 =	vld.idx.msk [tilespmem:v9+s11+$0x0], $0xffff  }
0x242: {  	v11 =	vld.idx.msk [tilespmem:v11+s11+$0x0], $0xffff;
	[tilespmem:s23+$0x0] =	vst v16;
	v16 =	vbroadcast v8, $0x0;
	v8 =	vor.u32 v4, v12;
	v7 =	vor.u32 v4, v13  }
0x243: {  	p2 =	por $0x1, $0x1;
	s24 =	simm.s32 $0x200;
	v13 =	vor.u32 v2, v12;
	v6 =	vor.u32 v0, v18;
	v5 =	vor.u32 v2, v19;
	[tilespmem:s23+$0xFFFFFFD0] =	vst v15  }
0x244: {  	_ =	sdelay $0x1  }
0x245: {  	v12 =	vmov s24;
	s0 =	simm.s32 $0x280;
	s30 =	simm.s32 $0x2E0;
	v15 =	vor.u32 v0, v17;
	v16 =	vor.u32 v3, v16  }
0x246: {  	s31 =	simm.s32 $0x2A0;
	s25 =	simm.s32 $0x2C0;
	v12 =	vshrl.u32 v12, $0x7;
	v18 =	vmov s0;
	v19 =	vmov s30  }
0x247: {  	v20 =	vld.idx.msk [tilespmem:v7+s11+$0x0], $0xffff;
	v7 =	vmov s31;
	v21 =	vmov s25;
	v19 =	vshrl.u32 v19, $0x7  }
0x248: {  	v22 =	vld.idx.msk [tilespmem:v13+s11+$0x0], $0xffff;
	v13 =	vshrl.u32 v18, $0x7;
	v7 =	vshrl.u32 v7, $0x7;
	v18 =	vshll.u32 v19, v1  }
0x249: {  	[tilespmem:s23+$0xFFFFFFE0] =	vst v10;
	v10 =	vshrl.u32 v21, $0x7;
	v19 =	vld.idx.msk [tilespmem:v14+s11+$0x0], $0xffff;
	v13 =	vshll.u32 v13, v1;
	v14 =	vadd.s32 $0x180, v18  }
0x24a: {  	p3 =	por $0x1, $0x1;
	[tilespmem:s23+$0xFFFFFFF0] =	vst v9;
	v18 =	vld.idx.msk [tilespmem:v6+s11+$0x0], $0xffff;
	v6 =	vshll.u32 v7, v1;
	v7 =	vshll.u32 v10, v1;
	v14 =	vbroadcast v14, $0x0  }
.Ltmp36:
0x24b: {  	s24 =	simm.s32 $0x145F0;
	[tilespmem:s23+$0xFFFFFF90] =	vst v11;
	v10 =	vld.idx.msk [tilespmem:v5+s11+$0x0], $0xffff;
	v5 =	vshll.u32 v12, v1;
	v12 =	vadd.s32 $0x180, v13;
	v13 =	vor.u32 v2, v17;
	(pc) =	sbr.rel @!p3 .LBB2_64-.Ltmp36, $4  }
0x24c: {  	v6 =	vadd.s32 $0x180, v6;
	v9 =	vld.idx.msk [tilespmem:v16+s11+$0x0], $0xffff;
	v16 =	vadd.s32 $0x180, v7;
	[tilespmem:s24+$0x0] =	vst v20;
	v7 =	vor.u32 v4, v14  }
0x24d: {  	v5 =	vadd.s32 $0x180, v5;
	v11 =	vld.idx.msk [tilespmem:v15+s11+$0x0], $0xffff;
	v62 =	vbroadcast v12, $0x0;
	[tilespmem:s23+$0xFFFFFFA0] =	vst v22;
	v63 =	vbroadcast v6, $0x0  }
0x24e: {  	s26 =	simm.s32 $0x10;
	v15 =	vld.idx.msk [tilespmem:v8+s11+$0x0], $0xffff;
	v12 =	vbroadcast v5, $0x0;
	v16 =	vbroadcast v16, $0x0;
	v14 =	vor.u32 v3, v17;
	[tilespmem:s23+$0xFFFFFFB0] =	vst v19  }
0x24f: {  	s28 =	simm.s32 $0x300;
	p0 =	por $0x1, $0x1;
	s25 =	simm.s32 $0x141F0;
	v8 =	vor.u32 v4, v17;
	v6 =	vor.u32 v0, v62;
	v5 =	vor.u32 v2, v63;
	[tilespmem:s24+$0xFFFFFFD0] =	vst v18  }
.LBB2_65:
0x250: {  	v17 =	vmov s28;
	s0 =	sadd.s32 $0x80, s28;
	s29 =	sadd.s32 $0xE0, s28;
	s26 =	sadd.s32 $0x8, s26;
	v18 =	vor.u32 v0, v12;
	v16 =	vor.u32 v3, v16;
	[tilespmem:s24+$0xFFFFFFE0] =	vst v10;
	v19 =	vmovc v12  }
0x251: {  	s30 =	sadd.s32 $0xC0, s28;
	v12 =	vshrl.u32 v17, $0x7;
	v10 =	vmov s0;
	s0 =	sadd.s32 $0xA0, s28;
	v17 =	vmov s29;
	p3 =	slt.u32 s26, $0x78;
	v20 =	vld.idx.msk [tilespmem:v7+s11+$0x0], $0xffff;
	[tilespmem:s24+$0xFFFFFFF0] =	vst v9  }
0x252: {  	v9 =	vmov s30;
	v7 =	vmov s0;
	v17 =	vshrl.u32 v17, $0x7;
	[tilespmem:s24+$0xFFFFFF90] =	vst v11;
	v21 =	vld.idx.msk [tilespmem:v13+s11+$0x0], $0xffff  }
0x253: {  	v10 =	vshrl.u32 v10, $0x7;
	v7 =	vshrl.u32 v7, $0x7;
	v11 =	vshll.u32 v17, v1;
	v17 =	vld.idx.msk [tilespmem:v14+s11+$0x0], $0xffff;
	[tilespmem:s25+$0xFFFFFFC0] =	vst v15;
	s25 =	smov.u32 s24  }
0x254: {  	v9 =	vshrl.u32 v9, $0x7;
	v13 =	vshll.u32 v10, v1;
	v10 =	vadd.s32 $0x180, v11;
	v22 =	vld.idx.msk [tilespmem:v6+s11+$0x0], $0xffff  }
0x255: {  	v6 =	vshll.u32 v7, v1;
	v7 =	vshll.u32 v9, v1;
	v11 =	vbroadcast v10, $0x0;
	v10 =	vld.idx.msk [tilespmem:v5+s11+$0x0], $0xffff  }
.Ltmp37:
0x256: {  	s24 =	sadd.s32 $0x400, s24;
	v5 =	vshll.u32 v12, v1;
	v12 =	vadd.s32 $0x180, v13;
	v6 =	vadd.s32 $0x180, v6;
	v9 =	vld.idx.msk [tilespmem:v16+s11+$0x0], $0xffff;
	(pc) =	sbr.rel @p3 .LBB2_65-.Ltmp37, $4  }
0x257: {  	v14 =	vadd.s32 $0x180, v7;
	v5 =	vadd.s32 $0x180, v5;
	v7 =	vor.u32 v4, v11;
	v11 =	vld.idx.msk [tilespmem:v18+s11+$0x0], $0xffff;
	[tilespmem:s24+$0x0] =	vst v20  }
0x258: {  	v13 =	vor.u32 v2, v19;
	v18 =	vbroadcast v12, $0x0;
	v20 =	vbroadcast v6, $0x0;
	[tilespmem:s25+$0xFFFFFFA0] =	vst v21;
	v15 =	vld.idx.msk [tilespmem:v8+s11+$0x0], $0xffff  }
0x259: {  	v16 =	vbroadcast v14, $0x0;
	v14 =	vor.u32 v3, v19;
	v12 =	vbroadcast v5, $0x0;
	[tilespmem:s25+$0xFFFFFFB0] =	vst v17  }
0x25a: {  	s28 =	sadd.s32 $0x100, s28;
	v8 =	vor.u32 v4, v19;
	v6 =	vor.u32 v0, v18;
	v5 =	vor.u32 v2, v20;
	[tilespmem:s24+$0xFFFFFFD0] =	vst v22  }
.LBB2_66:
0x25b: {  	_ =	sdelay $0x3  }
0x25c: {  	v7 =	vld.idx.msk [tilespmem:v7+s11+$0x0], $0xffff  }
0x25d: {  	v13 =	vld.idx.msk @p2 [tilespmem:v13+s11+$0x0], $0xffff  }
0x25e: {  	v16 =	vor.u32 v3, v16;
	[tilespmem:s24+$0xFFFFFFE0] =	vst @p2 v10;
	v8 =	vld.idx.msk @p2 [tilespmem:v8+s11+$0x0], $0xffff  }
0x25f: {  	v17 =	vor.u32 v0, v12;
	[tilespmem:s24+$0xFFFFFFF0] =	vst @p2 v9;
	v9 =	vld.idx.msk @p2 [tilespmem:v14+s11+$0x0], $0xffff  }
0x260: {  	v6 =	vld.idx.msk [tilespmem:v6+s11+$0x0], $0xffff;
	s0 =	sadd.s32 @p2 $0x400, s24;
	v10 =	vor.u32 v2, v12;
	[tilespmem:s24+$0xFFFFFF90] =	vst @p2 v11  }
0x261: {  	v5 =	vld.idx.msk [tilespmem:v5+s11+$0x0], $0xffff;
	s23 =	smov.u32 @p2 s0;
	[tilespmem:s25+$0xFFFFFFC0] =	vst @p0 v15  }
0x262: {  	s29 =	simm.s32 $0xE0;
	v11 =	vor.u32 v3, v12;
	s0 =	smov.u32 @p2 s24;
	[tilespmem:s23+$0x0] =	vst v7  }
0x263: {  	v15 =	vmov s29;
	v14 =	vld.idx.msk [tilespmem:v16+s11+$0x0], $0xffff;
	v7 =	vor.u32 v4, v12;
	[tilespmem:s0+$0xFFFFFFA0] =	vst @p2 v13  }
0x264: {  	s26 =	simm.s32 $0x0;
	s30 =	simm.s32 $0xA0;
	v15 =	vshrl.u32 v15, $0x7;
	v12 =	vld.idx.msk [tilespmem:v17+s11+$0x0], $0xffff;
	[tilespmem:s0+$0xFFFFFFB0] =	vst @p2 v9  }
0x265: {  	s28 =	simm.s32 $0x80;
	s31 =	simm.s32 $0xC0;
	v13 =	vpsel p2, v8, v0;
	v8 =	vmov s26;
	[tilespmem:s23+$0xFFFFFFD0] =	vst v6;
	v10 =	vld.idx.msk [tilespmem:v10+s11+$0x0], $0xffff;
	v6 =	vmov s30  }
0x266: {  	v16 =	vmov s31;
	[tilespmem:s23+$0xFFFFFFE0] =	vst v5;
	s0 =	smov.u32 @p2 s0;
	v9 =	vshrl.u32 v8, $0x7;
	v8 =	vmov s28  }
0x267: {  	v11 =	vld.idx.msk [tilespmem:v11+s11+$0x0], $0xffff;
	[tilespmem:s0+$0xFFFFFFC0] =	vst @p2 v13;
	v5 =	vshrl.u32 v8, $0x7;
	v8 =	vshrl.u32 v6, $0x7;
	v6 =	vshll.u32 v15, v1  }
0x268: {  	p2 =	por $0x1, $0x1;
	v9 =	vshll.u32 v9, v1;
	v15 =	vadd.s32 $0x200, v6;
	v8 =	vshll.u32 v8, v1;
	[tilespmem:s23+$0xFFFFFFF0] =	vst v14;
	v14 =	vld.idx.msk [tilespmem:v7+s11+$0x0], $0xffff  }
.Ltmp38:
0x269: {  	v7 =	vshll.u32 v5, v1;
	v5 =	vshrl.u32 v16, $0x7;
	[tilespmem:s23+$0xFFFFFF90] =	vst v12;
	v12 =	vbroadcast v15, $0x0;
	(pc) =	sbr.rel @!p2 .LBB2_67-.Ltmp38, $4  }
0x26a: {  	v15 =	vadd.s32 $0x200, v8;
	[tilespmem:s23+$0xFFFFFFA0] =	vst v10;
	v10 =	vadd.s32 $0x200, v9;
	v13 =	vadd.s32 $0x200, v7  }
0x26b: {  	v5 =	vshll.u32 v5, v1;
	v15 =	vbroadcast v15, $0x0;
	v13 =	vbroadcast v13, $0x0  }
0x26c: {  	p3 =	por $0x0, $0x0;
	[tilespmem:s23+$0xFFFFFFB0] =	vst v11;
	v17 =	vbroadcast v10, $0x0;
	v11 =	vadd.s32 $0x200, v5;
	v12 =	vor.u32 v4, v12  }
0x26d: {  	s24 =	simm.s32 $0x14270;
	s25 =	simm.s32 $0x100;
	p0 =	por $0x0, $0x0;
	v20 =	vbroadcast v11, $0x0;
	v10 =	vor.u32 v2, v15;
	v13 =	vor.u32 v0, v13;
	[tilespmem:s23+$0xFFFFFFC0] =	vst v14  }
0x26e: {  	_ = 	snop  }
0x26f: {  	v11 =	vmov s25;
	s0 =	simm.s32 $0x180;
	s23 =	simm.s32 $0x1E0;
	v16 =	vor.u32 v0, v17;
	v14 =	vor.u32 v3, v20  }
0x270: {  	s31 =	simm.s32 $0x1A0;
	s26 =	simm.s32 $0x1C0;
	v11 =	vshrl.u32 v11, $0x7;
	v15 =	vmov s0;
	v18 =	vmov s23  }
0x271: {  	v19 =	vmov s31;
	v20 =	vmov s26;
	v18 =	vshrl.u32 v18, $0x7  }
0x272: {  	v21 =	vld.idx.msk [tilespmem:v12+s11+$0x0], $0xffff;
	v15 =	vshrl.u32 v15, $0x7;
	v19 =	vshrl.u32 v19, $0x7;
	v11 =	vshll.u32 v11, v1  }
0x273: {  	v23 =	vld.idx.msk [tilespmem:v13+s11+$0x0], $0xffff;
	v18 =	vshll.u32 v18, v1;
	v12 =	vshll.u32 v15, v1;
	v15 =	vshrl.u32 v20, $0x7  }
0x274: {  	p4 =	por $0x1, $0x1;
	v13 =	vshll.u32 v19, v1;
	v18 =	vadd.s32 $0x200, v18;
	v19 =	vshll.u32 v15, v1  }
.Ltmp39:
0x275: {  	v20 =	vadd.s32 $0x200, v12;
	v13 =	vadd.s32 $0x200, v13;
	v15 =	vld.idx.msk [tilespmem:v10+s11+$0x0], $0xffff;
	v10 =	vadd.s32 $0x200, v11;
	(pc) =	sbr.rel @!p4 .LBB2_69-.Ltmp39, $4  }
0x276: {  	v18 =	vbroadcast v18, $0x0;
	v11 =	vadd.s32 $0x200, v19;
	v24 =	vbroadcast v20, $0x0  }
0x277: {  	v25 =	vbroadcast v13, $0x0;
	[tilespmem:s24+$0x0] =	vst v21;
	v22 =	vbroadcast v10, $0x0;
	v19 =	vor.u32 v3, v17  }
0x278: {  	v16 =	vld.idx.msk [tilespmem:v16+s11+$0x0], $0xffff;
	[tilespmem:s24+$0xFFFFFFD0] =	vst v23;
	v20 =	vbroadcast v11, $0x0;
	v11 =	vor.u32 v4, v17;
	v12 =	vor.u32 v4, v18  }
0x279: {  	p3 =	por $0x1, $0x1;
	s23 =	simm.s32 $0x200;
	v14 =	vld.idx.msk [tilespmem:v14+s11+$0x0], $0xffff;
	v18 =	vor.u32 v2, v17;
	v13 =	vor.u32 v0, v24;
	v10 =	vor.u32 v2, v25  }
0x27a: {  	_ =	sdelay $0x1  }
0x27b: {  	v17 =	vmov s23;
	s0 =	simm.s32 $0x280;
	s30 =	simm.s32 $0x2E0;
	v21 =	vor.u32 v0, v22;
	v20 =	vor.u32 v3, v20  }
0x27c: {  	s31 =	simm.s32 $0x2A0;
	s26 =	simm.s32 $0x2C0;
	v17 =	vshrl.u32 v17, $0x7;
	v23 =	vmov s0;
	v24 =	vmov s30  }
0x27d: {  	v25 =	vld.idx.msk [tilespmem:v12+s11+$0x0], $0xffff;
	v12 =	vmov s31;
	v26 =	vmov s26;
	v24 =	vshrl.u32 v24, $0x7  }
0x27e: {  	v27 =	vld.idx.msk [tilespmem:v18+s11+$0x0], $0xffff;
	v18 =	vshrl.u32 v23, $0x7;
	v12 =	vshrl.u32 v12, $0x7;
	v23 =	vshll.u32 v24, v1  }
0x27f: {  	[tilespmem:s24+$0xFFFFFFE0] =	vst v15;
	v61 =	vld.idx.msk [tilespmem:v19+s11+$0x0], $0xffff;
	v15 =	vshrl.u32 v26, $0x7;
	v18 =	vshll.u32 v18, v1;
	v19 =	vadd.s32 $0x200, v23  }
0x280: {  	p5 =	por $0x1, $0x1;
	v12 =	vshll.u32 v12, v1;
	[tilespmem:s24+$0xFFFFFF90] =	vst v16;
	v23 =	vld.idx.msk [tilespmem:v13+s11+$0x0], $0xffff;
	v13 =	vshll.u32 v15, v1;
	v19 =	vbroadcast v19, $0x0  }
.Ltmp40:
0x281: {  	s23 =	simm.s32 $0x14670;
	[tilespmem:s24+$0xFFFFFFF0] =	vst v14;
	v15 =	vld.idx.msk [tilespmem:v10+s11+$0x0], $0xffff;
	v10 =	vshll.u32 v17, v1;
	v17 =	vadd.s32 $0x200, v18;
	v18 =	vadd.s32 $0x200, v12;
	(pc) =	sbr.rel @!p5 .LBB2_71-.Ltmp40, $4  }
0x282: {  	v14 =	vld.idx.msk [tilespmem:v20+s11+$0x0], $0xffff;
	v10 =	vadd.s32 $0x200, v10;
	v13 =	vadd.s32 $0x200, v13;
	[tilespmem:s23+$0x0] =	vst v25;
	v12 =	vor.u32 v4, v19  }
0x283: {  	v16 =	vld.idx.msk [tilespmem:v21+s11+$0x0], $0xffff;
	v62 =	vbroadcast v17, $0x0;
	v63 =	vbroadcast v18, $0x0;
	v18 =	vor.u32 v2, v22;
	[tilespmem:s24+$0xFFFFFFA0] =	vst v27  }
0x284: {  	s28 =	simm.s32 $0x10;
	v21 =	vld.idx.msk [tilespmem:v11+s11+$0x0], $0xffff;
	[tilespmem:s24+$0xFFFFFFB0] =	vst v61;
	v17 =	vbroadcast v10, $0x0;
	v20 =	vbroadcast v13, $0x0;
	v19 =	vor.u32 v3, v22  }
0x285: {  	s29 =	simm.s32 $0x300;
	p4 =	por $0x1, $0x1;
	s26 =	simm.s32 $0x14270;
	v11 =	vor.u32 v4, v22;
	v13 =	vor.u32 v0, v62;
	v10 =	vor.u32 v2, v63;
	[tilespmem:s23+$0xFFFFFFD0] =	vst v23  }
.LBB2_72:
0x286: {  	v22 =	vmov s29;
	s0 =	sadd.s32 $0x80, s29;
	s30 =	sadd.s32 $0xE0, s29;
	s28 =	sadd.s32 $0x8, s28;
	v23 =	vor.u32 v0, v17;
	v20 =	vor.u32 v3, v20;
	[tilespmem:s23+$0xFFFFFFE0] =	vst v15;
	v24 =	vmovc v17  }
0x287: {  	s31 =	sadd.s32 $0xC0, s29;
	v17 =	vshrl.u32 v22, $0x7;
	v15 =	vmov s0;
	s0 =	sadd.s32 $0xA0, s29;
	v22 =	vmov s30;
	p5 =	slt.u32 s28, $0x78;
	v25 =	vld.idx.msk [tilespmem:v12+s11+$0x0], $0xffff;
	[tilespmem:s23+$0xFFFFFFF0] =	vst v14  }
0x288: {  	v14 =	vmov s31;
	v12 =	vmov s0;
	v22 =	vshrl.u32 v22, $0x7;
	[tilespmem:s23+$0xFFFFFF90] =	vst v16;
	v26 =	vld.idx.msk [tilespmem:v18+s11+$0x0], $0xffff  }
0x289: {  	v15 =	vshrl.u32 v15, $0x7;
	v12 =	vshrl.u32 v12, $0x7;
	v16 =	vshll.u32 v22, v1;
	v22 =	vld.idx.msk [tilespmem:v19+s11+$0x0], $0xffff;
	[tilespmem:s26+$0xFFFFFFC0] =	vst v21;
	s26 =	smov.u32 s23  }
0x28a: {  	v14 =	vshrl.u32 v14, $0x7;
	v18 =	vshll.u32 v15, v1;
	v15 =	vadd.s32 $0x200, v16;
	v27 =	vld.idx.msk [tilespmem:v13+s11+$0x0], $0xffff  }
0x28b: {  	v12 =	vshll.u32 v12, v1;
	v13 =	vshll.u32 v14, v1;
	v16 =	vbroadcast v15, $0x0;
	v15 =	vld.idx.msk [tilespmem:v10+s11+$0x0], $0xffff  }
.Ltmp41:
0x28c: {  	s23 =	sadd.s32 $0x400, s23;
	v10 =	vshll.u32 v17, v1;
	v17 =	vadd.s32 $0x200, v18;
	v18 =	vadd.s32 $0x200, v12;
	v14 =	vld.idx.msk [tilespmem:v20+s11+$0x0], $0xffff;
	(pc) =	sbr.rel @p5 .LBB2_72-.Ltmp41, $4  }
0x28d: {  	v13 =	vadd.s32 $0x200, v13;
	v10 =	vadd.s32 $0x200, v10;
	v12 =	vor.u32 v4, v16;
	v16 =	vld.idx.msk [tilespmem:v23+s11+$0x0], $0xffff;
	[tilespmem:s23+$0x0] =	vst v25  }
0x28e: {  	v23 =	vbroadcast v17, $0x0;
	v25 =	vbroadcast v18, $0x0;
	v18 =	vor.u32 v2, v24;
	[tilespmem:s26+$0xFFFFFFA0] =	vst v26;
	v21 =	vld.idx.msk [tilespmem:v11+s11+$0x0], $0xffff  }
0x28f: {  	v19 =	vor.u32 v3, v24;
	v20 =	vbroadcast v13, $0x0;
	v17 =	vbroadcast v10, $0x0;
	[tilespmem:s26+$0xFFFFFFB0] =	vst v22  }
0x290: {  	s29 =	sadd.s32 $0x100, s29;
	v11 =	vor.u32 v4, v24;
	v13 =	vor.u32 v0, v23;
	v10 =	vor.u32 v2, v25;
	[tilespmem:s23+$0xFFFFFFD0] =	vst v27  }
.LBB2_73:
0x291: {  	_ =	sdelay $0x3  }
0x292: {  	v12 =	vld.idx.msk [tilespmem:v12+s11+$0x0], $0xffff  }
0x293: {  	v18 =	vld.idx.msk @p3 [tilespmem:v18+s11+$0x0], $0xffff  }
0x294: {  	v20 =	vor.u32 v3, v20;
	[tilespmem:s23+$0xFFFFFFE0] =	vst @p3 v15;
	v15 =	vld.idx.msk @p3 [tilespmem:v19+s11+$0x0], $0xffff  }
0x295: {  	v22 =	vor.u32 v0, v17;
	[tilespmem:s23+$0xFFFFFFF0] =	vst @p3 v14;
	v13 =	vld.idx.msk [tilespmem:v13+s11+$0x0], $0xffff  }
0x296: {  	v10 =	vld.idx.msk [tilespmem:v10+s11+$0x0], $0xffff;
	s0 =	sadd.s32 @p3 $0x400, s23;
	v14 =	vor.u32 v2, v17;
	[tilespmem:s23+$0xFFFFFF90] =	vst @p3 v16  }
0x297: {  	v19 =	vor.u32 v3, v17;
	v11 =	vld.idx.msk @p3 [tilespmem:v11+s11+$0x0], $0xffff;
	s24 =	smov.u32 @p3 s0;
	[tilespmem:s26+$0xFFFFFFC0] =	vst @p4 v21  }
0x298: {  	s0 =	smov.u32 @p3 s23;
	[tilespmem:s24+$0x0] =	vst v12;
	v12 =	vor.u32 v4, v17  }
0x299: {  	v16 =	vld.idx.msk [tilespmem:v20+s11+$0x0], $0xffff;
	[tilespmem:s0+$0xFFFFFFA0] =	vst @p3 v18  }
0x29a: {  	v61 =	vld.idx.msk [tilespmem:v22+s11+$0x0], $0xffff;
	[tilespmem:s0+$0xFFFFFFB0] =	vst @p3 v15  }
0x29b: {  	[tilespmem:s24+$0xFFFFFFD0] =	vst v13;
	v13 =	vld.idx.msk [tilespmem:v14+s11+$0x0], $0xffff  }
0x29c: {  	[tilespmem:s24+$0xFFFFFFE0] =	vst v10;
	v62 =	vld.idx.msk [tilespmem:v19+s11+$0x0], $0xffff;
	v11 =	vpsel p3, v11, v0;
	s0 =	smov.u32 @p3 s0  }
0x29d: {  	[tilespmem:s0+$0xFFFFFFC0] =	vst @p3 v11;
	v14 =	vld.idx.msk [tilespmem:v12+s11+$0x0], $0xffff  }
.Ltmp42:
0x29e: {  	v6 =	vadd.s32 $0x280, v6;
	v7 =	vadd.s32 $0x280, v7;
	[tilespmem:s24+$0xFFFFFFF0] =	vst v16;
	(pc) =	sbr.rel @!p2 .LBB2_74-.Ltmp42, $4  }
0x29f: {  	v8 =	vadd.s32 $0x280, v8;
	v6 =	vbroadcast v6, $0x0;
	v63 =	vbroadcast v7, $0x0;
	[tilespmem:s24+$0xFFFFFF90] =	vst v61  }
0x2a0: {  	v9 =	vadd.s32 $0x280, v9;
	v8 =	vbroadcast v8, $0x0;
	[tilespmem:s24+$0xFFFFFFA0] =	vst v13  }
0x2a1: {  	v5 =	vadd.s32 $0x280, v5;
	v7 =	vor.u32 v4, v6;
	v6 =	vor.u32 v0, v63;
	[tilespmem:s24+$0xFFFFFFB0] =	vst v62  }
0x2a2: {  	s23 =	simm.s32 $0x142F0;
	v12 =	vbroadcast v9, $0x0;
	v16 =	vbroadcast v5, $0x0;
	v5 =	vor.u32 v2, v8;
	[tilespmem:s24+$0xFFFFFFC0] =	vst v14  }
0x2a3: {  	_ = 	snop  }
0x2a4: {  	v8 =	vmov s25;
	s0 =	simm.s32 $0x180;
	s24 =	simm.s32 $0x1E0;
	v11 =	vor.u32 v0, v12;
	v9 =	vor.u32 v3, v16  }
0x2a5: {  	s30 =	simm.s32 $0x1A0;
	s31 =	simm.s32 $0x1C0;
	v8 =	vshrl.u32 v8, $0x7;
	v10 =	vmov s0;
	v13 =	vmov s24  }
0x2a6: {  	v14 =	vmov s30;
	v15 =	vmov s31;
	v13 =	vshrl.u32 v13, $0x7  }
0x2a7: {  	v10 =	vshrl.u32 v10, $0x7;
	v14 =	vshrl.u32 v14, $0x7;
	v8 =	vshll.u32 v8, v1  }
0x2a8: {  	v16 =	vld.idx.msk [tilespmem:v7+s11+$0x0], $0xffff;
	v13 =	vshll.u32 v13, v1;
	v7 =	vshll.u32 v10, v1;
	v10 =	vshrl.u32 v15, $0x7  }
0x2a9: {  	p3 =	por $0x1, $0x1;
	v15 =	vld.idx.msk [tilespmem:v6+s11+$0x0], $0xffff;
	v6 =	vshll.u32 v14, v1;
	v13 =	vadd.s32 $0x280, v13;
	v14 =	vshll.u32 v10, v1  }
.Ltmp43:
0x2aa: {  	v17 =	vadd.s32 $0x280, v7;
	v6 =	vadd.s32 $0x280, v6;
	v10 =	vld.idx.msk [tilespmem:v5+s11+$0x0], $0xffff;
	v5 =	vadd.s32 $0x280, v8;
	(pc) =	sbr.rel @!p3 .LBB2_76-.Ltmp43, $4  }
0x2ab: {  	v13 =	vbroadcast v13, $0x0;
	v8 =	vadd.s32 $0x280, v14;
	v18 =	vbroadcast v17, $0x0  }
0x2ac: {  	v19 =	vbroadcast v6, $0x0;
	v17 =	vbroadcast v5, $0x0;
	v14 =	vor.u32 v3, v12;
	v9 =	vld.idx.msk [tilespmem:v9+s11+$0x0], $0xffff  }
0x2ad: {  	v11 =	vld.idx.msk [tilespmem:v11+s11+$0x0], $0xffff;
	[tilespmem:s23+$0x0] =	vst v16;
	v16 =	vbroadcast v8, $0x0;
	v8 =	vor.u32 v4, v12;
	v7 =	vor.u32 v4, v13  }
0x2ae: {  	p2 =	por $0x1, $0x1;
	s24 =	simm.s32 $0x200;
	v13 =	vor.u32 v2, v12;
	v6 =	vor.u32 v0, v18;
	v5 =	vor.u32 v2, v19;
	[tilespmem:s23+$0xFFFFFFD0] =	vst v15  }
0x2af: {  	_ =	sdelay $0x1  }
0x2b0: {  	v12 =	vmov s24;
	s0 =	simm.s32 $0x280;
	s30 =	simm.s32 $0x2E0;
	v15 =	vor.u32 v0, v17;
	v16 =	vor.u32 v3, v16  }
0x2b1: {  	s31 =	simm.s32 $0x2A0;
	s25 =	simm.s32 $0x2C0;
	v12 =	vshrl.u32 v12, $0x7;
	v18 =	vmov s0;
	v19 =	vmov s30  }
0x2b2: {  	v20 =	vld.idx.msk [tilespmem:v7+s11+$0x0], $0xffff;
	v7 =	vmov s31;
	v21 =	vmov s25;
	v19 =	vshrl.u32 v19, $0x7  }
0x2b3: {  	v22 =	vld.idx.msk [tilespmem:v13+s11+$0x0], $0xffff;
	v13 =	vshrl.u32 v18, $0x7;
	v7 =	vshrl.u32 v7, $0x7;
	v18 =	vshll.u32 v19, v1  }
0x2b4: {  	[tilespmem:s23+$0xFFFFFFE0] =	vst v10;
	v10 =	vshrl.u32 v21, $0x7;
	v19 =	vld.idx.msk [tilespmem:v14+s11+$0x0], $0xffff;
	v13 =	vshll.u32 v13, v1;
	v14 =	vadd.s32 $0x280, v18  }
0x2b5: {  	p3 =	por $0x1, $0x1;
	[tilespmem:s23+$0xFFFFFFF0] =	vst v9;
	v18 =	vld.idx.msk [tilespmem:v6+s11+$0x0], $0xffff;
	v6 =	vshll.u32 v7, v1;
	v7 =	vshll.u32 v10, v1;
	v14 =	vbroadcast v14, $0x0  }
.Ltmp44:
0x2b6: {  	s24 =	simm.s32 $0x146F0;
	[tilespmem:s23+$0xFFFFFF90] =	vst v11;
	v10 =	vld.idx.msk [tilespmem:v5+s11+$0x0], $0xffff;
	v5 =	vshll.u32 v12, v1;
	v12 =	vadd.s32 $0x280, v13;
	v13 =	vor.u32 v2, v17;
	(pc) =	sbr.rel @!p3 .LBB2_78-.Ltmp44, $4  }
0x2b7: {  	v6 =	vadd.s32 $0x280, v6;
	v9 =	vld.idx.msk [tilespmem:v16+s11+$0x0], $0xffff;
	v16 =	vadd.s32 $0x280, v7;
	[tilespmem:s24+$0x0] =	vst v20;
	v7 =	vor.u32 v4, v14  }
0x2b8: {  	v5 =	vadd.s32 $0x280, v5;
	v11 =	vld.idx.msk [tilespmem:v15+s11+$0x0], $0xffff;
	v62 =	vbroadcast v12, $0x0;
	[tilespmem:s23+$0xFFFFFFA0] =	vst v22;
	v63 =	vbroadcast v6, $0x0  }
0x2b9: {  	s26 =	simm.s32 $0x10;
	v15 =	vld.idx.msk [tilespmem:v8+s11+$0x0], $0xffff;
	v12 =	vbroadcast v5, $0x0;
	v16 =	vbroadcast v16, $0x0;
	v14 =	vor.u32 v3, v17;
	[tilespmem:s23+$0xFFFFFFB0] =	vst v19  }
0x2ba: {  	s28 =	simm.s32 $0x300;
	p0 =	por $0x1, $0x1;
	s25 =	simm.s32 $0x142F0;
	v8 =	vor.u32 v4, v17;
	v6 =	vor.u32 v0, v62;
	v5 =	vor.u32 v2, v63;
	[tilespmem:s24+$0xFFFFFFD0] =	vst v18  }
.LBB2_79:
0x2bb: {  	v17 =	vmov s28;
	s0 =	sadd.s32 $0x80, s28;
	s29 =	sadd.s32 $0xE0, s28;
	s26 =	sadd.s32 $0x8, s26;
	v18 =	vor.u32 v0, v12;
	v16 =	vor.u32 v3, v16;
	[tilespmem:s24+$0xFFFFFFE0] =	vst v10;
	v19 =	vmovc v12  }
0x2bc: {  	s30 =	sadd.s32 $0xC0, s28;
	v12 =	vshrl.u32 v17, $0x7;
	v10 =	vmov s0;
	s0 =	sadd.s32 $0xA0, s28;
	v17 =	vmov s29;
	p3 =	slt.u32 s26, $0x78;
	v20 =	vld.idx.msk [tilespmem:v7+s11+$0x0], $0xffff;
	[tilespmem:s24+$0xFFFFFFF0] =	vst v9  }
0x2bd: {  	v9 =	vmov s30;
	v7 =	vmov s0;
	v17 =	vshrl.u32 v17, $0x7;
	[tilespmem:s24+$0xFFFFFF90] =	vst v11;
	v21 =	vld.idx.msk [tilespmem:v13+s11+$0x0], $0xffff  }
0x2be: {  	v10 =	vshrl.u32 v10, $0x7;
	v7 =	vshrl.u32 v7, $0x7;
	v11 =	vshll.u32 v17, v1;
	v17 =	vld.idx.msk [tilespmem:v14+s11+$0x0], $0xffff;
	[tilespmem:s25+$0xFFFFFFC0] =	vst v15;
	s25 =	smov.u32 s24  }
0x2bf: {  	v9 =	vshrl.u32 v9, $0x7;
	v13 =	vshll.u32 v10, v1;
	v10 =	vadd.s32 $0x280, v11;
	v22 =	vld.idx.msk [tilespmem:v6+s11+$0x0], $0xffff  }
0x2c0: {  	v6 =	vshll.u32 v7, v1;
	v7 =	vshll.u32 v9, v1;
	v11 =	vbroadcast v10, $0x0;
	v10 =	vld.idx.msk [tilespmem:v5+s11+$0x0], $0xffff  }
.Ltmp45:
0x2c1: {  	s24 =	sadd.s32 $0x400, s24;
	v5 =	vshll.u32 v12, v1;
	v12 =	vadd.s32 $0x280, v13;
	v6 =	vadd.s32 $0x280, v6;
	v9 =	vld.idx.msk [tilespmem:v16+s11+$0x0], $0xffff;
	(pc) =	sbr.rel @p3 .LBB2_79-.Ltmp45, $4  }
0x2c2: {  	v14 =	vadd.s32 $0x280, v7;
	v5 =	vadd.s32 $0x280, v5;
	v7 =	vor.u32 v4, v11;
	v11 =	vld.idx.msk [tilespmem:v18+s11+$0x0], $0xffff;
	[tilespmem:s24+$0x0] =	vst v20  }
0x2c3: {  	v13 =	vor.u32 v2, v19;
	v18 =	vbroadcast v12, $0x0;
	v20 =	vbroadcast v6, $0x0;
	[tilespmem:s25+$0xFFFFFFA0] =	vst v21;
	v15 =	vld.idx.msk [tilespmem:v8+s11+$0x0], $0xffff  }
0x2c4: {  	v16 =	vbroadcast v14, $0x0;
	v14 =	vor.u32 v3, v19;
	v12 =	vbroadcast v5, $0x0;
	[tilespmem:s25+$0xFFFFFFB0] =	vst v17  }
0x2c5: {  	s28 =	sadd.s32 $0x100, s28;
	v8 =	vor.u32 v4, v19;
	v6 =	vor.u32 v0, v18;
	v5 =	vor.u32 v2, v20;
	[tilespmem:s24+$0xFFFFFFD0] =	vst v22  }
.LBB2_80:
0x2c6: {  	_ =	sdelay $0x3  }
0x2c7: {  	v7 =	vld.idx.msk [tilespmem:v7+s11+$0x0], $0xffff  }
0x2c8: {  	v13 =	vld.idx.msk @p2 [tilespmem:v13+s11+$0x0], $0xffff  }
0x2c9: {  	v16 =	vor.u32 v3, v16;
	[tilespmem:s24+$0xFFFFFFE0] =	vst @p2 v10;
	v8 =	vld.idx.msk @p2 [tilespmem:v8+s11+$0x0], $0xffff  }
0x2ca: {  	v17 =	vor.u32 v0, v12;
	[tilespmem:s24+$0xFFFFFFF0] =	vst @p2 v9;
	v9 =	vld.idx.msk @p2 [tilespmem:v14+s11+$0x0], $0xffff  }
0x2cb: {  	v6 =	vld.idx.msk [tilespmem:v6+s11+$0x0], $0xffff;
	s0 =	sadd.s32 @p2 $0x400, s24;
	v10 =	vor.u32 v2, v12;
	[tilespmem:s24+$0xFFFFFF90] =	vst @p2 v11  }
0x2cc: {  	v5 =	vld.idx.msk [tilespmem:v5+s11+$0x0], $0xffff;
	s23 =	smov.u32 @p2 s0;
	[tilespmem:s25+$0xFFFFFFC0] =	vst @p0 v15  }
0x2cd: {  	s29 =	simm.s32 $0xE0;
	v11 =	vor.u32 v3, v12;
	s0 =	smov.u32 @p2 s24;
	[tilespmem:s23+$0x0] =	vst v7  }
0x2ce: {  	v15 =	vmov s29;
	v14 =	vld.idx.msk [tilespmem:v16+s11+$0x0], $0xffff;
	v7 =	vor.u32 v4, v12;
	[tilespmem:s0+$0xFFFFFFA0] =	vst @p2 v13  }
0x2cf: {  	s26 =	simm.s32 $0x0;
	s30 =	simm.s32 $0xA0;
	v15 =	vshrl.u32 v15, $0x7;
	v12 =	vld.idx.msk [tilespmem:v17+s11+$0x0], $0xffff;
	[tilespmem:s0+$0xFFFFFFB0] =	vst @p2 v9  }
0x2d0: {  	s28 =	simm.s32 $0x80;
	s31 =	simm.s32 $0xC0;
	v13 =	vpsel p2, v8, v0;
	v8 =	vmov s26;
	[tilespmem:s23+$0xFFFFFFD0] =	vst v6;
	v10 =	vld.idx.msk [tilespmem:v10+s11+$0x0], $0xffff;
	v6 =	vmov s30  }
0x2d1: {  	v16 =	vmov s31;
	[tilespmem:s23+$0xFFFFFFE0] =	vst v5;
	s0 =	smov.u32 @p2 s0;
	v9 =	vshrl.u32 v8, $0x7;
	v8 =	vmov s28  }
0x2d2: {  	v11 =	vld.idx.msk [tilespmem:v11+s11+$0x0], $0xffff;
	[tilespmem:s0+$0xFFFFFFC0] =	vst @p2 v13;
	v5 =	vshrl.u32 v8, $0x7;
	v8 =	vshrl.u32 v6, $0x7;
	v6 =	vshll.u32 v15, v1  }
0x2d3: {  	p2 =	por $0x1, $0x1;
	v9 =	vshll.u32 v9, v1;
	v15 =	vadd.s32 $0x300, v6;
	v8 =	vshll.u32 v8, v1;
	[tilespmem:s23+$0xFFFFFFF0] =	vst v14;
	v14 =	vld.idx.msk [tilespmem:v7+s11+$0x0], $0xffff  }
.Ltmp46:
0x2d4: {  	v7 =	vshll.u32 v5, v1;
	v5 =	vshrl.u32 v16, $0x7;
	[tilespmem:s23+$0xFFFFFF90] =	vst v12;
	v12 =	vbroadcast v15, $0x0;
	(pc) =	sbr.rel @!p2 .LBB2_81-.Ltmp46, $4  }
0x2d5: {  	v15 =	vadd.s32 $0x300, v8;
	[tilespmem:s23+$0xFFFFFFA0] =	vst v10;
	v10 =	vadd.s32 $0x300, v9;
	v13 =	vadd.s32 $0x300, v7  }
0x2d6: {  	v5 =	vshll.u32 v5, v1;
	v15 =	vbroadcast v15, $0x0;
	v13 =	vbroadcast v13, $0x0  }
0x2d7: {  	p3 =	por $0x0, $0x0;
	[tilespmem:s23+$0xFFFFFFB0] =	vst v11;
	v17 =	vbroadcast v10, $0x0;
	v11 =	vadd.s32 $0x300, v5;
	v12 =	vor.u32 v4, v12  }
0x2d8: {  	s24 =	simm.s32 $0x14370;
	p0 =	por $0x0, $0x0;
	v20 =	vbroadcast v11, $0x0;
	v10 =	vor.u32 v2, v15;
	v13 =	vor.u32 v0, v13;
	[tilespmem:s23+$0xFFFFFFC0] =	vst v14;
	s23 =	simm.s32 $0x100  }
0x2d9: {  	_ = 	snop  }
0x2da: {  	v11 =	vmov s23;
	s0 =	simm.s32 $0x180;
	s25 =	simm.s32 $0x1E0;
	v16 =	vor.u32 v0, v17;
	v14 =	vor.u32 v3, v20  }
0x2db: {  	s31 =	simm.s32 $0x1A0;
	s26 =	simm.s32 $0x1C0;
	v11 =	vshrl.u32 v11, $0x7;
	v15 =	vmov s0;
	v18 =	vmov s25  }
0x2dc: {  	v19 =	vmov s31;
	v20 =	vmov s26;
	v18 =	vshrl.u32 v18, $0x7  }
0x2dd: {  	v21 =	vld.idx.msk [tilespmem:v12+s11+$0x0], $0xffff;
	v15 =	vshrl.u32 v15, $0x7;
	v19 =	vshrl.u32 v19, $0x7;
	v11 =	vshll.u32 v11, v1  }
0x2de: {  	v23 =	vld.idx.msk [tilespmem:v13+s11+$0x0], $0xffff;
	v18 =	vshll.u32 v18, v1;
	v12 =	vshll.u32 v15, v1;
	v15 =	vshrl.u32 v20, $0x7  }
0x2df: {  	p4 =	por $0x1, $0x1;
	v13 =	vshll.u32 v19, v1;
	v18 =	vadd.s32 $0x300, v18;
	v19 =	vshll.u32 v15, v1  }
.Ltmp47:
0x2e0: {  	v20 =	vadd.s32 $0x300, v12;
	v13 =	vadd.s32 $0x300, v13;
	v15 =	vld.idx.msk [tilespmem:v10+s11+$0x0], $0xffff;
	v10 =	vadd.s32 $0x300, v11;
	(pc) =	sbr.rel @!p4 .LBB2_83-.Ltmp47, $4  }
0x2e1: {  	v18 =	vbroadcast v18, $0x0;
	v11 =	vadd.s32 $0x300, v19;
	v24 =	vbroadcast v20, $0x0  }
0x2e2: {  	v25 =	vbroadcast v13, $0x0;
	[tilespmem:s24+$0x0] =	vst v21;
	v22 =	vbroadcast v10, $0x0;
	v19 =	vor.u32 v3, v17  }
0x2e3: {  	v16 =	vld.idx.msk [tilespmem:v16+s11+$0x0], $0xffff;
	[tilespmem:s24+$0xFFFFFFD0] =	vst v23;
	v20 =	vbroadcast v11, $0x0;
	v11 =	vor.u32 v4, v17;
	v12 =	vor.u32 v4, v18  }
0x2e4: {  	p3 =	por $0x1, $0x1;
	s25 =	simm.s32 $0x200;
	v14 =	vld.idx.msk [tilespmem:v14+s11+$0x0], $0xffff;
	v18 =	vor.u32 v2, v17;
	v13 =	vor.u32 v0, v24;
	v10 =	vor.u32 v2, v25  }
0x2e5: {  	_ =	sdelay $0x1  }
0x2e6: {  	v17 =	vmov s25;
	s0 =	simm.s32 $0x280;
	s30 =	simm.s32 $0x2E0;
	v21 =	vor.u32 v0, v22;
	v20 =	vor.u32 v3, v20  }
0x2e7: {  	s31 =	simm.s32 $0x2A0;
	s26 =	simm.s32 $0x2C0;
	v17 =	vshrl.u32 v17, $0x7;
	v23 =	vmov s0;
	v24 =	vmov s30  }
0x2e8: {  	v25 =	vld.idx.msk [tilespmem:v12+s11+$0x0], $0xffff;
	v12 =	vmov s31;
	v26 =	vmov s26;
	v24 =	vshrl.u32 v24, $0x7  }
0x2e9: {  	v27 =	vld.idx.msk [tilespmem:v18+s11+$0x0], $0xffff;
	v18 =	vshrl.u32 v23, $0x7;
	v12 =	vshrl.u32 v12, $0x7;
	v23 =	vshll.u32 v24, v1  }
0x2ea: {  	[tilespmem:s24+$0xFFFFFFE0] =	vst v15;
	v61 =	vld.idx.msk [tilespmem:v19+s11+$0x0], $0xffff;
	v15 =	vshrl.u32 v26, $0x7;
	v18 =	vshll.u32 v18, v1;
	v19 =	vadd.s32 $0x300, v23  }
0x2eb: {  	p5 =	por $0x1, $0x1;
	v12 =	vshll.u32 v12, v1;
	[tilespmem:s24+$0xFFFFFF90] =	vst v16;
	v23 =	vld.idx.msk [tilespmem:v13+s11+$0x0], $0xffff;
	v13 =	vshll.u32 v15, v1;
	v19 =	vbroadcast v19, $0x0  }
.Ltmp48:
0x2ec: {  	s25 =	simm.s32 $0x14770;
	[tilespmem:s24+$0xFFFFFFF0] =	vst v14;
	v15 =	vld.idx.msk [tilespmem:v10+s11+$0x0], $0xffff;
	v10 =	vshll.u32 v17, v1;
	v17 =	vadd.s32 $0x300, v18;
	v18 =	vadd.s32 $0x300, v12;
	(pc) =	sbr.rel @!p5 .LBB2_85-.Ltmp48, $4  }
0x2ed: {  	v14 =	vld.idx.msk [tilespmem:v20+s11+$0x0], $0xffff;
	v10 =	vadd.s32 $0x300, v10;
	v13 =	vadd.s32 $0x300, v13;
	[tilespmem:s25+$0x0] =	vst v25;
	v12 =	vor.u32 v4, v19  }
0x2ee: {  	v16 =	vld.idx.msk [tilespmem:v21+s11+$0x0], $0xffff;
	v62 =	vbroadcast v17, $0x0;
	v63 =	vbroadcast v18, $0x0;
	v18 =	vor.u32 v2, v22;
	[tilespmem:s24+$0xFFFFFFA0] =	vst v27  }
0x2ef: {  	s28 =	simm.s32 $0x10;
	v21 =	vld.idx.msk [tilespmem:v11+s11+$0x0], $0xffff;
	[tilespmem:s24+$0xFFFFFFB0] =	vst v61;
	v17 =	vbroadcast v10, $0x0;
	v20 =	vbroadcast v13, $0x0;
	v19 =	vor.u32 v3, v22  }
0x2f0: {  	s29 =	simm.s32 $0x300;
	p4 =	por $0x1, $0x1;
	s26 =	simm.s32 $0x14370;
	v11 =	vor.u32 v4, v22;
	v13 =	vor.u32 v0, v62;
	v10 =	vor.u32 v2, v63;
	[tilespmem:s25+$0xFFFFFFD0] =	vst v23  }
.LBB2_86:
0x2f1: {  	v22 =	vmov s29;
	s0 =	sadd.s32 $0x80, s29;
	s30 =	sadd.s32 $0xE0, s29;
	s28 =	sadd.s32 $0x8, s28;
	v23 =	vor.u32 v0, v17;
	v20 =	vor.u32 v3, v20;
	[tilespmem:s25+$0xFFFFFFE0] =	vst v15;
	v24 =	vmovc v17  }
0x2f2: {  	s31 =	sadd.s32 $0xC0, s29;
	v17 =	vshrl.u32 v22, $0x7;
	v15 =	vmov s0;
	s0 =	sadd.s32 $0xA0, s29;
	v22 =	vmov s30;
	p5 =	slt.u32 s28, $0x78;
	v25 =	vld.idx.msk [tilespmem:v12+s11+$0x0], $0xffff;
	[tilespmem:s25+$0xFFFFFFF0] =	vst v14  }
0x2f3: {  	v14 =	vmov s31;
	v12 =	vmov s0;
	v22 =	vshrl.u32 v22, $0x7;
	[tilespmem:s25+$0xFFFFFF90] =	vst v16;
	v26 =	vld.idx.msk [tilespmem:v18+s11+$0x0], $0xffff  }
0x2f4: {  	v15 =	vshrl.u32 v15, $0x7;
	v12 =	vshrl.u32 v12, $0x7;
	v16 =	vshll.u32 v22, v1;
	v22 =	vld.idx.msk [tilespmem:v19+s11+$0x0], $0xffff;
	[tilespmem:s26+$0xFFFFFFC0] =	vst v21;
	s26 =	smov.u32 s25  }
0x2f5: {  	v14 =	vshrl.u32 v14, $0x7;
	v18 =	vshll.u32 v15, v1;
	v15 =	vadd.s32 $0x300, v16;
	v27 =	vld.idx.msk [tilespmem:v13+s11+$0x0], $0xffff  }
0x2f6: {  	v12 =	vshll.u32 v12, v1;
	v13 =	vshll.u32 v14, v1;
	v16 =	vbroadcast v15, $0x0;
	v15 =	vld.idx.msk [tilespmem:v10+s11+$0x0], $0xffff  }
.Ltmp49:
0x2f7: {  	s25 =	sadd.s32 $0x400, s25;
	v10 =	vshll.u32 v17, v1;
	v17 =	vadd.s32 $0x300, v18;
	v18 =	vadd.s32 $0x300, v12;
	v14 =	vld.idx.msk [tilespmem:v20+s11+$0x0], $0xffff;
	(pc) =	sbr.rel @p5 .LBB2_86-.Ltmp49, $4  }
0x2f8: {  	v13 =	vadd.s32 $0x300, v13;
	v10 =	vadd.s32 $0x300, v10;
	v12 =	vor.u32 v4, v16;
	v16 =	vld.idx.msk [tilespmem:v23+s11+$0x0], $0xffff;
	[tilespmem:s25+$0x0] =	vst v25  }
0x2f9: {  	v23 =	vbroadcast v17, $0x0;
	v25 =	vbroadcast v18, $0x0;
	v18 =	vor.u32 v2, v24;
	[tilespmem:s26+$0xFFFFFFA0] =	vst v26;
	v21 =	vld.idx.msk [tilespmem:v11+s11+$0x0], $0xffff  }
0x2fa: {  	v19 =	vor.u32 v3, v24;
	v20 =	vbroadcast v13, $0x0;
	v17 =	vbroadcast v10, $0x0;
	[tilespmem:s26+$0xFFFFFFB0] =	vst v22  }
0x2fb: {  	s29 =	sadd.s32 $0x100, s29;
	v11 =	vor.u32 v4, v24;
	v13 =	vor.u32 v0, v23;
	v10 =	vor.u32 v2, v25;
	[tilespmem:s25+$0xFFFFFFD0] =	vst v27  }
.LBB2_87:
0x2fc: {  	_ =	sdelay $0x3  }
0x2fd: {  	v12 =	vld.idx.msk [tilespmem:v12+s11+$0x0], $0xffff  }
0x2fe: {  	v18 =	vld.idx.msk @p3 [tilespmem:v18+s11+$0x0], $0xffff  }
0x2ff: {  	v20 =	vor.u32 v3, v20;
	[tilespmem:s25+$0xFFFFFFE0] =	vst @p3 v15;
	v15 =	vld.idx.msk @p3 [tilespmem:v19+s11+$0x0], $0xffff  }
0x300: {  	v22 =	vor.u32 v0, v17;
	[tilespmem:s25+$0xFFFFFFF0] =	vst @p3 v14;
	v13 =	vld.idx.msk [tilespmem:v13+s11+$0x0], $0xffff  }
0x301: {  	v10 =	vld.idx.msk [tilespmem:v10+s11+$0x0], $0xffff;
	s0 =	sadd.s32 @p3 $0x400, s25;
	v14 =	vor.u32 v2, v17;
	[tilespmem:s25+$0xFFFFFF90] =	vst @p3 v16  }
0x302: {  	v19 =	vor.u32 v3, v17;
	v11 =	vld.idx.msk @p3 [tilespmem:v11+s11+$0x0], $0xffff;
	s24 =	smov.u32 @p3 s0;
	[tilespmem:s26+$0xFFFFFFC0] =	vst @p4 v21  }
0x303: {  	s0 =	smov.u32 @p3 s25;
	[tilespmem:s24+$0x0] =	vst v12;
	v12 =	vor.u32 v4, v17  }
0x304: {  	v16 =	vld.idx.msk [tilespmem:v20+s11+$0x0], $0xffff;
	[tilespmem:s0+$0xFFFFFFA0] =	vst @p3 v18  }
0x305: {  	v63 =	vld.idx.msk [tilespmem:v22+s11+$0x0], $0xffff;
	[tilespmem:s0+$0xFFFFFFB0] =	vst @p3 v15  }
0x306: {  	[tilespmem:s24+$0xFFFFFFD0] =	vst v13;
	v13 =	vld.idx.msk [tilespmem:v14+s11+$0x0], $0xffff  }
0x307: {  	[tilespmem:s24+$0xFFFFFFE0] =	vst v10;
	v10 =	vld.idx.msk [tilespmem:v19+s11+$0x0], $0xffff;
	v11 =	vpsel p3, v11, v0;
	s0 =	smov.u32 @p3 s0  }
0x308: {  	[tilespmem:s0+$0xFFFFFFC0] =	vst @p3 v11;
	v14 =	vld.idx.msk [tilespmem:v12+s11+$0x0], $0xffff  }
.Ltmp50:
0x309: {  	v6 =	vadd.s32 $0x380, v6;
	[tilespmem:s24+$0xFFFFFFF0] =	vst v16;
	(pc) =	sbr.rel @!p2 .LBB2_88-.Ltmp50, $4  }
0x30a: {  	v7 =	vadd.s32 $0x380, v7;
	v8 =	vadd.s32 $0x380, v8;
	v6 =	vbroadcast v6, $0x0;
	[tilespmem:s24+$0xFFFFFF90] =	vst v63  }
0x30b: {  	v9 =	vadd.s32 $0x380, v9;
	v11 =	vbroadcast v7, $0x0;
	[tilespmem:s24+$0xFFFFFFA0] =	vst v13;
	v13 =	vbroadcast v8, $0x0  }
0x30c: {  	v5 =	vadd.s32 $0x380, v5;
	v7 =	vor.u32 v4, v6;
	[tilespmem:s24+$0xFFFFFFB0] =	vst v10;
	v12 =	vbroadcast v9, $0x0  }
0x30d: {  	s25 =	simm.s32 $0x143F0;
	v16 =	vbroadcast v5, $0x0;
	v8 =	vor.u32 v0, v11;
	v6 =	vor.u32 v2, v13;
	[tilespmem:s24+$0xFFFFFFC0] =	vst v14  }
0x30e: {  	_ = 	snop  }
0x30f: {  	v5 =	vmov s23;
	s0 =	simm.s32 $0x180;
	s30 =	simm.s32 $0x1E0;
	v11 =	vor.u32 v0, v12;
	v9 =	vor.u32 v3, v16  }
0x310: {  	s31 =	simm.s32 $0x1A0;
	s24 =	simm.s32 $0x1C0;
	v5 =	vshrl.u32 v5, $0x7;
	v10 =	vmov s0;
	v13 =	vmov s30  }
0x311: {  	v14 =	vmov s31;
	v15 =	vmov s24;
	v13 =	vshrl.u32 v13, $0x7  }
0x312: {  	v10 =	vshrl.u32 v10, $0x7;
	v14 =	vshrl.u32 v14, $0x7;
	v5 =	vshll.u32 v5, v1  }
0x313: {  	v16 =	vld.idx.msk [tilespmem:v7+s11+$0x0], $0xffff;
	v13 =	vshll.u32 v13, v1;
	v7 =	vshll.u32 v10, v1;
	v10 =	vshrl.u32 v15, $0x7  }
0x314: {  	p3 =	por $0x1, $0x1;
	v15 =	vld.idx.msk [tilespmem:v8+s11+$0x0], $0xffff;
	v8 =	vshll.u32 v14, v1;
	v5 =	vadd.s32 $0x380, v5;
	v13 =	vadd.s32 $0x380, v13  }
.Ltmp51:
0x315: {  	v14 =	vshll.u32 v10, v1;
	v17 =	vadd.s32 $0x380, v7;
	v8 =	vadd.s32 $0x380, v8;
	(pc) =	sbr.rel @!p3 .LBB2_90-.Ltmp51, $4  }
0x316: {  	v10 =	vld.idx.msk [tilespmem:v6+s11+$0x0], $0xffff;
	v13 =	vbroadcast v13, $0x0;
	v6 =	vadd.s32 $0x380, v14;
	v18 =	vbroadcast v17, $0x0  }
0x317: {  	v19 =	vbroadcast v8, $0x0;
	v11 =	vld.idx.msk [tilespmem:v11+s11+$0x0], $0xffff;
	v17 =	vbroadcast v5, $0x0;
	v14 =	vor.u32 v3, v12  }
0x318: {  	v5 =	vor.u32 v4, v12;
	v9 =	vld.idx.msk [tilespmem:v9+s11+$0x0], $0xffff;
	[tilespmem:s25+$0x0] =	vst v16;
	v16 =	vbroadcast v6, $0x0;
	v7 =	vor.u32 v4, v13  }
0x319: {  	s23 =	simm.s32 $0x200;
	p2 =	por $0x1, $0x1;
	v13 =	vor.u32 v2, v12;
	v8 =	vor.u32 v0, v18;
	v6 =	vor.u32 v2, v19;
	[tilespmem:s25+$0xFFFFFFD0] =	vst v15  }
0x31a: {  	_ =	sdelay $0x1  }
0x31b: {  	v12 =	vmov s23;
	s0 =	simm.s32 $0x280;
	s30 =	simm.s32 $0x2E0;
	v15 =	vor.u32 v0, v17;
	v16 =	vor.u32 v3, v16  }
0x31c: {  	s31 =	simm.s32 $0x2A0;
	s24 =	simm.s32 $0x2C0;
	v12 =	vshrl.u32 v12, $0x7;
	v18 =	vmov s0;
	v19 =	vmov s30  }
0x31d: {  	v20 =	vld.idx.msk [tilespmem:v7+s11+$0x0], $0xffff;
	v7 =	vmov s31;
	v21 =	vmov s24;
	v19 =	vshrl.u32 v19, $0x7  }
0x31e: {  	v22 =	vld.idx.msk [tilespmem:v13+s11+$0x0], $0xffff;
	v13 =	vshrl.u32 v18, $0x7;
	v7 =	vshrl.u32 v7, $0x7;
	v18 =	vshll.u32 v19, v1  }
0x31f: {  	[tilespmem:s25+$0xFFFFFFE0] =	vst v10;
	v10 =	vshrl.u32 v21, $0x7;
	v19 =	vld.idx.msk [tilespmem:v14+s11+$0x0], $0xffff;
	v13 =	vshll.u32 v13, v1;
	v14 =	vadd.s32 $0x380, v18  }
0x320: {  	p3 =	por $0x1, $0x1;
	[tilespmem:s25+$0xFFFFFF90] =	vst v11;
	v7 =	vshll.u32 v7, v1;
	v18 =	vld.idx.msk [tilespmem:v8+s11+$0x0], $0xffff;
	v8 =	vshll.u32 v10, v1;
	v14 =	vbroadcast v14, $0x0  }
.Ltmp52:
0x321: {  	s23 =	simm.s32 $0x147F0;
	[tilespmem:s25+$0xFFFFFFF0] =	vst v9;
	v10 =	vld.idx.msk [tilespmem:v6+s11+$0x0], $0xffff;
	v6 =	vshll.u32 v12, v1;
	v12 =	vadd.s32 $0x380, v13;
	v13 =	vadd.s32 $0x380, v7;
	(pc) =	sbr.rel @!p3 .LBB2_92-.Ltmp52, $4  }
0x322: {  	v9 =	vld.idx.msk [tilespmem:v16+s11+$0x0], $0xffff;
	v6 =	vadd.s32 $0x380, v6;
	v8 =	vadd.s32 $0x380, v8;
	[tilespmem:s23+$0x0] =	vst v20;
	v7 =	vor.u32 v4, v14  }
0x323: {  	v11 =	vld.idx.msk [tilespmem:v15+s11+$0x0], $0xffff;
	v62 =	vbroadcast v12, $0x0;
	v63 =	vbroadcast v13, $0x0;
	v13 =	vor.u32 v2, v17;
	[tilespmem:s25+$0xFFFFFFA0] =	vst v22  }
0x324: {  	s26 =	simm.s32 $0x10;
	v15 =	vld.idx.msk [tilespmem:v5+s11+$0x0], $0xffff;
	v12 =	vbroadcast v6, $0x0;
	v16 =	vbroadcast v8, $0x0;
	v14 =	vor.u32 v3, v17;
	[tilespmem:s25+$0xFFFFFFB0] =	vst v19  }
0x325: {  	s28 =	simm.s32 $0x300;
	p0 =	por $0x1, $0x1;
	s24 =	simm.s32 $0x143F0;
	v5 =	vor.u32 v4, v17;
	v8 =	vor.u32 v0, v62;
	v6 =	vor.u32 v2, v63;
	[tilespmem:s23+$0xFFFFFFD0] =	vst v18  }
.LBB2_93:
0x326: {  	v17 =	vmov s28;
	s0 =	sadd.s32 $0x80, s28;
	s29 =	sadd.s32 $0xE0, s28;
	s26 =	sadd.s32 $0x8, s26;
	v18 =	vor.u32 v0, v12;
	v16 =	vor.u32 v3, v16;
	[tilespmem:s23+$0xFFFFFFE0] =	vst v10;
	v19 =	vmovc v12  }
0x327: {  	s30 =	sadd.s32 $0xC0, s28;
	v12 =	vshrl.u32 v17, $0x7;
	v10 =	vmov s0;
	s0 =	sadd.s32 $0xA0, s28;
	v17 =	vmov s29;
	p3 =	slt.u32 s26, $0x78;
	v20 =	vld.idx.msk [tilespmem:v7+s11+$0x0], $0xffff;
	[tilespmem:s23+$0xFFFFFFF0] =	vst v9  }
0x328: {  	v9 =	vmov s30;
	v7 =	vmov s0;
	v17 =	vshrl.u32 v17, $0x7;
	[tilespmem:s23+$0xFFFFFF90] =	vst v11;
	v21 =	vld.idx.msk [tilespmem:v13+s11+$0x0], $0xffff  }
0x329: {  	v10 =	vshrl.u32 v10, $0x7;
	v7 =	vshrl.u32 v7, $0x7;
	v11 =	vshll.u32 v17, v1;
	v17 =	vld.idx.msk [tilespmem:v14+s11+$0x0], $0xffff;
	[tilespmem:s24+$0xFFFFFFC0] =	vst v15;
	s24 =	smov.u32 s23  }
0x32a: {  	v9 =	vshrl.u32 v9, $0x7;
	v13 =	vshll.u32 v10, v1;
	v10 =	vadd.s32 $0x380, v11;
	v22 =	vld.idx.msk [tilespmem:v8+s11+$0x0], $0xffff  }
0x32b: {  	v7 =	vshll.u32 v7, v1;
	v8 =	vshll.u32 v9, v1;
	v11 =	vbroadcast v10, $0x0;
	v10 =	vld.idx.msk [tilespmem:v6+s11+$0x0], $0xffff  }
.Ltmp53:
0x32c: {  	s23 =	sadd.s32 $0x400, s23;
	v6 =	vshll.u32 v12, v1;
	v12 =	vadd.s32 $0x380, v13;
	v13 =	vadd.s32 $0x380, v7;
	v9 =	vld.idx.msk [tilespmem:v16+s11+$0x0], $0xffff;
	(pc) =	sbr.rel @p3 .LBB2_93-.Ltmp53, $4  }
0x32d: {  	v8 =	vadd.s32 $0x380, v8;
	v6 =	vadd.s32 $0x380, v6;
	v7 =	vor.u32 v4, v11;
	v11 =	vld.idx.msk [tilespmem:v18+s11+$0x0], $0xffff;
	[tilespmem:s23+$0x0] =	vst v20  }
0x32e: {  	v18 =	vbroadcast v12, $0x0;
	v20 =	vbroadcast v13, $0x0;
	v13 =	vor.u32 v2, v19;
	[tilespmem:s24+$0xFFFFFFA0] =	vst v21;
	v15 =	vld.idx.msk [tilespmem:v5+s11+$0x0], $0xffff  }
0x32f: {  	v14 =	vor.u32 v3, v19;
	v16 =	vbroadcast v8, $0x0;
	v12 =	vbroadcast v6, $0x0;
	[tilespmem:s24+$0xFFFFFFB0] =	vst v17  }
0x330: {  	s28 =	sadd.s32 $0x100, s28;
	v5 =	vor.u32 v4, v19;
	v8 =	vor.u32 v0, v18;
	v6 =	vor.u32 v2, v20;
	[tilespmem:s23+$0xFFFFFFD0] =	vst v22  }
.LBB2_94:
0x331: {  	_ =	sdelay $0x3  }
0x332: {  	v7 =	vld.idx.msk [tilespmem:v7+s11+$0x0], $0xffff  }
0x333: {  	v13 =	vld.idx.msk @p2 [tilespmem:v13+s11+$0x0], $0xffff  }
0x334: {  	v16 =	vor.u32 v3, v16;
	[tilespmem:s23+$0xFFFFFFE0] =	vst @p2 v10;
	v10 =	vld.idx.msk @p2 [tilespmem:v14+s11+$0x0], $0xffff  }
0x335: {  	v17 =	vor.u32 v0, v12;
	[tilespmem:s23+$0xFFFFFFF0] =	vst @p2 v9;
	v8 =	vld.idx.msk [tilespmem:v8+s11+$0x0], $0xffff  }
0x336: {  	v6 =	vld.idx.msk [tilespmem:v6+s11+$0x0], $0xffff;
	s0 =	sadd.s32 @p2 $0x400, s23;
	v59 =	vor.u32 v2, v12;
	[tilespmem:s23+$0xFFFFFF90] =	vst @p2 v11  }
0x337: {  	v61 =	vor.u32 v3, v12;
	v5 =	vld.idx.msk @p2 [tilespmem:v5+s11+$0x0], $0xffff;
	s25 =	smov.u32 @p2 s0;
	[tilespmem:s24+$0xFFFFFFC0] =	vst @p0 v15  }
0x338: {  	s0 =	smov.u32 @p2 s23;
	[tilespmem:s25+$0x0] =	vst v7;
	v7 =	vor.u32 v4, v12  }
0x339: {  	v60 =	vld.idx.msk [tilespmem:v16+s11+$0x0], $0xffff;
	[tilespmem:s0+$0xFFFFFFA0] =	vst @p2 v13  }
0x33a: {  	v62 =	vld.idx.msk [tilespmem:v17+s11+$0x0], $0xffff;
	[tilespmem:s0+$0xFFFFFFB0] =	vst @p2 v10  }
0x33b: {  	[tilespmem:s25+$0xFFFFFFD0] =	vst v8;
	v63 =	vld.idx.msk [tilespmem:v59+s11+$0x0], $0xffff  }
0x33c: {  	[tilespmem:s25+$0xFFFFFFE0] =	vst v6;
	v6 =	vld.idx.msk [tilespmem:v61+s11+$0x0], $0xffff;
	v5 =	vpsel p2, v5, v0;
	s0 =	smov.u32 @p2 s0  }
0x33d: {  	s20 =	sadd.s32 @!p1 $0x3, s20;
	[tilespmem:s0+$0xFFFFFFC0] =	vst @p2 v5;
	v7 =	vld.idx.msk [tilespmem:v7+s11+$0x0], $0xffff  }
0x33e: {  	s23 =	sshrl.u32 @!p1 s20, $0x3;
	[tilespmem:s25+$0xFFFFFFF0] =	vst v60  }
0x33f: {  	s20 =	sshll.u32 @!p1 s20, $0xC;
	s0 =	sadd.s32 @!p1 s5, s23;
	[tilespmem:s25+$0xFFFFFF90] =	vst v62  }
0x340: {  	s19 =	sadd.s32 $0x1, s19;
	s20 =	sand.u32 @!p1 $0x7000, s20;
	s0 =	sshll.u32 @!p1 s0, $0xF;
	[tilespmem:s25+$0xFFFFFFA0] =	vst v63  }
0x341: {  	p0 =	sne.s32 s19, $0x10;
	s20 =	sadd.s32 @!p1 s2, s20;
	s0 =	sand.u32 @!p1 $0xFFF8000, s0;
	[tilespmem:s25+$0xFFFFFFB0] =	vst v6  }
0x342: {  	s23 =	simm.s32 @!p1 $0x8000;
	s0 =	sadd.s32 @!p1 s0, s20;
	s20 =	simm.s32 @!p1 $0x0;
	[tilespmem:s25+$0xFFFFFFC0] =	vst v7  }
0x343: {  	[tilespmem:s23], [sflag:$0x2] =	stream.linear.gather @!p1 [hbm4b:s0+s20], $0x8000, $0x38;
	[tilespmem:$0x18000] =	vst v63  }
.Ltmp54:
0x344: {  	_ = 	snop;
	(pc) =	sbr.rel @p0 .LBB2_2-.Ltmp54, $4  }
.Ltmp55:
0x345: {  	s31 =	sadd.s32 s21, s3;
	(pc) =	sbr.rel @!p0 .LBB2_95-.Ltmp55, $4  }
0x346: {  	s0 =	sadd.s32 s22, s31  }
0x347: {  	s0 =	sadd.s32 $0x800, s0  }
0x348: {  	[hbm4b:s0+s4] =	stream.linear.scatter [tilespmem:s15], [sflag:$0x4], $0x4000, $0x38;
	[tilespmem:$0x18000] =	vst v63  }
0x349: {  	_ = 	snop  }
.LBB2_7:
.Ltmp56:
0x34a: {  	(pc) =	sbr.rel .LBB2_13-.Ltmp56, $2  }
0x34b: {  	_ =	sdelay $0x2  }
0x34c: {  	s23 =	simm.s32 $0x10170;
	p4 =	por $0x0, $0x0  }
.LBB2_14:
.Ltmp57:
0x34d: {  	(pc) =	sbr.rel .LBB2_20-.Ltmp57, $2  }
0x34e: {  	_ =	sdelay $0x2  }
0x34f: {  	s25 =	simm.s32 $0x101F0;
	p2 =	por $0x0, $0x0  }
.LBB2_21:
.Ltmp58:
0x350: {  	(pc) =	sbr.rel .LBB2_27-.Ltmp58, $2  }
0x351: {  	_ =	sdelay $0x2  }
0x352: {  	s23 =	simm.s32 $0x10270;
	p4 =	por $0x0, $0x0  }
.LBB2_28:
.Ltmp59:
0x353: {  	(pc) =	sbr.rel .LBB2_34-.Ltmp59, $2  }
0x354: {  	_ =	sdelay $0x2  }
0x355: {  	s25 =	simm.s32 $0x102F0;
	p2 =	por $0x0, $0x0  }
.LBB2_35:
.Ltmp60:
0x356: {  	(pc) =	sbr.rel .LBB2_41-.Ltmp60, $2  }
0x357: {  	_ =	sdelay $0x2  }
0x358: {  	s25 =	simm.s32 $0x10370;
	p4 =	por $0x0, $0x0  }
.LBB2_42:
.Ltmp61:
0x359: {  	(pc) =	sbr.rel .LBB2_48-.Ltmp61, $2  }
0x35a: {  	_ =	sdelay $0x2  }
0x35b: {  	s23 =	simm.s32 $0x103F0;
	p2 =	por $0x0, $0x0  }
.LBB2_53:
.Ltmp62:
0x35c: {  	(pc) =	sbr.rel .LBB2_59-.Ltmp62, $2  }
0x35d: {  	_ =	sdelay $0x2  }
0x35e: {  	s23 =	simm.s32 $0x14170;
	p4 =	por $0x0, $0x0  }
.LBB2_60:
.Ltmp63:
0x35f: {  	(pc) =	sbr.rel .LBB2_66-.Ltmp63, $2  }
0x360: {  	_ =	sdelay $0x2  }
0x361: {  	s24 =	simm.s32 $0x141F0;
	p2 =	por $0x0, $0x0  }
.LBB2_67:
.Ltmp64:
0x362: {  	(pc) =	sbr.rel .LBB2_73-.Ltmp64, $2  }
0x363: {  	_ =	sdelay $0x2  }
0x364: {  	s23 =	simm.s32 $0x14270;
	p4 =	por $0x0, $0x0  }
.LBB2_74:
.Ltmp65:
0x365: {  	(pc) =	sbr.rel .LBB2_80-.Ltmp65, $2  }
0x366: {  	_ =	sdelay $0x2  }
0x367: {  	s24 =	simm.s32 $0x142F0;
	p2 =	por $0x0, $0x0  }
.LBB2_81:
.Ltmp66:
0x368: {  	(pc) =	sbr.rel .LBB2_87-.Ltmp66, $2  }
0x369: {  	_ =	sdelay $0x2  }
0x36a: {  	s25 =	simm.s32 $0x14370;
	p4 =	por $0x0, $0x0  }
.LBB2_88:
.Ltmp67:
0x36b: {  	(pc) =	sbr.rel .LBB2_94-.Ltmp67, $2  }
0x36c: {  	_ =	sdelay $0x2  }
0x36d: {  	s23 =	simm.s32 $0x143F0;
	p2 =	por $0x0, $0x0  }
.LBB2_9:
.Ltmp68:
0x36e: {  	(pc) =	sbr.rel .LBB2_13-.Ltmp68, $2  }
0x36f: {  	_ =	sdelay $0x2  }
0x370: {  	v17 =	vmov v22;
	s23 =	simm.s32 $0x10170;
	p4 =	por $0x0, $0x0  }
.LBB2_16:
.Ltmp69:
0x371: {  	(pc) =	sbr.rel .LBB2_20-.Ltmp69, $2  }
0x372: {  	_ =	sdelay $0x2  }
0x373: {  	v13 =	vmov v17;
	s25 =	simm.s32 $0x101F0  }
.LBB2_23:
.Ltmp70:
0x374: {  	(pc) =	sbr.rel .LBB2_27-.Ltmp70, $2  }
0x375: {  	_ =	sdelay $0x2  }
0x376: {  	v17 =	vmov v22;
	s23 =	simm.s32 $0x10270;
	p4 =	por $0x0, $0x0  }
.LBB2_30:
.Ltmp71:
0x377: {  	(pc) =	sbr.rel .LBB2_34-.Ltmp71, $2  }
0x378: {  	_ =	sdelay $0x2  }
0x379: {  	v13 =	vmov v17;
	s25 =	simm.s32 $0x102F0  }
.LBB2_37:
.Ltmp72:
0x37a: {  	(pc) =	sbr.rel .LBB2_41-.Ltmp72, $2  }
0x37b: {  	_ =	sdelay $0x2  }
0x37c: {  	v17 =	vmov v22;
	s25 =	simm.s32 $0x10370;
	p4 =	por $0x0, $0x0  }
.LBB2_44:
.Ltmp73:
0x37d: {  	(pc) =	sbr.rel .LBB2_48-.Ltmp73, $2  }
0x37e: {  	_ =	sdelay $0x2  }
0x37f: {  	v12 =	vmov v17;
	s23 =	simm.s32 $0x103F0  }
.LBB2_55:
.Ltmp74:
0x380: {  	(pc) =	sbr.rel .LBB2_59-.Ltmp74, $2  }
0x381: {  	_ =	sdelay $0x2  }
0x382: {  	v17 =	vmov v22;
	s23 =	simm.s32 $0x14170;
	p4 =	por $0x0, $0x0  }
.LBB2_62:
.Ltmp75:
0x383: {  	(pc) =	sbr.rel .LBB2_66-.Ltmp75, $2  }
0x384: {  	_ =	sdelay $0x2  }
0x385: {  	v12 =	vmov v17;
	s24 =	simm.s32 $0x141F0  }
.LBB2_69:
.Ltmp76:
0x386: {  	(pc) =	sbr.rel .LBB2_73-.Ltmp76, $2  }
0x387: {  	_ =	sdelay $0x2  }
0x388: {  	v17 =	vmov v22;
	s23 =	simm.s32 $0x14270;
	p4 =	por $0x0, $0x0  }
.LBB2_76:
.Ltmp77:
0x389: {  	(pc) =	sbr.rel .LBB2_80-.Ltmp77, $2  }
0x38a: {  	_ =	sdelay $0x2  }
0x38b: {  	v12 =	vmov v17;
	s24 =	simm.s32 $0x142F0  }
.LBB2_83:
.Ltmp78:
0x38c: {  	(pc) =	sbr.rel .LBB2_87-.Ltmp78, $2  }
0x38d: {  	_ =	sdelay $0x2  }
0x38e: {  	v17 =	vmov v22;
	s25 =	simm.s32 $0x14370;
	p4 =	por $0x0, $0x0  }
.LBB2_90:
.Ltmp79:
0x38f: {  	(pc) =	sbr.rel .LBB2_94-.Ltmp79, $2  }
0x390: {  	_ =	sdelay $0x2  }
0x391: {  	v12 =	vmov v17;
	s23 =	simm.s32 $0x143F0  }
.LBB2_11:
.Ltmp80:
0x392: {  	(pc) =	sbr.rel .LBB2_13-.Ltmp80, $2  }
0x393: {  	_ =	sdelay $0x2  }
0x394: {  	s26 =	simm.s32 $0x10170  }
.LBB2_18:
.Ltmp81:
0x395: {  	(pc) =	sbr.rel .LBB2_20-.Ltmp81, $2  }
0x396: {  	_ =	sdelay $0x2  }
0x397: {  	s26 =	simm.s32 $0x101F0  }
.LBB2_25:
.Ltmp82:
0x398: {  	(pc) =	sbr.rel .LBB2_27-.Ltmp82, $2  }
0x399: {  	_ =	sdelay $0x2  }
0x39a: {  	s26 =	simm.s32 $0x10270  }
.LBB2_32:
.Ltmp83:
0x39b: {  	(pc) =	sbr.rel .LBB2_34-.Ltmp83, $2  }
0x39c: {  	_ =	sdelay $0x2  }
0x39d: {  	s26 =	simm.s32 $0x102F0  }
.LBB2_39:
.Ltmp84:
0x39e: {  	(pc) =	sbr.rel .LBB2_41-.Ltmp84, $2  }
0x39f: {  	_ =	sdelay $0x2  }
0x3a0: {  	s26 =	simm.s32 $0x10370  }
.LBB2_46:
.Ltmp85:
0x3a1: {  	(pc) =	sbr.rel .LBB2_48-.Ltmp85, $2  }
0x3a2: {  	_ =	sdelay $0x2  }
0x3a3: {  	s24 =	simm.s32 $0x103F0  }
.LBB2_57:
.Ltmp86:
0x3a4: {  	(pc) =	sbr.rel .LBB2_59-.Ltmp86, $2  }
0x3a5: {  	_ =	sdelay $0x2  }
0x3a6: {  	s26 =	simm.s32 $0x14170  }
.LBB2_64:
.Ltmp87:
0x3a7: {  	(pc) =	sbr.rel .LBB2_66-.Ltmp87, $2  }
0x3a8: {  	_ =	sdelay $0x2  }
0x3a9: {  	s25 =	simm.s32 $0x141F0  }
.LBB2_71:
.Ltmp88:
0x3aa: {  	(pc) =	sbr.rel .LBB2_73-.Ltmp88, $2  }
0x3ab: {  	_ =	sdelay $0x2  }
0x3ac: {  	s26 =	simm.s32 $0x14270  }
.LBB2_78:
.Ltmp89:
0x3ad: {  	(pc) =	sbr.rel .LBB2_80-.Ltmp89, $2  }
0x3ae: {  	_ =	sdelay $0x2  }
0x3af: {  	s25 =	simm.s32 $0x142F0  }
.LBB2_85:
.Ltmp90:
0x3b0: {  	(pc) =	sbr.rel .LBB2_87-.Ltmp90, $2  }
0x3b1: {  	_ =	sdelay $0x2  }
0x3b2: {  	s26 =	simm.s32 $0x14370  }
.LBB2_92:
.Ltmp91:
0x3b3: {  	(pc) =	sbr.rel .LBB2_94-.Ltmp91, $2  }
0x3b4: {  	_ =	sdelay $0x2  }
0x3b5: {  	s24 =	simm.s32 $0x143F0  }
.LBB2_96:
0x3b6: {  	_ =	sfence.sel $0x180000  }
0x3b7: {  	[bflag:$0x0] =	sbarrier.arrive $0xFFFF  }
0x3b8: {  	_ =	strace $0x90000047  }
0x3b9: {  	[bflag:$0x2] =	sbarrier.arrive $0xFFFF  }
0x3ba: {  	p0 =	sne.s32 s1, $0x0;
	s0 =	rddreg [dreg:$0x2]  }
0x3bb: {  	s0 =	sadd.s32 @!p0 $0x100000, s0  }
0x3bc: {  	[sflag:s0] =	ssyncadd.tile.s32 @!p0 $0x1;
	_ =	shalt  }
.Lfunc_end2:
_tile_overlayer_lowered:
.L_overlay_start_2:
0x3bd: {  	(tag) =	ssettag $0x2  }
0x3be: {  	s0 =	rddreg [dreg:$0x0];
	s2 =	stileid.u32  }
0x3bf: {  	s1 =	rddreg [dreg:$0x1];
	p0 =	sne.s32 s2, $0x0  }
0x3c0: {  	s3 =	rddreg [dreg:$0x2];
	[bflag:$0x3] =	sbarrier.arrive $0xFFFF;
	s2 =	simm.s32 @!p0 $0x1C05  }
0x3c1: {  	[timem:s3], [sflag:s2] =	dma.local @!p0 [hbm:s0], s1  }
0x3c2: {  	s0 =	simm.s32 @!p0 $0x5  }
0x3c3: {  	_ =	swait.ge @!p0 [sflag:s0], s1  }
0x3c4: {  	s1 =	ssub.s32 @!p0 $0x0, s1;
	[sflag:s0] =	ssyncset.done @!p0 $0x0  }
0x3c5: {  	[sflag:s0] =	ssyncadd.s32 @!p0 s1  }
0x3c6: {  	[bflag:$0x3] =	sbarrier.arrive $0xFFFF  }
0x3c7: {  	_ =	shalt  }

</sc_bundles>
